<compile_context>
chip_gen: v7x
topology: tpu7x:2x2x1
jax: 0.10.2.dev20260603
libtpu: 0.0.44.dev20260713+nightly
codegen_flags: <defaults>
</compile_context>

<pallas_src>
import functools
import math

import jax
import jax.numpy as jnp
from jax import lax
from jax.experimental import pallas as pl
from jax.experimental.pallas import tpu as pltpu
from jax.experimental.pallas import tpu_sc as plsc

_SMOOTHING = 0.1
_CONF = 1.0 - _SMOOTHING
_PAD = 0

_BR = 256
_BC = 3200
_L = 16
_NT = 2560
_CH = 640


def _tc_body(t_ref, c_ref, x_ref, o_ref, *, bc, sval, kconst):
    j = pl.program_id(1)
    xb = x_ref[...]
    tgt = t_ref[...]
    m = (tgt != _PAD).astype(jnp.float32)
    rs = jnp.sum(xb, axis=1, keepdims=True)
    hit = c_ref[...] == tgt
    xts = jnp.sum(jnp.where(hit, xb, 0.0), axis=1, keepdims=True)
    sj = jnp.sum(m * ((sval - _CONF) * xts - sval * rs))
    sj += jnp.where(
        j == 0, jnp.sum(m * (sval * xb[:, 0:1] + kconst)), 0.0)
    rid = jax.lax.broadcasted_iota(jnp.int32, (8, 128), 0)
    cid = jax.lax.broadcasted_iota(jnp.int32, (8, 128), 1)
    o_ref[...] = jnp.where((rid == 0) & (cid == 0), sj, 0.0)


def _tc_pass(x, tgt2d, nt, sval, kconst):
    _, v = x.shape
    br, bc = _BR, _BC
    ni = nt // br
    nj = v // bc
    call = pl.pallas_call(
        functools.partial(_tc_body, bc=bc, sval=sval, kconst=kconst),
        grid=(ni, nj),
        in_specs=[
            pl.BlockSpec((br, 1), lambda i, j: (i, 0)),
            pl.BlockSpec((1, bc), lambda i, j: (0, j)),
            pl.BlockSpec((br, bc), lambda i, j: (i, j)),
        ],
        out_specs=pl.BlockSpec((8, 128), lambda i, j: (i, j)),
        out_shape=jax.ShapeDtypeStruct((ni * 8, nj * 128), jnp.float32),
        compiler_params=pltpu.CompilerParams(
            dimension_semantics=("parallel", "parallel"),
        ),
    )
    cols = jnp.arange(v, dtype=jnp.int32)[None, :]
    return call(tgt2d, cols, x)


def _make_sc_stream(n, v, nt, nc, nw, sval, kconst):
    rows_sc = n - nt
    r_w = rows_sc // nw
    ngroups = r_w // _L
    nch = v // _CH
    assert nch % 2 == 0
    mesh = plsc.VectorSubcoreMesh(core_axis_name="c", subcore_axis_name="s")

    @functools.partial(
        pl.kernel,
        mesh=mesh,
        out_type=jax.ShapeDtypeStruct((nw, _L), jnp.float32),
        scratch_types=[
            pltpu.VMEM((_L,), jnp.int32),
            pltpu.VMEM((_L, _CH), jnp.float32),
            pltpu.VMEM((_L, _CH), jnp.float32),
            pltpu.VMEM((_L, _L), jnp.float32),
            pltpu.VMEM((_L,), jnp.float32),
            pltpu.SemaphoreType.DMA,
            pltpu.SemaphoreType.DMA,
        ],
        compiler_params=pltpu.CompilerParams(needs_layout_passes=False),
    )
    def sc_stream(x_hbm, tgt_hbm, out_hbm, tgt_v, buf0, buf1, red_v,
                  acc_v, sem0, sem1):
        wid = lax.axis_index("s") * nc + lax.axis_index("c")
        base_row = nt + wid * r_w
        i16 = lax.iota(jnp.int32, _L)
        z16 = jnp.zeros((_L,), jnp.int32)
        lane15 = z16 + 15
        total = jnp.zeros((_L,), jnp.float32)

        for g in range(ngroups):
            r0 = base_row + g * _L
            pltpu.sync_copy(tgt_hbm.at[pl.ds(r0, _L)], tgt_v)
            t16 = tgt_v[...]
            for b0, (bb, ss) in enumerate(((buf0, sem0), (buf1, sem1))):
                pltpu.async_copy(
                    x_hbm.at[pl.ds(r0, _L), pl.ds(b0 * _CH, _CH)], bb, ss)

            carry0 = tuple(jnp.zeros((_L,), jnp.float32)
                           for _ in range(_L + 2))

            def pair_body(ip, carry, *, _r0=r0, _t16=t16):
                for b, (buf, sem) in enumerate(
                        ((buf0, sem0), (buf1, sem1))):
                    ci = ip * 2 + b
                    pltpu.make_async_copy(
                        x_hbm.at[pl.ds(_r0, _L),
                                 pl.ds(ci * _CH, _CH)],
                        buf, sem).wait()

                    accs = carry[:_L]
                    xt_acc = carry[_L]
                    x0_acc = carry[_L + 1]

                    def chunk_body(k, a, *, _buf=buf):
                        off = k * (2 * _L)
                        a = tuple(
                            a[l] + _buf[l, pl.ds(off, _L)]
                            for l in range(_L)
                        )
                        return tuple(
                            a[l] + _buf[l, pl.ds(off + _L, _L)]
                            for l in range(_L)
                        )

                    accs = lax.fori_loop(
                        0, _CH // (2 * _L), chunk_body, accs)

                    civ = z16 + ci
                    rel = _t16 - civ * _CH
                    inwin = (rel >= 0) & (rel < _CH)
                    idx = jnp.clip(rel, 0, _CH - 1)
                    gath = plsc.load_gather(buf, [i16, idx])
                    xt_acc = xt_acc + jnp.where(inwin, gath, 0.0)
                    g0 = plsc.load_gather(buf, [i16, z16])
                    x0_acc = x0_acc + jnp.where(civ == 0, g0, 0.0)

                    @pl.when(ci + 2 < nch)
                    def _refill(*, _buf=buf, _sem=sem, _ci=ci):
                        pltpu.async_copy(
                            x_hbm.at[pl.ds(_r0, _L),
                                     pl.ds((_ci + 2) * _CH, _CH)],
                            _buf, _sem)

                    carry = accs + (xt_acc, x0_acc)
                return carry

            carry = lax.fori_loop(0, nch // 2, pair_body, carry0)
            for l in range(_L):
                red_v[l] = plsc.cumsum(carry[l])
            rs_all = plsc.load_gather(red_v, [i16, lane15])
            xt = carry[_L]
            x0 = carry[_L + 1]
            kl = kconst - sval * (rs_all - x0) + (sval - _CONF) * xt
            total = total + jnp.where(t16 != _PAD, kl, 0.0)

        acc_v[...] = total
        pltpu.sync_copy(acc_v, out_hbm.at[wid])

    return sc_stream


def kernel(x, target):
    n, v = x.shape
    sval = _SMOOTHING / (v - 2)
    kconst = (v - 2) * sval * math.log(sval) + _CONF * math.log(_CONF)

    info = plsc.get_sparse_core_info()
    nc = info.num_cores
    nw = nc * info.num_subcores

    tgt = target.astype(jnp.int32)
    nt = _NT
    parts_sc = _make_sc_stream(n, v, nt, nc, nw, sval, kconst)(x, tgt)
    parts_tc = _tc_pass(x, tgt[:nt, None], nt, sval, kconst)
    return jnp.sum(parts_tc) + jnp.sum(parts_sc)

# --- scband reference (transcript-rebuilt; emitter-appended) ---
"""Pipeline reference for scband-label-smoothing-84421877170537 (READ-ONLY COPY).

The authoritative reference and input builder live on the scoring server;
editing this copy changes nothing except your own understanding.
"""

import jax, jax.numpy as jnp
import numpy as np

VOCAB = 32000
PAD_IDX = 0
SMOOTHING = 0.1
CONFIDENCE = 1.0 - SMOOTHING
N = 4096

def setup_inputs(seed: int = 0) -> dict:
    key = jax.random.key(seed)
    k1, k2 = jax.random.split(key)
    x = jax.random.normal(k1, (N, VOCAB), dtype=jnp.float32)
    # x is expected to be log-probabilities for KLDivLoss; normalize via log_softmax for realism
    x = jax.nn.log_softmax(x, axis=-1)
    target = jax.random.randint(k2, (N,), 0, VOCAB, dtype=jnp.int64)
    return {"x": x, "target": target}

def reference(x, target):
    n = x.shape[0]
    # true_dist filled with smoothing mass over (V-2) classes
    true_dist = jnp.full(x.shape, SMOOTHING / (VOCAB - 2), dtype=x.dtype)
    # scatter confidence at target positions (scatter-overwrite)
    true_dist = true_dist.at[jnp.arange(n), target].set(CONFIDENCE)
    # zero out pad column
    true_dist = true_dist.at[:, PAD_IDX].set(0.0)
    # zero rows where target == pad_idx (index_fill_ with 0.0)
    pad_rows = (target == PAD_IDX)[:, None]
    true_dist = jnp.where(pad_rows, 0.0, true_dist)
    # KLDivLoss(reduction='sum'): sum over true_dist * (log(true_dist) - x),
    # with 0 * log(0) treated as 0
    kl = jnp.where(true_dist > 0, true_dist * (jnp.log(jnp.where(true_dist > 0, true_dist, 1.0)) - x), 0.0)
    return jnp.sum(kl)

if __name__ == "__main__":
    import jax
    _d = setup_inputs()
    print(jax.jit(kernel)(*tuple(_d.values())))

</pallas_src>

<mosaic_0001>
#map = affine_map<(d0, d1) -> (0, 0)>
#map1 = affine_map<(d0, d1) -> (0)>
module attributes {stable_mosaic.version = 14 : i64} {
  func.func @sc_stream(%arg0: i32, %arg1: i32, %arg2: memref<4096x32000xf32, #tpu.memory_space<hbm>>, %arg3: memref<4096xi32, #tpu.memory_space<hbm>>, %arg4: memref<32x16xf32, #tpu.memory_space<hbm>>, %arg5: memref<16xi32, #tpu.memory_space<vmem>>, %arg6: memref<16x640xf32, #tpu.memory_space<vmem>>, %arg7: memref<16x640xf32, #tpu.memory_space<vmem>>, %arg8: memref<16x16xf32, #tpu.memory_space<vmem>>, %arg9: memref<16xf32, #tpu.memory_space<vmem>>, %arg10: memref<!tpu.dma_semaphore, #tpu.memory_space<semaphore_mem>>, %arg11: memref<!tpu.dma_semaphore, #tpu.memory_space<semaphore_mem>>) attributes {dimension_semantics = [#tpu.dimension_semantics<core_parallel>, #tpu.dimension_semantics<subcore_parallel>], iteration_bounds = array<i64: 2, 16>, scalar_prefetch = 0 : i64, scratch_operands = 7 : i64, tpu.core_type = #tpu.core_type<sc_vector_subcore>, window_params = [{transform_indices = #map}, {transform_indices = #map1}, {transform_indices = #map}]} {
    %mul3A = arith.constant 2 : i32
    %mul3A_0 = arith.muli %arg1, %mul3A : i32
    %add3A = arith.addi %mul3A_0, %arg0 : i32
    %mul3A_1 = arith.constant 48 : i32
    %mul3A_2 = arith.muli %add3A, %mul3A_1 : i32
    %add3A_3 = arith.constant 2560 : i32
    %add3A_4 = arith.addi %add3A_3, %mul3A_2 : i32
    %iota3A = tpu.iota {dimensions = array<i32: 0>} : vector<16xi32>
    %broadcast_in_dim3A = arith.constant 0 : i32
    %broadcast_in_dim3A_5 = vector.broadcast %broadcast_in_dim3A : i32 to vector<16xi32>
    %add3A_6 = arith.constant 15 : i32
    %add3A_7 = vector.broadcast %add3A_6 : i32 to vector<16xi32>
    %add3A_8 = arith.addi %broadcast_in_dim3A_5, %add3A_7 : vector<16xi32>
    %broadcast_in_dim3A_9 = arith.constant 0.000000e+00 : f32
    %broadcast_in_dim3A_10 = vector.broadcast %broadcast_in_dim3A_9 : f32 to vector<16xf32>
    %add3A_11 = arith.constant 0 : i32
    %add3A_12 = arith.addi %add3A_4, %add3A_11 : i32
    "tpu.region"() ({
      %run_scoped3A = tpu.sem_alloc : memref<!tpu.dma_semaphore, #tpu.memory_space<semaphore_mem>>
      %dma_start3A_558 = tpu.memref_slice %arg3[%add3A_12] : memref<4096xi32, #tpu.memory_space<hbm>> -> memref<16xi32, #tpu.memory_space<hbm>>
      %dma_start3A_559 = tpu.memref_slice %arg3[%add3A_12] : memref<4096xi32, #tpu.memory_space<hbm>> -> memref<16xi32, #tpu.memory_space<hbm>>
      tpu.enqueue_dma source(%dma_start3A_559 : memref<16xi32, #tpu.memory_space<hbm>>) target(%arg5 : memref<16xi32, #tpu.memory_space<vmem>>) target_semaphore(%run_scoped3A : memref<!tpu.dma_semaphore, #tpu.memory_space<semaphore_mem>>)
      %dma_wait3A = tpu.memref_slice %arg3[%add3A_12] : memref<4096xi32, #tpu.memory_space<hbm>> -> memref<16xi32, #tpu.memory_space<hbm>>
      %dma_wait3A_560 = tpu.memref_slice %arg3[%add3A_12] : memref<4096xi32, #tpu.memory_space<hbm>> -> memref<16xi32, #tpu.memory_space<hbm>>
      tpu.wait_dma2 semaphore(%run_scoped3A : memref<!tpu.dma_semaphore, #tpu.memory_space<semaphore_mem>>) src(%dma_wait3A_560 : memref<16xi32, #tpu.memory_space<hbm>>) dst(%arg5 : memref<16xi32, #tpu.memory_space<vmem>>)
      tpu.yield
    }) : () -> ()
    %get3A = arith.constant 0 : index
    %get3A_13 = tpu.vector_load %arg5[%get3A] {strides = array<i32>} : memref<16xi32, #tpu.memory_space<vmem>>, vector<16xi32>,
    %dma_start3A = arith.constant 0 : i32
    %dma_start3A_14 = tpu.memref_slice %arg2[%add3A_12, %dma_start3A] : memref<4096x32000xf32, #tpu.memory_space<hbm>> -> memref<16x640xf32, #tpu.memory_space<hbm>>
    %dma_start3A_15 = arith.constant 0 : i32
    %dma_start3A_16 = tpu.memref_slice %arg2[%add3A_12, %dma_start3A_15] : memref<4096x32000xf32, #tpu.memory_space<hbm>> -> memref<16x640xf32, #tpu.memory_space<hbm>>
    tpu.enqueue_dma source(%dma_start3A_16 : memref<16x640xf32, #tpu.memory_space<hbm>>) target(%arg6 : memref<16x640xf32, #tpu.memory_space<vmem>>) target_semaphore(%arg10 : memref<!tpu.dma_semaphore, #tpu.memory_space<semaphore_mem>>)
    %dma_start3A_17 = arith.constant 640 : i32
    %dma_start3A_18 = tpu.memref_slice %arg2[%add3A_12, %dma_start3A_17] : memref<4096x32000xf32, #tpu.memory_space<hbm>> -> memref<16x640xf32, #tpu.memory_space<hbm>>
    %dma_start3A_19 = arith.constant 640 : i32
    %dma_start3A_20 = tpu.memref_slice %arg2[%add3A_12, %dma_start3A_19] : memref<4096x32000xf32, #tpu.memory_space<hbm>> -> memref<16x640xf32, #tpu.memory_space<hbm>>
    tpu.enqueue_dma source(%dma_start3A_20 : memref<16x640xf32, #tpu.memory_space<hbm>>) target(%arg7 : memref<16x640xf32, #tpu.memory_space<vmem>>) target_semaphore(%arg11 : memref<!tpu.dma_semaphore, #tpu.memory_space<semaphore_mem>>)
    %broadcast_in_dim3A_21 = arith.constant 0.000000e+00 : f32
    %broadcast_in_dim3A_22 = vector.broadcast %broadcast_in_dim3A_21 : f32 to vector<16xf32>
    %broadcast_in_dim3A_23 = arith.constant 0.000000e+00 : f32
    %broadcast_in_dim3A_24 = vector.broadcast %broadcast_in_dim3A_23 : f32 to vector<16xf32>
    %broadcast_in_dim3A_25 = arith.constant 0.000000e+00 : f32
    %broadcast_in_dim3A_26 = vector.broadcast %broadcast_in_dim3A_25 : f32 to vector<16xf32>
    %broadcast_in_dim3A_27 = arith.constant 0.000000e+00 : f32
    %broadcast_in_dim3A_28 = vector.broadcast %broadcast_in_dim3A_27 : f32 to vector<16xf32>
    %broadcast_in_dim3A_29 = arith.constant 0.000000e+00 : f32
    %broadcast_in_dim3A_30 = vector.broadcast %broadcast_in_dim3A_29 : f32 to vector<16xf32>
    %broadcast_in_dim3A_31 = arith.constant 0.000000e+00 : f32
    %broadcast_in_dim3A_32 = vector.broadcast %broadcast_in_dim3A_31 : f32 to vector<16xf32>
    %broadcast_in_dim3A_33 = arith.constant 0.000000e+00 : f32
    %broadcast_in_dim3A_34 = vector.broadcast %broadcast_in_dim3A_33 : f32 to vector<16xf32>
    %broadcast_in_dim3A_35 = arith.constant 0.000000e+00 : f32
    %broadcast_in_dim3A_36 = vector.broadcast %broadcast_in_dim3A_35 : f32 to vector<16xf32>
    %broadcast_in_dim3A_37 = arith.constant 0.000000e+00 : f32
    %broadcast_in_dim3A_38 = vector.broadcast %broadcast_in_dim3A_37 : f32 to vector<16xf32>
    %broadcast_in_dim3A_39 = arith.constant 0.000000e+00 : f32
    %broadcast_in_dim3A_40 = vector.broadcast %broadcast_in_dim3A_39 : f32 to vector<16xf32>
    %broadcast_in_dim3A_41 = arith.constant 0.000000e+00 : f32
    %broadcast_in_dim3A_42 = vector.broadcast %broadcast_in_dim3A_41 : f32 to vector<16xf32>
    %broadcast_in_dim3A_43 = arith.constant 0.000000e+00 : f32
    %broadcast_in_dim3A_44 = vector.broadcast %broadcast_in_dim3A_43 : f32 to vector<16xf32>
    %broadcast_in_dim3A_45 = arith.constant 0.000000e+00 : f32
    %broadcast_in_dim3A_46 = vector.broadcast %broadcast_in_dim3A_45 : f32 to vector<16xf32>
    %broadcast_in_dim3A_47 = arith.constant 0.000000e+00 : f32
    %broadcast_in_dim3A_48 = vector.broadcast %broadcast_in_dim3A_47 : f32 to vector<16xf32>
    %broadcast_in_dim3A_49 = arith.constant 0.000000e+00 : f32
    %broadcast_in_dim3A_50 = vector.broadcast %broadcast_in_dim3A_49 : f32 to vector<16xf32>
    %broadcast_in_dim3A_51 = arith.constant 0.000000e+00 : f32
    %broadcast_in_dim3A_52 = vector.broadcast %broadcast_in_dim3A_51 : f32 to vector<16xf32>
    %broadcast_in_dim3A_53 = arith.constant 0.000000e+00 : f32
    %broadcast_in_dim3A_54 = vector.broadcast %broadcast_in_dim3A_53 : f32 to vector<16xf32>
    %broadcast_in_dim3A_55 = arith.constant 0.000000e+00 : f32
    %broadcast_in_dim3A_56 = vector.broadcast %broadcast_in_dim3A_55 : f32 to vector<16xf32>
    %scan3A = arith.constant 0 : i32
    %scan3A_57 = arith.constant 25 : i32
    %scan3A_58 = arith.addi %scan3A, %scan3A_57 : i32
    %scan3A_59 = arith.constant 1 : i32
    %scan3A_60:18 = scf.for %scan3A_558 = %scan3A to %scan3A_58 step %scan3A_59 iter_args(%scan3A_559 = %broadcast_in_dim3A_22, %scan3A_560 = %broadcast_in_dim3A_24, %scan3A_561 = %broadcast_in_dim3A_26, %scan3A_562 = %broadcast_in_dim3A_28, %scan3A_563 = %broadcast_in_dim3A_30, %scan3A_564 = %broadcast_in_dim3A_32, %scan3A_565 = %broadcast_in_dim3A_34, %scan3A_566 = %broadcast_in_dim3A_36, %scan3A_567 = %broadcast_in_dim3A_38, %scan3A_568 = %broadcast_in_dim3A_40, %scan3A_569 = %broadcast_in_dim3A_42, %scan3A_570 = %broadcast_in_dim3A_44, %scan3A_571 = %broadcast_in_dim3A_46, %scan3A_572 = %broadcast_in_dim3A_48, %scan3A_573 = %broadcast_in_dim3A_50, %scan3A_574 = %broadcast_in_dim3A_52, %scan3A_575 = %broadcast_in_dim3A_54, %scan3A_576 = %broadcast_in_dim3A_56) -> (vector<16xf32>, vector<16xf32>, vector<16xf32>, vector<16xf32>, vector<16xf32>, vector<16xf32>, vector<16xf32>, vector<16xf32>, vector<16xf32>, vector<16xf32>, vector<16xf32>, vector<16xf32>, vector<16xf32>, vector<16xf32>, vector<16xf32>, vector<16xf32>, vector<16xf32>, vector<16xf32>)  : i32 {
      %mul3A_577 = arith.constant 2 : i32
      %mul3A_578 = arith.muli %scan3A_558, %mul3A_577 : i32
      %add3A_579 = arith.constant 0 : i32
      %add3A_580 = arith.addi %mul3A_578, %add3A_579 : i32
      %mul3A_581 = arith.constant 640 : i32
      %mul3A_582 = arith.muli %add3A_580, %mul3A_581 : i32
      %dma_wait3A = tpu.memref_slice %arg2[%add3A_12, %mul3A_582] : memref<4096x32000xf32, #tpu.memory_space<hbm>> -> memref<16x640xf32, #tpu.memory_space<hbm>>
      %dma_wait3A_583 = tpu.memref_slice %arg2[%add3A_12, %mul3A_582] : memref<4096x32000xf32, #tpu.memory_space<hbm>> -> memref<16x640xf32, #tpu.memory_space<hbm>>
      tpu.wait_dma2 semaphore(%arg10 : memref<!tpu.dma_semaphore, #tpu.memory_space<semaphore_mem>>) src(%dma_wait3A_583 : memref<16x640xf32, #tpu.memory_space<hbm>>) dst(%arg6 : memref<16x640xf32, #tpu.memory_space<vmem>>)
      %scan3A_584 = arith.constant 0 : i32
      %scan3A_585 = arith.constant 20 : i32
      %scan3A_586 = arith.addi %scan3A_584, %scan3A_585 : i32
      %scan3A_587 = arith.constant 1 : i32
      %scan3A_588:16 = scf.for %scan3A_674 = %scan3A_584 to %scan3A_586 step %scan3A_587 iter_args(%scan3A_675 = %scan3A_559, %scan3A_676 = %scan3A_560, %scan3A_677 = %scan3A_561, %scan3A_678 = %scan3A_562, %scan3A_679 = %scan3A_563, %scan3A_680 = %scan3A_564, %scan3A_681 = %scan3A_565, %scan3A_682 = %scan3A_566, %scan3A_683 = %scan3A_567, %scan3A_684 = %scan3A_568, %scan3A_685 = %scan3A_569, %scan3A_686 = %scan3A_570, %scan3A_687 = %scan3A_571, %scan3A_688 = %scan3A_572, %scan3A_689 = %scan3A_573, %scan3A_690 = %scan3A_574) -> (vector<16xf32>, vector<16xf32>, vector<16xf32>, vector<16xf32>, vector<16xf32>, vector<16xf32>, vector<16xf32>, vector<16xf32>, vector<16xf32>, vector<16xf32>, vector<16xf32>, vector<16xf32>, vector<16xf32>, vector<16xf32>, vector<16xf32>, vector<16xf32>)  : i32 {
        %mul3A_691 = arith.constant 32 : i32
        %mul3A_692 = arith.muli %scan3A_674, %mul3A_691 : i32
        %get3A_693 = arith.constant 0 : i32
        %get3A_694 = arith.index_cast %get3A_693 : i32 to index
        %get3A_695 = arith.index_cast %mul3A_692 : i32 to index
        %get3A_696 = tpu.vector_load %arg6[%get3A_694, %get3A_695] {strides = array<i32>} : memref<16x640xf32, #tpu.memory_space<vmem>>, vector<16xf32>,
        %add3A_697 = arith.addf %scan3A_675, %get3A_696 : vector<16xf32>
        %get3A_698 = arith.constant 1 : i32
        %get3A_699 = arith.index_cast %get3A_698 : i32 to index
        %get3A_700 = arith.index_cast %mul3A_692 : i32 to index
        %get3A_701 = tpu.vector_load %arg6[%get3A_699, %get3A_700] {strides = array<i32>} : memref<16x640xf32, #tpu.memory_space<vmem>>, vector<16xf32>,
        %add3A_702 = arith.addf %scan3A_676, %get3A_701 : vector<16xf32>
        %get3A_703 = arith.constant 2 : i32
        %get3A_704 = arith.index_cast %get3A_703 : i32 to index
        %get3A_705 = arith.index_cast %mul3A_692 : i32 to index
        %get3A_706 = tpu.vector_load %arg6[%get3A_704, %get3A_705] {strides = array<i32>} : memref<16x640xf32, #tpu.memory_space<vmem>>, vector<16xf32>,
        %add3A_707 = arith.addf %scan3A_677, %get3A_706 : vector<16xf32>
        %get3A_708 = arith.constant 3 : i32
        %get3A_709 = arith.index_cast %get3A_708 : i32 to index
        %get3A_710 = arith.index_cast %mul3A_692 : i32 to index
        %get3A_711 = tpu.vector_load %arg6[%get3A_709, %get3A_710] {strides = array<i32>} : memref<16x640xf32, #tpu.memory_space<vmem>>, vector<16xf32>,
        %add3A_712 = arith.addf %scan3A_678, %get3A_711 : vector<16xf32>
        %get3A_713 = arith.constant 4 : i32
        %get3A_714 = arith.index_cast %get3A_713 : i32 to index
        %get3A_715 = arith.index_cast %mul3A_692 : i32 to index
        %get3A_716 = tpu.vector_load %arg6[%get3A_714, %get3A_715] {strides = array<i32>} : memref<16x640xf32, #tpu.memory_space<vmem>>, vector<16xf32>,
        %add3A_717 = arith.addf %scan3A_679, %get3A_716 : vector<16xf32>
        %get3A_718 = arith.constant 5 : i32
        %get3A_719 = arith.index_cast %get3A_718 : i32 to index
        %get3A_720 = arith.index_cast %mul3A_692 : i32 to index
        %get3A_721 = tpu.vector_load %arg6[%get3A_719, %get3A_720] {strides = array<i32>} : memref<16x640xf32, #tpu.memory_space<vmem>>, vector<16xf32>,
        %add3A_722 = arith.addf %scan3A_680, %get3A_721 : vector<16xf32>
        %get3A_723 = arith.constant 6 : i32
        %get3A_724 = arith.index_cast %get3A_723 : i32 to index
        %get3A_725 = arith.index_cast %mul3A_692 : i32 to index
        %get3A_726 = tpu.vector_load %arg6[%get3A_724, %get3A_725] {strides = array<i32>} : memref<16x640xf32, #tpu.memory_space<vmem>>, vector<16xf32>,
        %add3A_727 = arith.addf %scan3A_681, %get3A_726 : vector<16xf32>
        %get3A_728 = arith.constant 7 : i32
        %get3A_729 = arith.index_cast %get3A_728 : i32 to index
        %get3A_730 = arith.index_cast %mul3A_692 : i32 to index
        %get3A_731 = tpu.vector_load %arg6[%get3A_729, %get3A_730] {strides = array<i32>} : memref<16x640xf32, #tpu.memory_space<vmem>>, vector<16xf32>,
        %add3A_732 = arith.addf %scan3A_682, %get3A_731 : vector<16xf32>
        %get3A_733 = arith.constant 8 : i32
        %get3A_734 = arith.index_cast %get3A_733 : i32 to index
        %get3A_735 = arith.index_cast %mul3A_692 : i32 to index
        %get3A_736 = tpu.vector_load %arg6[%get3A_734, %get3A_735] {strides = array<i32>} : memref<16x640xf32, #tpu.memory_space<vmem>>, vector<16xf32>,
        %add3A_737 = arith.addf %scan3A_683, %get3A_736 : vector<16xf32>
        %get3A_738 = arith.constant 9 : i32
        %get3A_739 = arith.index_cast %get3A_738 : i32 to index
        %get3A_740 = arith.index_cast %mul3A_692 : i32 to index
        %get3A_741 = tpu.vector_load %arg6[%get3A_739, %get3A_740] {strides = array<i32>} : memref<16x640xf32, #tpu.memory_space<vmem>>, vector<16xf32>,
        %add3A_742 = arith.addf %scan3A_684, %get3A_741 : vector<16xf32>
        %get3A_743 = arith.constant 10 : i32
        %get3A_744 = arith.index_cast %get3A_743 : i32 to index
        %get3A_745 = arith.index_cast %mul3A_692 : i32 to index
        %get3A_746 = tpu.vector_load %arg6[%get3A_744, %get3A_745] {strides = array<i32>} : memref<16x640xf32, #tpu.memory_space<vmem>>, vector<16xf32>,
        %add3A_747 = arith.addf %scan3A_685, %get3A_746 : vector<16xf32>
        %get3A_748 = arith.constant 11 : i32
        %get3A_749 = arith.index_cast %get3A_748 : i32 to index
        %get3A_750 = arith.index_cast %mul3A_692 : i32 to index
        %get3A_751 = tpu.vector_load %arg6[%get3A_749, %get3A_750] {strides = array<i32>} : memref<16x640xf32, #tpu.memory_space<vmem>>, vector<16xf32>,
        %add3A_752 = arith.addf %scan3A_686, %get3A_751 : vector<16xf32>
        %get3A_753 = arith.constant 12 : i32
        %get3A_754 = arith.index_cast %get3A_753 : i32 to index
        %get3A_755 = arith.index_cast %mul3A_692 : i32 to index
        %get3A_756 = tpu.vector_load %arg6[%get3A_754, %get3A_755] {strides = array<i32>} : memref<16x640xf32, #tpu.memory_space<vmem>>, vector<16xf32>,
        %add3A_757 = arith.addf %scan3A_687, %get3A_756 : vector<16xf32>
        %get3A_758 = arith.constant 13 : i32
        %get3A_759 = arith.index_cast %get3A_758 : i32 to index
        %get3A_760 = arith.index_cast %mul3A_692 : i32 to index
        %get3A_761 = tpu.vector_load %arg6[%get3A_759, %get3A_760] {strides = array<i32>} : memref<16x640xf32, #tpu.memory_space<vmem>>, vector<16xf32>,
        %add3A_762 = arith.addf %scan3A_688, %get3A_761 : vector<16xf32>
        %get3A_763 = arith.constant 14 : i32
        %get3A_764 = arith.index_cast %get3A_763 : i32 to index
        %get3A_765 = arith.index_cast %mul3A_692 : i32 to index
        %get3A_766 = tpu.vector_load %arg6[%get3A_764, %get3A_765] {strides = array<i32>} : memref<16x640xf32, #tpu.memory_space<vmem>>, vector<16xf32>,
        %add3A_767 = arith.addf %scan3A_689, %get3A_766 : vector<16xf32>
        %get3A_768 = arith.constant 15 : i32
        %get3A_769 = arith.index_cast %get3A_768 : i32 to index
        %get3A_770 = arith.index_cast %mul3A_692 : i32 to index
        %get3A_771 = tpu.vector_load %arg6[%get3A_769, %get3A_770] {strides = array<i32>} : memref<16x640xf32, #tpu.memory_space<vmem>>, vector<16xf32>,
        %add3A_772 = arith.addf %scan3A_690, %get3A_771 : vector<16xf32>
        %add3A_773 = arith.constant 16 : i32
        %add3A_774 = arith.addi %mul3A_692, %add3A_773 : i32
        %get3A_775 = arith.constant 0 : i32
        %get3A_776 = arith.index_cast %get3A_775 : i32 to index
        %get3A_777 = arith.index_cast %add3A_774 : i32 to index
        %get3A_778 = tpu.vector_load %arg6[%get3A_776, %get3A_777] {strides = array<i32>} : memref<16x640xf32, #tpu.memory_space<vmem>>, vector<16xf32>,
        %add3A_779 = arith.addf %add3A_697, %get3A_778 : vector<16xf32>
        %add3A_780 = arith.constant 16 : i32
        %add3A_781 = arith.addi %mul3A_692, %add3A_780 : i32
        %get3A_782 = arith.constant 1 : i32
        %get3A_783 = arith.index_cast %get3A_782 : i32 to index
        %get3A_784 = arith.index_cast %add3A_781 : i32 to index
        %get3A_785 = tpu.vector_load %arg6[%get3A_783, %get3A_784] {strides = array<i32>} : memref<16x640xf32, #tpu.memory_space<vmem>>, vector<16xf32>,
        %add3A_786 = arith.addf %add3A_702, %get3A_785 : vector<16xf32>
        %add3A_787 = arith.constant 16 : i32
        %add3A_788 = arith.addi %mul3A_692, %add3A_787 : i32
        %get3A_789 = arith.constant 2 : i32
        %get3A_790 = arith.index_cast %get3A_789 : i32 to index
        %get3A_791 = arith.index_cast %add3A_788 : i32 to index
        %get3A_792 = tpu.vector_load %arg6[%get3A_790, %get3A_791] {strides = array<i32>} : memref<16x640xf32, #tpu.memory_space<vmem>>, vector<16xf32>,
        %add3A_793 = arith.addf %add3A_707, %get3A_792 : vector<16xf32>
        %add3A_794 = arith.constant 16 : i32
        %add3A_795 = arith.addi %mul3A_692, %add3A_794 : i32
        %get3A_796 = arith.constant 3 : i32
        %get3A_797 = arith.index_cast %get3A_796 : i32 to index
        %get3A_798 = arith.index_cast %add3A_795 : i32 to index
        %get3A_799 = tpu.vector_load %arg6[%get3A_797, %get3A_798] {strides = array<i32>} : memref<16x640xf32, #tpu.memory_space<vmem>>, vector<16xf32>,
        %add3A_800 = arith.addf %add3A_712, %get3A_799 : vector<16xf32>
        %add3A_801 = arith.constant 16 : i32
        %add3A_802 = arith.addi %mul3A_692, %add3A_801 : i32
        %get3A_803 = arith.constant 4 : i32
        %get3A_804 = arith.index_cast %get3A_803 : i32 to index
        %get3A_805 = arith.index_cast %add3A_802 : i32 to index
        %get3A_806 = tpu.vector_load %arg6[%get3A_804, %get3A_805] {strides = array<i32>} : memref<16x640xf32, #tpu.memory_space<vmem>>, vector<16xf32>,
        %add3A_807 = arith.addf %add3A_717, %get3A_806 : vector<16xf32>
        %add3A_808 = arith.constant 16 : i32
        %add3A_809 = arith.addi %mul3A_692, %add3A_808 : i32
        %get3A_810 = arith.constant 5 : i32
        %get3A_811 = arith.index_cast %get3A_810 : i32 to index
        %get3A_812 = arith.index_cast %add3A_809 : i32 to index
        %get3A_813 = tpu.vector_load %arg6[%get3A_811, %get3A_812] {strides = array<i32>} : memref<16x640xf32, #tpu.memory_space<vmem>>, vector<16xf32>,
        %add3A_814 = arith.addf %add3A_722, %get3A_813 : vector<16xf32>
        %add3A_815 = arith.constant 16 : i32
        %add3A_816 = arith.addi %mul3A_692, %add3A_815 : i32
        %get3A_817 = arith.constant 6 : i32
        %get3A_818 = arith.index_cast %get3A_817 : i32 to index
        %get3A_819 = arith.index_cast %add3A_816 : i32 to index
        %get3A_820 = tpu.vector_load %arg6[%get3A_818, %get3A_819] {strides = array<i32>} : memref<16x640xf32, #tpu.memory_space<vmem>>, vector<16xf32>,
        %add3A_821 = arith.addf %add3A_727, %get3A_820 : vector<16xf32>
        %add3A_822 = arith.constant 16 : i32
        %add3A_823 = arith.addi %mul3A_692, %add3A_822 : i32
        %get3A_824 = arith.constant 7 : i32
        %get3A_825 = arith.index_cast %get3A_824 : i32 to index
        %get3A_826 = arith.index_cast %add3A_823 : i32 to index
        %get3A_827 = tpu.vector_load %arg6[%get3A_825, %get3A_826] {strides = array<i32>} : memref<16x640xf32, #tpu.memory_space<vmem>>, vector<16xf32>,
        %add3A_828 = arith.addf %add3A_732, %get3A_827 : vector<16xf32>
        %add3A_829 = arith.constant 16 : i32
        %add3A_830 = arith.addi %mul3A_692, %add3A_829 : i32
        %get3A_831 = arith.constant 8 : i32
        %get3A_832 = arith.index_cast %get3A_831 : i32 to index
        %get3A_833 = arith.index_cast %add3A_830 : i32 to index
        %get3A_834 = tpu.vector_load %arg6[%get3A_832, %get3A_833] {strides = array<i32>} : memref<16x640xf32, #tpu.memory_space<vmem>>, vector<16xf32>,
        %add3A_835 = arith.addf %add3A_737, %get3A_834 : vector<16xf32>
        %add3A_836 = arith.constant 16 : i32
        %add3A_837 = arith.addi %mul3A_692, %add3A_836 : i32
        %get3A_838 = arith.constant 9 : i32
        %get3A_839 = arith.index_cast %get3A_838 : i32 to index
        %get3A_840 = arith.index_cast %add3A_837 : i32 to index
        %get3A_841 = tpu.vector_load %arg6[%get3A_839, %get3A_840] {strides = array<i32>} : memref<16x640xf32, #tpu.memory_space<vmem>>, vector<16xf32>,
        %add3A_842 = arith.addf %add3A_742, %get3A_841 : vector<16xf32>
        %add3A_843 = arith.constant 16 : i32
        %add3A_844 = arith.addi %mul3A_692, %add3A_843 : i32
        %get3A_845 = arith.constant 10 : i32
        %get3A_846 = arith.index_cast %get3A_845 : i32 to index
        %get3A_847 = arith.index_cast %add3A_844 : i32 to index
        %get3A_848 = tpu.vector_load %arg6[%get3A_846, %get3A_847] {strides = array<i32>} : memref<16x640xf32, #tpu.memory_space<vmem>>, vector<16xf32>,
        %add3A_849 = arith.addf %add3A_747, %get3A_848 : vector<16xf32>
        %add3A_850 = arith.constant 16 : i32
        %add3A_851 = arith.addi %mul3A_692, %add3A_850 : i32
        %get3A_852 = arith.constant 11 : i32
        %get3A_853 = arith.index_cast %get3A_852 : i32 to index
        %get3A_854 = arith.index_cast %add3A_851 : i32 to index
        %get3A_855 = tpu.vector_load %arg6[%get3A_853, %get3A_854] {strides = array<i32>} : memref<16x640xf32, #tpu.memory_space<vmem>>, vector<16xf32>,
        %add3A_856 = arith.addf %add3A_752, %get3A_855 : vector<16xf32>
        %add3A_857 = arith.constant 16 : i32
        %add3A_858 = arith.addi %mul3A_692, %add3A_857 : i32
        %get3A_859 = arith.constant 12 : i32
        %get3A_860 = arith.index_cast %get3A_859 : i32 to index
        %get3A_861 = arith.index_cast %add3A_858 : i32 to index
        %get3A_862 = tpu.vector_load %arg6[%get3A_860, %get3A_861] {strides = array<i32>} : memref<16x640xf32, #tpu.memory_space<vmem>>, vector<16xf32>,
        %add3A_863 = arith.addf %add3A_757, %get3A_862 : vector<16xf32>
        %add3A_864 = arith.constant 16 : i32
        %add3A_865 = arith.addi %mul3A_692, %add3A_864 : i32
        %get3A_866 = arith.constant 13 : i32
        %get3A_867 = arith.index_cast %get3A_866 : i32 to index
        %get3A_868 = arith.index_cast %add3A_865 : i32 to index
        %get3A_869 = tpu.vector_load %arg6[%get3A_867, %get3A_868] {strides = array<i32>} : memref<16x640xf32, #tpu.memory_space<vmem>>, vector<16xf32>,
        %add3A_870 = arith.addf %add3A_762, %get3A_869 : vector<16xf32>
        %add3A_871 = arith.constant 16 : i32
        %add3A_872 = arith.addi %mul3A_692, %add3A_871 : i32
        %get3A_873 = arith.constant 14 : i32
        %get3A_874 = arith.index_cast %get3A_873 : i32 to index
        %get3A_875 = arith.index_cast %add3A_872 : i32 to index
        %get3A_876 = tpu.vector_load %arg6[%get3A_874, %get3A_875] {strides = array<i32>} : memref<16x640xf32, #tpu.memory_space<vmem>>, vector<16xf32>,
        %add3A_877 = arith.addf %add3A_767, %get3A_876 : vector<16xf32>
        %add3A_878 = arith.constant 16 : i32
        %add3A_879 = arith.addi %mul3A_692, %add3A_878 : i32
        %get3A_880 = arith.constant 15 : i32
        %get3A_881 = arith.index_cast %get3A_880 : i32 to index
        %get3A_882 = arith.index_cast %add3A_879 : i32 to index
        %get3A_883 = tpu.vector_load %arg6[%get3A_881, %get3A_882] {strides = array<i32>} : memref<16x640xf32, #tpu.memory_space<vmem>>, vector<16xf32>,
        %add3A_884 = arith.addf %add3A_772, %get3A_883 : vector<16xf32>
        scf.yield %add3A_779, %add3A_786, %add3A_793, %add3A_800, %add3A_807, %add3A_814, %add3A_821, %add3A_828, %add3A_835, %add3A_842, %add3A_849, %add3A_856, %add3A_863, %add3A_870, %add3A_877, %add3A_884 : vector<16xf32>, vector<16xf32>, vector<16xf32>, vector<16xf32>, vector<16xf32>, vector<16xf32>, vector<16xf32>, vector<16xf32>, vector<16xf32>, vector<16xf32>, vector<16xf32>, vector<16xf32>, vector<16xf32>, vector<16xf32>, vector<16xf32>, vector<16xf32>
      }
      %scan3A_589 = arith.constant 20 : i32
      %add3A_590 = vector.broadcast %add3A_580 : i32 to vector<16xi32>
      %add3A_591 = arith.addi %broadcast_in_dim3A_5, %add3A_590 : vector<16xi32>
      %mul3A_592 = arith.constant 640 : i32
      %mul3A_593 = vector.broadcast %mul3A_592 : i32 to vector<16xi32>
      %mul3A_594 = arith.muli %add3A_591, %mul3A_593 : vector<16xi32>
      %sub3A_595 = arith.subi %get3A_13, %mul3A_594 : vector<16xi32>
      %ge3A = arith.constant 0 : i32
      %ge3A_596 = vector.broadcast %ge3A : i32 to vector<16xi32>
      %ge3A_597 = arith.cmpi sge, %sub3A_595, %ge3A_596 : vector<16xi32>
      %lt3A = arith.constant 640 : i32
      %lt3A_598 = vector.broadcast %lt3A : i32 to vector<16xi32>
      %lt3A_599 = arith.cmpi slt, %sub3A_595, %lt3A_598 : vector<16xi32>
      %and3A = arith.andi %ge3A_597, %lt3A_599 : vector<16xi1>
      %jit3A_600 = arith.constant 0 : i32
      %jit3A_601 = arith.constant 639 : i32
      %max3A = vector.broadcast %jit3A_600 : i32 to vector<16xi32>
      %max3A_602 = arith.maxsi %max3A, %sub3A_595 : vector<16xi32>
      %min3A = vector.broadcast %jit3A_601 : i32 to vector<16xi32>
      %min3A_603 = arith.minsi %min3A, %max3A_602 : vector<16xi32>
      %gather3A_604 = tpu.vector_load_idx %arg6[%iota3A, %min3A_603] : memref<16x640xf32, #tpu.memory_space<vmem>>[vector<16xi32>, vector<16xi32>], vector<16xf32>,
      %jit3A_605 = arith.constant 0.000000e+00 : f32
      %broadcast_in_dim3A_606 = vector.broadcast %jit3A_605 : f32 to vector<16xf32>
      %select_n3A_607 = arith.select %and3A, %gather3A_604, %broadcast_in_dim3A_606 : vector<16xi1>, vector<16xf32>
      %add3A_608 = arith.addf %scan3A_575, %select_n3A_607 : vector<16xf32>
      %gather3A_609 = tpu.vector_load_idx %arg6[%iota3A, %broadcast_in_dim3A_5] : memref<16x640xf32, #tpu.memory_space<vmem>>[vector<16xi32>, vector<16xi32>], vector<16xf32>,
      %eq3A = arith.constant 0 : i32
      %eq3A_610 = vector.broadcast %eq3A : i32 to vector<16xi32>
      %eq3A_611 = arith.cmpi eq, %add3A_591, %eq3A_610 : vector<16xi32>
      %jit3A_612 = arith.constant 0.000000e+00 : f32
      %broadcast_in_dim3A_613 = vector.broadcast %jit3A_612 : f32 to vector<16xf32>
      %select_n3A_614 = arith.select %eq3A_611, %gather3A_609, %broadcast_in_dim3A_613 : vector<16xi1>, vector<16xf32>
      %add3A_615 = arith.addf %scan3A_576, %select_n3A_614 : vector<16xf32>
      %add3A_616 = arith.constant 2 : i32
      %add3A_617 = arith.addi %add3A_580, %add3A_616 : i32
      %lt3A_618 = arith.constant 50 : i32
      %lt3A_619 = arith.cmpi slt, %add3A_617, %lt3A_618 : i32
      %convert_element_type3A = arith.extui %lt3A_619 : i1 to i32
      %cond3A = arith.constant 0 : i32
      %cond3A_620 = arith.cmpi ne, %convert_element_type3A, %cond3A : i32
      scf.if %cond3A_620 {
        %add3A_674 = arith.constant 2 : i32
        %add3A_675 = arith.addi %add3A_580, %add3A_674 : i32
        %mul3A_676 = arith.constant 640 : i32
        %mul3A_677 = arith.muli %add3A_675, %mul3A_676 : i32
        %dma_start3A_678 = tpu.memref_slice %arg2[%add3A_12, %mul3A_677] : memref<4096x32000xf32, #tpu.memory_space<hbm>> -> memref<16x640xf32, #tpu.memory_space<hbm>>
        %dma_start3A_679 = tpu.memref_slice %arg2[%add3A_12, %mul3A_677] : memref<4096x32000xf32, #tpu.memory_space<hbm>> -> memref<16x640xf32, #tpu.memory_space<hbm>>
        tpu.enqueue_dma source(%dma_start3A_679 : memref<16x640xf32, #tpu.memory_space<hbm>>) target(%arg6 : memref<16x640xf32, #tpu.memory_space<vmem>>) target_semaphore(%arg10 : memref<!tpu.dma_semaphore, #tpu.memory_space<semaphore_mem>>)
      } else {
      }
      %mul3A_621 = arith.constant 2 : i32
      %mul3A_622 = arith.muli %scan3A_558, %mul3A_621 : i32
      %add3A_623 = arith.constant 1 : i32
      %add3A_624 = arith.addi %mul3A_622, %add3A_623 : i32
      %mul3A_625 = arith.constant 640 : i32
      %mul3A_626 = arith.muli %add3A_624, %mul3A_625 : i32
      %dma_wait3A_627 = tpu.memref_slice %arg2[%add3A_12, %mul3A_626] : memref<4096x32000xf32, #tpu.memory_space<hbm>> -> memref<16x640xf32, #tpu.memory_space<hbm>>
      %dma_wait3A_628 = tpu.memref_slice %arg2[%add3A_12, %mul3A_626] : memref<4096x32000xf32, #tpu.memory_space<hbm>> -> memref<16x640xf32, #tpu.memory_space<hbm>>
      tpu.wait_dma2 semaphore(%arg11 : memref<!tpu.dma_semaphore, #tpu.memory_space<semaphore_mem>>) src(%dma_wait3A_628 : memref<16x640xf32, #tpu.memory_space<hbm>>) dst(%arg7 : memref<16x640xf32, #tpu.memory_space<vmem>>)
      %scan3A_629 = arith.constant 0 : i32
      %scan3A_630 = arith.constant 20 : i32
      %scan3A_631 = arith.addi %scan3A_629, %scan3A_630 : i32
      %scan3A_632 = arith.constant 1 : i32
      %scan3A_633:16 = scf.for %scan3A_674 = %scan3A_629 to %scan3A_631 step %scan3A_632 iter_args(%scan3A_675 = %scan3A_588#0, %scan3A_676 = %scan3A_588#1, %scan3A_677 = %scan3A_588#2, %scan3A_678 = %scan3A_588#3, %scan3A_679 = %scan3A_588#4, %scan3A_680 = %scan3A_588#5, %scan3A_681 = %scan3A_588#6, %scan3A_682 = %scan3A_588#7, %scan3A_683 = %scan3A_588#8, %scan3A_684 = %scan3A_588#9, %scan3A_685 = %scan3A_588#10, %scan3A_686 = %scan3A_588#11, %scan3A_687 = %scan3A_588#12, %scan3A_688 = %scan3A_588#13, %scan3A_689 = %scan3A_588#14, %scan3A_690 = %scan3A_588#15) -> (vector<16xf32>, vector<16xf32>, vector<16xf32>, vector<16xf32>, vector<16xf32>, vector<16xf32>, vector<16xf32>, vector<16xf32>, vector<16xf32>, vector<16xf32>, vector<16xf32>, vector<16xf32>, vector<16xf32>, vector<16xf32>, vector<16xf32>, vector<16xf32>)  : i32 {
        %mul3A_691 = arith.constant 32 : i32
        %mul3A_692 = arith.muli %scan3A_674, %mul3A_691 : i32
        %get3A_693 = arith.constant 0 : i32
        %get3A_694 = arith.index_cast %get3A_693 : i32 to index
        %get3A_695 = arith.index_cast %mul3A_692 : i32 to index
        %get3A_696 = tpu.vector_load %arg7[%get3A_694, %get3A_695] {strides = array<i32>} : memref<16x640xf32, #tpu.memory_space<vmem>>, vector<16xf32>,
        %add3A_697 = arith.addf %scan3A_675, %get3A_696 : vector<16xf32>
        %get3A_698 = arith.constant 1 : i32
        %get3A_699 = arith.index_cast %get3A_698 : i32 to index
        %get3A_700 = arith.index_cast %mul3A_692 : i32 to index
        %get3A_701 = tpu.vector_load %arg7[%get3A_699, %get3A_700] {strides = array<i32>} : memref<16x640xf32, #tpu.memory_space<vmem>>, vector<16xf32>,
        %add3A_702 = arith.addf %scan3A_676, %get3A_701 : vector<16xf32>
        %get3A_703 = arith.constant 2 : i32
        %get3A_704 = arith.index_cast %get3A_703 : i32 to index
        %get3A_705 = arith.index_cast %mul3A_692 : i32 to index
        %get3A_706 = tpu.vector_load %arg7[%get3A_704, %get3A_705] {strides = array<i32>} : memref<16x640xf32, #tpu.memory_space<vmem>>, vector<16xf32>,
        %add3A_707 = arith.addf %scan3A_677, %get3A_706 : vector<16xf32>
        %get3A_708 = arith.constant 3 : i32
        %get3A_709 = arith.index_cast %get3A_708 : i32 to index
        %get3A_710 = arith.index_cast %mul3A_692 : i32 to index
        %get3A_711 = tpu.vector_load %arg7[%get3A_709, %get3A_710] {strides = array<i32>} : memref<16x640xf32, #tpu.memory_space<vmem>>, vector<16xf32>,
        %add3A_712 = arith.addf %scan3A_678, %get3A_711 : vector<16xf32>
        %get3A_713 = arith.constant 4 : i32
        %get3A_714 = arith.index_cast %get3A_713 : i32 to index
        %get3A_715 = arith.index_cast %mul3A_692 : i32 to index
        %get3A_716 = tpu.vector_load %arg7[%get3A_714, %get3A_715] {strides = array<i32>} : memref<16x640xf32, #tpu.memory_space<vmem>>, vector<16xf32>,
        %add3A_717 = arith.addf %scan3A_679, %get3A_716 : vector<16xf32>
        %get3A_718 = arith.constant 5 : i32
        %get3A_719 = arith.index_cast %get3A_718 : i32 to index
        %get3A_720 = arith.index_cast %mul3A_692 : i32 to index
        %get3A_721 = tpu.vector_load %arg7[%get3A_719, %get3A_720] {strides = array<i32>} : memref<16x640xf32, #tpu.memory_space<vmem>>, vector<16xf32>,
        %add3A_722 = arith.addf %scan3A_680, %get3A_721 : vector<16xf32>
        %get3A_723 = arith.constant 6 : i32
        %get3A_724 = arith.index_cast %get3A_723 : i32 to index
        %get3A_725 = arith.index_cast %mul3A_692 : i32 to index
        %get3A_726 = tpu.vector_load %arg7[%get3A_724, %get3A_725] {strides = array<i32>} : memref<16x640xf32, #tpu.memory_space<vmem>>, vector<16xf32>,
        %add3A_727 = arith.addf %scan3A_681, %get3A_726 : vector<16xf32>
        %get3A_728 = arith.constant 7 : i32
        %get3A_729 = arith.index_cast %get3A_728 : i32 to index
        %get3A_730 = arith.index_cast %mul3A_692 : i32 to index
        %get3A_731 = tpu.vector_load %arg7[%get3A_729, %get3A_730] {strides = array<i32>} : memref<16x640xf32, #tpu.memory_space<vmem>>, vector<16xf32>,
        %add3A_732 = arith.addf %scan3A_682, %get3A_731 : vector<16xf32>
        %get3A_733 = arith.constant 8 : i32
        %get3A_734 = arith.index_cast %get3A_733 : i32 to index
        %get3A_735 = arith.index_cast %mul3A_692 : i32 to index
        %get3A_736 = tpu.vector_load %arg7[%get3A_734, %get3A_735] {strides = array<i32>} : memref<16x640xf32, #tpu.memory_space<vmem>>, vector<16xf32>,
        %add3A_737 = arith.addf %scan3A_683, %get3A_736 : vector<16xf32>
        %get3A_738 = arith.constant 9 : i32
        %get3A_739 = arith.index_cast %get3A_738 : i32 to index
        %get3A_740 = arith.index_cast %mul3A_692 : i32 to index
        %get3A_741 = tpu.vector_load %arg7[%get3A_739, %get3A_740] {strides = array<i32>} : memref<16x640xf32, #tpu.memory_space<vmem>>, vector<16xf32>,
        %add3A_742 = arith.addf %scan3A_684, %get3A_741 : vector<16xf32>
        %get3A_743 = arith.constant 10 : i32
        %get3A_744 = arith.index_cast %get3A_743 : i32 to index
        %get3A_745 = arith.index_cast %mul3A_692 : i32 to index
        %get3A_746 = tpu.vector_load %arg7[%get3A_744, %get3A_745] {strides = array<i32>} : memref<16x640xf32, #tpu.memory_space<vmem>>, vector<16xf32>,
        %add3A_747 = arith.addf %scan3A_685, %get3A_746 : vector<16xf32>
        %get3A_748 = arith.constant 11 : i32
        %get3A_749 = arith.index_cast %get3A_748 : i32 to index
        %get3A_750 = arith.index_cast %mul3A_692 : i32 to index
        %get3A_751 = tpu.vector_load %arg7[%get3A_749, %get3A_750] {strides = array<i32>} : memref<16x640xf32, #tpu.memory_space<vmem>>, vector<16xf32>,
        %add3A_752 = arith.addf %scan3A_686, %get3A_751 : vector<16xf32>
        %get3A_753 = arith.constant 12 : i32
        %get3A_754 = arith.index_cast %get3A_753 : i32 to index
        %get3A_755 = arith.index_cast %mul3A_692 : i32 to index
        %get3A_756 = tpu.vector_load %arg7[%get3A_754, %get3A_755] {strides = array<i32>} : memref<16x640xf32, #tpu.memory_space<vmem>>, vector<16xf32>,
        %add3A_757 = arith.addf %scan3A_687, %get3A_756 : vector<16xf32>
        %get3A_758 = arith.constant 13 : i32
        %get3A_759 = arith.index_cast %get3A_758 : i32 to index
        %get3A_760 = arith.index_cast %mul3A_692 : i32 to index
        %get3A_761 = tpu.vector_load %arg7[%get3A_759, %get3A_760] {strides = array<i32>} : memref<16x640xf32, #tpu.memory_space<vmem>>, vector<16xf32>,
        %add3A_762 = arith.addf %scan3A_688, %get3A_761 : vector<16xf32>
        %get3A_763 = arith.constant 14 : i32
        %get3A_764 = arith.index_cast %get3A_763 : i32 to index
        %get3A_765 = arith.index_cast %mul3A_692 : i32 to index
        %get3A_766 = tpu.vector_load %arg7[%get3A_764, %get3A_765] {strides = array<i32>} : memref<16x640xf32, #tpu.memory_space<vmem>>, vector<16xf32>,
        %add3A_767 = arith.addf %scan3A_689, %get3A_766 : vector<16xf32>
        %get3A_768 = arith.constant 15 : i32
        %get3A_769 = arith.index_cast %get3A_768 : i32 to index
        %get3A_770 = arith.index_cast %mul3A_692 : i32 to index
        %get3A_771 = tpu.vector_load %arg7[%get3A_769, %get3A_770] {strides = array<i32>} : memref<16x640xf32, #tpu.memory_space<vmem>>, vector<16xf32>,
        %add3A_772 = arith.addf %scan3A_690, %get3A_771 : vector<16xf32>
        %add3A_773 = arith.constant 16 : i32
        %add3A_774 = arith.addi %mul3A_692, %add3A_773 : i32
        %get3A_775 = arith.constant 0 : i32
        %get3A_776 = arith.index_cast %get3A_775 : i32 to index
        %get3A_777 = arith.index_cast %add3A_774 : i32 to index
        %get3A_778 = tpu.vector_load %arg7[%get3A_776, %get3A_777] {strides = array<i32>} : memref<16x640xf32, #tpu.memory_space<vmem>>, vector<16xf32>,
        %add3A_779 = arith.addf %add3A_697, %get3A_778 : vector<16xf32>
        %add3A_780 = arith.constant 16 : i32
        %add3A_781 = arith.addi %mul3A_692, %add3A_780 : i32
        %get3A_782 = arith.constant 1 : i32
        %get3A_783 = arith.index_cast %get3A_782 : i32 to index
        %get3A_784 = arith.index_cast %add3A_781 : i32 to index
        %get3A_785 = tpu.vector_load %arg7[%get3A_783, %get3A_784] {strides = array<i32>} : memref<16x640xf32, #tpu.memory_space<vmem>>, vector<16xf32>,
        %add3A_786 = arith.addf %add3A_702, %get3A_785 : vector<16xf32>
        %add3A_787 = arith.constant 16 : i32
        %add3A_788 = arith.addi %mul3A_692, %add3A_787 : i32
        %get3A_789 = arith.constant 2 : i32
        %get3A_790 = arith.index_cast %get3A_789 : i32 to index
        %get3A_791 = arith.index_cast %add3A_788 : i32 to index
        %get3A_792 = tpu.vector_load %arg7[%get3A_790, %get3A_791] {strides = array<i32>} : memref<16x640xf32, #tpu.memory_space<vmem>>, vector<16xf32>,
        %add3A_793 = arith.addf %add3A_707, %get3A_792 : vector<16xf32>
        %add3A_794 = arith.constant 16 : i32
        %add3A_795 = arith.addi %mul3A_692, %add3A_794 : i32
        %get3A_796 = arith.constant 3 : i32
        %get3A_797 = arith.index_cast %get3A_796 : i32 to index
        %get3A_798 = arith.index_cast %add3A_795 : i32 to index
        %get3A_799 = tpu.vector_load %arg7[%get3A_797, %get3A_798] {strides = array<i32>} : memref<16x640xf32, #tpu.memory_space<vmem>>, vector<16xf32>,
        %add3A_800 = arith.addf %add3A_712, %get3A_799 : vector<16xf32>
        %add3A_801 = arith.constant 16 : i32
        %add3A_802 = arith.addi %mul3A_692, %add3A_801 : i32
        %get3A_803 = arith.constant 4 : i32
        %get3A_804 = arith.index_cast %get3A_803 : i32 to index
        %get3A_805 = arith.index_cast %add3A_802 : i32 to index
        %get3A_806 = tpu.vector_load %arg7[%get3A_804, %get3A_805] {strides = array<i32>} : memref<16x640xf32, #tpu.memory_space<vmem>>, vector<16xf32>,
        %add3A_807 = arith.addf %add3A_717, %get3A_806 : vector<16xf32>
        %add3A_808 = arith.constant 16 : i32
        %add3A_809 = arith.addi %mul3A_692, %add3A_808 : i32
        %get3A_810 = arith.constant 5 : i32
        %get3A_811 = arith.index_cast %get3A_810 : i32 to index
        %get3A_812 = arith.index_cast %add3A_809 : i32 to index
        %get3A_813 = tpu.vector_load %arg7[%get3A_811, %get3A_812] {strides = array<i32>} : memref<16x640xf32, #tpu.memory_space<vmem>>, vector<16xf32>,
        %add3A_814 = arith.addf %add3A_722, %get3A_813 : vector<16xf32>
        %add3A_815 = arith.constant 16 : i32
        %add3A_816 = arith.addi %mul3A_692, %add3A_815 : i32
        %get3A_817 = arith.constant 6 : i32
        %get3A_818 = arith.index_cast %get3A_817 : i32 to index
        %get3A_819 = arith.index_cast %add3A_816 : i32 to index
        %get3A_820 = tpu.vector_load %arg7[%get3A_818, %get3A_819] {strides = array<i32>} : memref<16x640xf32, #tpu.memory_space<vmem>>, vector<16xf32>,
        %add3A_821 = arith.addf %add3A_727, %get3A_820 : vector<16xf32>
        %add3A_822 = arith.constant 16 : i32
        %add3A_823 = arith.addi %mul3A_692, %add3A_822 : i32
        %get3A_824 = arith.constant 7 : i32
        %get3A_825 = arith.index_cast %get3A_824 : i32 to index
        %get3A_826 = arith.index_cast %add3A_823 : i32 to index
        %get3A_827 = tpu.vector_load %arg7[%get3A_825, %get3A_826] {strides = array<i32>} : memref<16x640xf32, #tpu.memory_space<vmem>>, vector<16xf32>,
        %add3A_828 = arith.addf %add3A_732, %get3A_827 : vector<16xf32>
        %add3A_829 = arith.constant 16 : i32
        %add3A_830 = arith.addi %mul3A_692, %add3A_829 : i32
        %get3A_831 = arith.constant 8 : i32
        %get3A_832 = arith.index_cast %get3A_831 : i32 to index
        %get3A_833 = arith.index_cast %add3A_830 : i32 to index
        %get3A_834 = tpu.vector_load %arg7[%get3A_832, %get3A_833] {strides = array<i32>} : memref<16x640xf32, #tpu.memory_space<vmem>>, vector<16xf32>,
        %add3A_835 = arith.addf %add3A_737, %get3A_834 : vector<16xf32>
        %add3A_836 = arith.constant 16 : i32
        %add3A_837 = arith.addi %mul3A_692, %add3A_836 : i32
        %get3A_838 = arith.constant 9 : i32
        %get3A_839 = arith.index_cast %get3A_838 : i32 to index
        %get3A_840 = arith.index_cast %add3A_837 : i32 to index
        %get3A_841 = tpu.vector_load %arg7[%get3A_839, %get3A_840] {strides = array<i32>} : memref<16x640xf32, #tpu.memory_space<vmem>>, vector<16xf32>,
        %add3A_842 = arith.addf %add3A_742, %get3A_841 : vector<16xf32>
        %add3A_843 = arith.constant 16 : i32
        %add3A_844 = arith.addi %mul3A_692, %add3A_843 : i32
        %get3A_845 = arith.constant 10 : i32
        %get3A_846 = arith.index_cast %get3A_845 : i32 to index
        %get3A_847 = arith.index_cast %add3A_844 : i32 to index
        %get3A_848 = tpu.vector_load %arg7[%get3A_846, %get3A_847] {strides = array<i32>} : memref<16x640xf32, #tpu.memory_space<vmem>>, vector<16xf32>,
        %add3A_849 = arith.addf %add3A_747, %get3A_848 : vector<16xf32>
        %add3A_850 = arith.constant 16 : i32
        %add3A_851 = arith.addi %mul3A_692, %add3A_850 : i32
        %get3A_852 = arith.constant 11 : i32
        %get3A_853 = arith.index_cast %get3A_852 : i32 to index
        %get3A_854 = arith.index_cast %add3A_851 : i32 to index
        %get3A_855 = tpu.vector_load %arg7[%get3A_853, %get3A_854] {strides = array<i32>} : memref<16x640xf32, #tpu.memory_space<vmem>>, vector<16xf32>,
        %add3A_856 = arith.addf %add3A_752, %get3A_855 : vector<16xf32>
        %add3A_857 = arith.constant 16 : i32
        %add3A_858 = arith.addi %mul3A_692, %add3A_857 : i32
        %get3A_859 = arith.constant 12 : i32
        %get3A_860 = arith.index_cast %get3A_859 : i32 to index
        %get3A_861 = arith.index_cast %add3A_858 : i32 to index
        %get3A_862 = tpu.vector_load %arg7[%get3A_860, %get3A_861] {strides = array<i32>} : memref<16x640xf32, #tpu.memory_space<vmem>>, vector<16xf32>,
        %add3A_863 = arith.addf %add3A_757, %get3A_862 : vector<16xf32>
        %add3A_864 = arith.constant 16 : i32
        %add3A_865 = arith.addi %mul3A_692, %add3A_864 : i32
        %get3A_866 = arith.constant 13 : i32
        %get3A_867 = arith.index_cast %get3A_866 : i32 to index
        %get3A_868 = arith.index_cast %add3A_865 : i32 to index
        %get3A_869 = tpu.vector_load %arg7[%get3A_867, %get3A_868] {strides = array<i32>} : memref<16x640xf32, #tpu.memory_space<vmem>>, vector<16xf32>,
        %add3A_870 = arith.addf %add3A_762, %get3A_869 : vector<16xf32>
        %add3A_871 = arith.constant 16 : i32
        %add3A_872 = arith.addi %mul3A_692, %add3A_871 : i32
        %get3A_873 = arith.constant 14 : i32
        %get3A_874 = arith.index_cast %get3A_873 : i32 to index
        %get3A_875 = arith.index_cast %add3A_872 : i32 to index
        %get3A_876 = tpu.vector_load %arg7[%get3A_874, %get3A_875] {strides = array<i32>} : memref<16x640xf32, #tpu.memory_space<vmem>>, vector<16xf32>,
        %add3A_877 = arith.addf %add3A_767, %get3A_876 : vector<16xf32>
        %add3A_878 = arith.constant 16 : i32
        %add3A_879 = arith.addi %mul3A_692, %add3A_878 : i32
        %get3A_880 = arith.constant 15 : i32
        %get3A_881 = arith.index_cast %get3A_880 : i32 to index
        %get3A_882 = arith.index_cast %add3A_879 : i32 to index
        %get3A_883 = tpu.vector_load %arg7[%get3A_881, %get3A_882] {strides = array<i32>} : memref<16x640xf32, #tpu.memory_space<vmem>>, vector<16xf32>,
        %add3A_884 = arith.addf %add3A_772, %get3A_883 : vector<16xf32>
        scf.yield %add3A_779, %add3A_786, %add3A_793, %add3A_800, %add3A_807, %add3A_814, %add3A_821, %add3A_828, %add3A_835, %add3A_842, %add3A_849, %add3A_856, %add3A_863, %add3A_870, %add3A_877, %add3A_884 : vector<16xf32>, vector<16xf32>, vector<16xf32>, vector<16xf32>, vector<16xf32>, vector<16xf32>, vector<16xf32>, vector<16xf32>, vector<16xf32>, vector<16xf32>, vector<16xf32>, vector<16xf32>, vector<16xf32>, vector<16xf32>, vector<16xf32>, vector<16xf32>
      }
      %scan3A_634 = arith.constant 20 : i32
      %add3A_635 = vector.broadcast %add3A_624 : i32 to vector<16xi32>
      %add3A_636 = arith.addi %broadcast_in_dim3A_5, %add3A_635 : vector<16xi32>
      %mul3A_637 = arith.constant 640 : i32
      %mul3A_638 = vector.broadcast %mul3A_637 : i32 to vector<16xi32>
      %mul3A_639 = arith.muli %add3A_636, %mul3A_638 : vector<16xi32>
      %sub3A_640 = arith.subi %get3A_13, %mul3A_639 : vector<16xi32>
      %ge3A_641 = arith.constant 0 : i32
      %ge3A_642 = vector.broadcast %ge3A_641 : i32 to vector<16xi32>
      %ge3A_643 = arith.cmpi sge, %sub3A_640, %ge3A_642 : vector<16xi32>
      %lt3A_644 = arith.constant 640 : i32
      %lt3A_645 = vector.broadcast %lt3A_644 : i32 to vector<16xi32>
      %lt3A_646 = arith.cmpi slt, %sub3A_640, %lt3A_645 : vector<16xi32>
      %and3A_647 = arith.andi %ge3A_643, %lt3A_646 : vector<16xi1>
      %jit3A_648 = arith.constant 0 : i32
      %jit3A_649 = arith.constant 639 : i32
      %max3A_650 = vector.broadcast %jit3A_648 : i32 to vector<16xi32>
      %max3A_651 = arith.maxsi %max3A_650, %sub3A_640 : vector<16xi32>
      %min3A_652 = vector.broadcast %jit3A_649 : i32 to vector<16xi32>
      %min3A_653 = arith.minsi %min3A_652, %max3A_651 : vector<16xi32>
      %gather3A_654 = tpu.vector_load_idx %arg7[%iota3A, %min3A_653] : memref<16x640xf32, #tpu.memory_space<vmem>>[vector<16xi32>, vector<16xi32>], vector<16xf32>,
      %jit3A_655 = arith.constant 0.000000e+00 : f32
      %broadcast_in_dim3A_656 = vector.broadcast %jit3A_655 : f32 to vector<16xf32>
      %select_n3A_657 = arith.select %and3A_647, %gather3A_654, %broadcast_in_dim3A_656 : vector<16xi1>, vector<16xf32>
      %add3A_658 = arith.addf %add3A_608, %select_n3A_657 : vector<16xf32>
      %gather3A_659 = tpu.vector_load_idx %arg7[%iota3A, %broadcast_in_dim3A_5] : memref<16x640xf32, #tpu.memory_space<vmem>>[vector<16xi32>, vector<16xi32>], vector<16xf32>,
      %eq3A_660 = arith.constant 0 : i32
      %eq3A_661 = vector.broadcast %eq3A_660 : i32 to vector<16xi32>
      %eq3A_662 = arith.cmpi eq, %add3A_636, %eq3A_661 : vector<16xi32>
      %jit3A_663 = arith.constant 0.000000e+00 : f32
      %broadcast_in_dim3A_664 = vector.broadcast %jit3A_663 : f32 to vector<16xf32>
      %select_n3A_665 = arith.select %eq3A_662, %gather3A_659, %broadcast_in_dim3A_664 : vector<16xi1>, vector<16xf32>
      %add3A_666 = arith.addf %add3A_615, %select_n3A_665 : vector<16xf32>
      %add3A_667 = arith.constant 2 : i32
      %add3A_668 = arith.addi %add3A_624, %add3A_667 : i32
      %lt3A_669 = arith.constant 50 : i32
      %lt3A_670 = arith.cmpi slt, %add3A_668, %lt3A_669 : i32
      %convert_element_type3A_671 = arith.extui %lt3A_670 : i1 to i32
      %cond3A_672 = arith.constant 0 : i32
      %cond3A_673 = arith.cmpi ne, %convert_element_type3A_671, %cond3A_672 : i32
      scf.if %cond3A_673 {
        %add3A_674 = arith.constant 2 : i32
        %add3A_675 = arith.addi %add3A_624, %add3A_674 : i32
        %mul3A_676 = arith.constant 640 : i32
        %mul3A_677 = arith.muli %add3A_675, %mul3A_676 : i32
        %dma_start3A_678 = tpu.memref_slice %arg2[%add3A_12, %mul3A_677] : memref<4096x32000xf32, #tpu.memory_space<hbm>> -> memref<16x640xf32, #tpu.memory_space<hbm>>
        %dma_start3A_679 = tpu.memref_slice %arg2[%add3A_12, %mul3A_677] : memref<4096x32000xf32, #tpu.memory_space<hbm>> -> memref<16x640xf32, #tpu.memory_space<hbm>>
        tpu.enqueue_dma source(%dma_start3A_679 : memref<16x640xf32, #tpu.memory_space<hbm>>) target(%arg7 : memref<16x640xf32, #tpu.memory_space<vmem>>) target_semaphore(%arg11 : memref<!tpu.dma_semaphore, #tpu.memory_space<semaphore_mem>>)
      } else {
      }
      scf.yield %scan3A_633#0, %scan3A_633#1, %scan3A_633#2, %scan3A_633#3, %scan3A_633#4, %scan3A_633#5, %scan3A_633#6, %scan3A_633#7, %scan3A_633#8, %scan3A_633#9, %scan3A_633#10, %scan3A_633#11, %scan3A_633#12, %scan3A_633#13, %scan3A_633#14, %scan3A_633#15, %add3A_658, %add3A_666 : vector<16xf32>, vector<16xf32>, vector<16xf32>, vector<16xf32>, vector<16xf32>, vector<16xf32>, vector<16xf32>, vector<16xf32>, vector<16xf32>, vector<16xf32>, vector<16xf32>, vector<16xf32>, vector<16xf32>, vector<16xf32>, vector<16xf32>, vector<16xf32>, vector<16xf32>, vector<16xf32>
    }
    %scan3A_61 = arith.constant 25 : i32
    %broadcast_in_dim3A_62 = arith.constant true
    %broadcast_in_dim3A_63 = vector.broadcast %broadcast_in_dim3A_62 : i1 to vector<16xi1>
    %masked_cumsum3A = tpu.scan <sum>, %scan3A_60#0 masked %broadcast_in_dim3A_63 : vector<16xf32>, vector<16xi1> -> vector<16xf32>
    %swap3A = arith.constant 0 : i32
    %swap3A_64 = arith.index_cast %swap3A : i32 to index
    %swap3A_65 = arith.constant 0 : index
    %swap3A_66 = tpu.vector_load %arg8[%swap3A_64, %swap3A_65] {strides = array<i32>} : memref<16x16xf32, #tpu.memory_space<vmem>>, vector<16xf32>,
    tpu.vector_store %arg8[%swap3A_64, %swap3A_65], %masked_cumsum3A {strides = array<i32>} : memref<16x16xf32, #tpu.memory_space<vmem>>, vector<16xf32>,
    %broadcast_in_dim3A_67 = arith.constant true
    %broadcast_in_dim3A_68 = vector.broadcast %broadcast_in_dim3A_67 : i1 to vector<16xi1>
    %masked_cumsum3A_69 = tpu.scan <sum>, %scan3A_60#1 masked %broadcast_in_dim3A_68 : vector<16xf32>, vector<16xi1> -> vector<16xf32>
    %swap3A_70 = arith.constant 1 : i32
    %swap3A_71 = arith.index_cast %swap3A_70 : i32 to index
    %swap3A_72 = arith.constant 0 : index
    %swap3A_73 = tpu.vector_load %arg8[%swap3A_71, %swap3A_72] {strides = array<i32>} : memref<16x16xf32, #tpu.memory_space<vmem>>, vector<16xf32>,
    tpu.vector_store %arg8[%swap3A_71, %swap3A_72], %masked_cumsum3A_69 {strides = array<i32>} : memref<16x16xf32, #tpu.memory_space<vmem>>, vector<16xf32>,
    %broadcast_in_dim3A_74 = arith.constant true
    %broadcast_in_dim3A_75 = vector.broadcast %broadcast_in_dim3A_74 : i1 to vector<16xi1>
    %masked_cumsum3A_76 = tpu.scan <sum>, %scan3A_60#2 masked %broadcast_in_dim3A_75 : vector<16xf32>, vector<16xi1> -> vector<16xf32>
    %swap3A_77 = arith.constant 2 : i32
    %swap3A_78 = arith.index_cast %swap3A_77 : i32 to index
    %swap3A_79 = arith.constant 0 : index
    %swap3A_80 = tpu.vector_load %arg8[%swap3A_78, %swap3A_79] {strides = array<i32>} : memref<16x16xf32, #tpu.memory_space<vmem>>, vector<16xf32>,
    tpu.vector_store %arg8[%swap3A_78, %swap3A_79], %masked_cumsum3A_76 {strides = array<i32>} : memref<16x16xf32, #tpu.memory_space<vmem>>, vector<16xf32>,
    %broadcast_in_dim3A_81 = arith.constant true
    %broadcast_in_dim3A_82 = vector.broadcast %broadcast_in_dim3A_81 : i1 to vector<16xi1>
    %masked_cumsum3A_83 = tpu.scan <sum>, %scan3A_60#3 masked %broadcast_in_dim3A_82 : vector<16xf32>, vector<16xi1> -> vector<16xf32>
    %swap3A_84 = arith.constant 3 : i32
    %swap3A_85 = arith.index_cast %swap3A_84 : i32 to index
    %swap3A_86 = arith.constant 0 : index
    %swap3A_87 = tpu.vector_load %arg8[%swap3A_85, %swap3A_86] {strides = array<i32>} : memref<16x16xf32, #tpu.memory_space<vmem>>, vector<16xf32>,
    tpu.vector_store %arg8[%swap3A_85, %swap3A_86], %masked_cumsum3A_83 {strides = array<i32>} : memref<16x16xf32, #tpu.memory_space<vmem>>, vector<16xf32>,
    %broadcast_in_dim3A_88 = arith.constant true
    %broadcast_in_dim3A_89 = vector.broadcast %broadcast_in_dim3A_88 : i1 to vector<16xi1>
    %masked_cumsum3A_90 = tpu.scan <sum>, %scan3A_60#4 masked %broadcast_in_dim3A_89 : vector<16xf32>, vector<16xi1> -> vector<16xf32>
    %swap3A_91 = arith.constant 4 : i32
    %swap3A_92 = arith.index_cast %swap3A_91 : i32 to index
    %swap3A_93 = arith.constant 0 : index
    %swap3A_94 = tpu.vector_load %arg8[%swap3A_92, %swap3A_93] {strides = array<i32>} : memref<16x16xf32, #tpu.memory_space<vmem>>, vector<16xf32>,
    tpu.vector_store %arg8[%swap3A_92, %swap3A_93], %masked_cumsum3A_90 {strides = array<i32>} : memref<16x16xf32, #tpu.memory_space<vmem>>, vector<16xf32>,
    %broadcast_in_dim3A_95 = arith.constant true
    %broadcast_in_dim3A_96 = vector.broadcast %broadcast_in_dim3A_95 : i1 to vector<16xi1>
    %masked_cumsum3A_97 = tpu.scan <sum>, %scan3A_60#5 masked %broadcast_in_dim3A_96 : vector<16xf32>, vector<16xi1> -> vector<16xf32>
    %swap3A_98 = arith.constant 5 : i32
    %swap3A_99 = arith.index_cast %swap3A_98 : i32 to index
    %swap3A_100 = arith.constant 0 : index
    %swap3A_101 = tpu.vector_load %arg8[%swap3A_99, %swap3A_100] {strides = array<i32>} : memref<16x16xf32, #tpu.memory_space<vmem>>, vector<16xf32>,
    tpu.vector_store %arg8[%swap3A_99, %swap3A_100], %masked_cumsum3A_97 {strides = array<i32>} : memref<16x16xf32, #tpu.memory_space<vmem>>, vector<16xf32>,
    %broadcast_in_dim3A_102 = arith.constant true
    %broadcast_in_dim3A_103 = vector.broadcast %broadcast_in_dim3A_102 : i1 to vector<16xi1>
    %masked_cumsum3A_104 = tpu.scan <sum>, %scan3A_60#6 masked %broadcast_in_dim3A_103 : vector<16xf32>, vector<16xi1> -> vector<16xf32>
    %swap3A_105 = arith.constant 6 : i32
    %swap3A_106 = arith.index_cast %swap3A_105 : i32 to index
    %swap3A_107 = arith.constant 0 : index
    %swap3A_108 = tpu.vector_load %arg8[%swap3A_106, %swap3A_107] {strides = array<i32>} : memref<16x16xf32, #tpu.memory_space<vmem>>, vector<16xf32>,
    tpu.vector_store %arg8[%swap3A_106, %swap3A_107], %masked_cumsum3A_104 {strides = array<i32>} : memref<16x16xf32, #tpu.memory_space<vmem>>, vector<16xf32>,
    %broadcast_in_dim3A_109 = arith.constant true
    %broadcast_in_dim3A_110 = vector.broadcast %broadcast_in_dim3A_109 : i1 to vector<16xi1>
    %masked_cumsum3A_111 = tpu.scan <sum>, %scan3A_60#7 masked %broadcast_in_dim3A_110 : vector<16xf32>, vector<16xi1> -> vector<16xf32>
    %swap3A_112 = arith.constant 7 : i32
    %swap3A_113 = arith.index_cast %swap3A_112 : i32 to index
    %swap3A_114 = arith.constant 0 : index
    %swap3A_115 = tpu.vector_load %arg8[%swap3A_113, %swap3A_114] {strides = array<i32>} : memref<16x16xf32, #tpu.memory_space<vmem>>, vector<16xf32>,
    tpu.vector_store %arg8[%swap3A_113, %swap3A_114], %masked_cumsum3A_111 {strides = array<i32>} : memref<16x16xf32, #tpu.memory_space<vmem>>, vector<16xf32>,
    %broadcast_in_dim3A_116 = arith.constant true
    %broadcast_in_dim3A_117 = vector.broadcast %broadcast_in_dim3A_116 : i1 to vector<16xi1>
    %masked_cumsum3A_118 = tpu.scan <sum>, %scan3A_60#8 masked %broadcast_in_dim3A_117 : vector<16xf32>, vector<16xi1> -> vector<16xf32>
    %swap3A_119 = arith.constant 8 : i32
    %swap3A_120 = arith.index_cast %swap3A_119 : i32 to index
    %swap3A_121 = arith.constant 0 : index
    %swap3A_122 = tpu.vector_load %arg8[%swap3A_120, %swap3A_121] {strides = array<i32>} : memref<16x16xf32, #tpu.memory_space<vmem>>, vector<16xf32>,
    tpu.vector_store %arg8[%swap3A_120, %swap3A_121], %masked_cumsum3A_118 {strides = array<i32>} : memref<16x16xf32, #tpu.memory_space<vmem>>, vector<16xf32>,
    %broadcast_in_dim3A_123 = arith.constant true
    %broadcast_in_dim3A_124 = vector.broadcast %broadcast_in_dim3A_123 : i1 to vector<16xi1>
    %masked_cumsum3A_125 = tpu.scan <sum>, %scan3A_60#9 masked %broadcast_in_dim3A_124 : vector<16xf32>, vector<16xi1> -> vector<16xf32>
    %swap3A_126 = arith.constant 9 : i32
    %swap3A_127 = arith.index_cast %swap3A_126 : i32 to index
    %swap3A_128 = arith.constant 0 : index
    %swap3A_129 = tpu.vector_load %arg8[%swap3A_127, %swap3A_128] {strides = array<i32>} : memref<16x16xf32, #tpu.memory_space<vmem>>, vector<16xf32>,
    tpu.vector_store %arg8[%swap3A_127, %swap3A_128], %masked_cumsum3A_125 {strides = array<i32>} : memref<16x16xf32, #tpu.memory_space<vmem>>, vector<16xf32>,
    %broadcast_in_dim3A_130 = arith.constant true
    %broadcast_in_dim3A_131 = vector.broadcast %broadcast_in_dim3A_130 : i1 to vector<16xi1>
    %masked_cumsum3A_132 = tpu.scan <sum>, %scan3A_60#10 masked %broadcast_in_dim3A_131 : vector<16xf32>, vector<16xi1> -> vector<16xf32>
    %swap3A_133 = arith.constant 10 : i32
    %swap3A_134 = arith.index_cast %swap3A_133 : i32 to index
    %swap3A_135 = arith.constant 0 : index
    %swap3A_136 = tpu.vector_load %arg8[%swap3A_134, %swap3A_135] {strides = array<i32>} : memref<16x16xf32, #tpu.memory_space<vmem>>, vector<16xf32>,
    tpu.vector_store %arg8[%swap3A_134, %swap3A_135], %masked_cumsum3A_132 {strides = array<i32>} : memref<16x16xf32, #tpu.memory_space<vmem>>, vector<16xf32>,
    %broadcast_in_dim3A_137 = arith.constant true
    %broadcast_in_dim3A_138 = vector.broadcast %broadcast_in_dim3A_137 : i1 to vector<16xi1>
    %masked_cumsum3A_139 = tpu.scan <sum>, %scan3A_60#11 masked %broadcast_in_dim3A_138 : vector<16xf32>, vector<16xi1> -> vector<16xf32>
    %swap3A_140 = arith.constant 11 : i32
    %swap3A_141 = arith.index_cast %swap3A_140 : i32 to index
    %swap3A_142 = arith.constant 0 : index
    %swap3A_143 = tpu.vector_load %arg8[%swap3A_141, %swap3A_142] {strides = array<i32>} : memref<16x16xf32, #tpu.memory_space<vmem>>, vector<16xf32>,
    tpu.vector_store %arg8[%swap3A_141, %swap3A_142], %masked_cumsum3A_139 {strides = array<i32>} : memref<16x16xf32, #tpu.memory_space<vmem>>, vector<16xf32>,
    %broadcast_in_dim3A_144 = arith.constant true
    %broadcast_in_dim3A_145 = vector.broadcast %broadcast_in_dim3A_144 : i1 to vector<16xi1>
    %masked_cumsum3A_146 = tpu.scan <sum>, %scan3A_60#12 masked %broadcast_in_dim3A_145 : vector<16xf32>, vector<16xi1> -> vector<16xf32>
    %swap3A_147 = arith.constant 12 : i32
    %swap3A_148 = arith.index_cast %swap3A_147 : i32 to index
    %swap3A_149 = arith.constant 0 : index
    %swap3A_150 = tpu.vector_load %arg8[%swap3A_148, %swap3A_149] {strides = array<i32>} : memref<16x16xf32, #tpu.memory_space<vmem>>, vector<16xf32>,
    tpu.vector_store %arg8[%swap3A_148, %swap3A_149], %masked_cumsum3A_146 {strides = array<i32>} : memref<16x16xf32, #tpu.memory_space<vmem>>, vector<16xf32>,
    %broadcast_in_dim3A_151 = arith.constant true
    %broadcast_in_dim3A_152 = vector.broadcast %broadcast_in_dim3A_151 : i1 to vector<16xi1>
    %masked_cumsum3A_153 = tpu.scan <sum>, %scan3A_60#13 masked %broadcast_in_dim3A_152 : vector<16xf32>, vector<16xi1> -> vector<16xf32>
    %swap3A_154 = arith.constant 13 : i32
    %swap3A_155 = arith.index_cast %swap3A_154 : i32 to index
    %swap3A_156 = arith.constant 0 : index
    %swap3A_157 = tpu.vector_load %arg8[%swap3A_155, %swap3A_156] {strides = array<i32>} : memref<16x16xf32, #tpu.memory_space<vmem>>, vector<16xf32>,
    tpu.vector_store %arg8[%swap3A_155, %swap3A_156], %masked_cumsum3A_153 {strides = array<i32>} : memref<16x16xf32, #tpu.memory_space<vmem>>, vector<16xf32>,
    %broadcast_in_dim3A_158 = arith.constant true
    %broadcast_in_dim3A_159 = vector.broadcast %broadcast_in_dim3A_158 : i1 to vector<16xi1>
    %masked_cumsum3A_160 = tpu.scan <sum>, %scan3A_60#14 masked %broadcast_in_dim3A_159 : vector<16xf32>, vector<16xi1> -> vector<16xf32>
    %swap3A_161 = arith.constant 14 : i32
    %swap3A_162 = arith.index_cast %swap3A_161 : i32 to index
    %swap3A_163 = arith.constant 0 : index
    %swap3A_164 = tpu.vector_load %arg8[%swap3A_162, %swap3A_163] {strides = array<i32>} : memref<16x16xf32, #tpu.memory_space<vmem>>, vector<16xf32>,
    tpu.vector_store %arg8[%swap3A_162, %swap3A_163], %masked_cumsum3A_160 {strides = array<i32>} : memref<16x16xf32, #tpu.memory_space<vmem>>, vector<16xf32>,
    %broadcast_in_dim3A_165 = arith.constant true
    %broadcast_in_dim3A_166 = vector.broadcast %broadcast_in_dim3A_165 : i1 to vector<16xi1>
    %masked_cumsum3A_167 = tpu.scan <sum>, %scan3A_60#15 masked %broadcast_in_dim3A_166 : vector<16xf32>, vector<16xi1> -> vector<16xf32>
    %swap3A_168 = arith.constant 15 : i32
    %swap3A_169 = arith.index_cast %swap3A_168 : i32 to index
    %swap3A_170 = arith.constant 0 : index
    %swap3A_171 = tpu.vector_load %arg8[%swap3A_169, %swap3A_170] {strides = array<i32>} : memref<16x16xf32, #tpu.memory_space<vmem>>, vector<16xf32>,
    tpu.vector_store %arg8[%swap3A_169, %swap3A_170], %masked_cumsum3A_167 {strides = array<i32>} : memref<16x16xf32, #tpu.memory_space<vmem>>, vector<16xf32>,
    %gather3A = tpu.vector_load_idx %arg8[%iota3A, %add3A_8] : memref<16x16xf32, #tpu.memory_space<vmem>>[vector<16xi32>, vector<16xi32>], vector<16xf32>,
    %sub3A = arith.subf %gather3A, %scan3A_60#17 : vector<16xf32>
    %mul3A_172 = arith.constant 3.12519524E-6 : f32
    %mul3A_173 = vector.broadcast %mul3A_172 : f32 to vector<16xf32>
    %mul3A_174 = arith.mulf %mul3A_173, %sub3A : vector<16xf32>
    %sub3A_175 = arith.constant -1.3624258 : f32
    %sub3A_176 = vector.broadcast %sub3A_175 : f32 to vector<16xf32>
    %sub3A_177 = arith.subf %sub3A_176, %mul3A_174 : vector<16xf32>
    %mul3A_178 = arith.constant -0.899996876 : f32
    %mul3A_179 = vector.broadcast %mul3A_178 : f32 to vector<16xf32>
    %mul3A_180 = arith.mulf %mul3A_179, %scan3A_60#16 : vector<16xf32>
    %add3A_181 = arith.addf %sub3A_177, %mul3A_180 : vector<16xf32>
    %ne3A = arith.constant 0 : i32
    %ne3A_182 = vector.broadcast %ne3A : i32 to vector<16xi32>
    %ne3A_183 = arith.cmpi ne, %get3A_13, %ne3A_182 : vector<16xi32>
    %jit3A = arith.constant 0.000000e+00 : f32
    %broadcast_in_dim3A_184 = vector.broadcast %jit3A : f32 to vector<16xf32>
    %select_n3A = arith.select %ne3A_183, %add3A_181, %broadcast_in_dim3A_184 : vector<16xi1>, vector<16xf32>
    %add3A_185 = arith.addf %broadcast_in_dim3A_10, %select_n3A : vector<16xf32>
    %add3A_186 = arith.constant 16 : i32
    %add3A_187 = arith.addi %add3A_4, %add3A_186 : i32
    "tpu.region"() ({
      %run_scoped3A = tpu.sem_alloc : memref<!tpu.dma_semaphore, #tpu.memory_space<semaphore_mem>>
      %dma_start3A_558 = tpu.memref_slice %arg3[%add3A_187] : memref<4096xi32, #tpu.memory_space<hbm>> -> memref<16xi32, #tpu.memory_space<hbm>>
      %dma_start3A_559 = tpu.memref_slice %arg3[%add3A_187] : memref<4096xi32, #tpu.memory_space<hbm>> -> memref<16xi32, #tpu.memory_space<hbm>>
      tpu.enqueue_dma source(%dma_start3A_559 : memref<16xi32, #tpu.memory_space<hbm>>) target(%arg5 : memref<16xi32, #tpu.memory_space<vmem>>) target_semaphore(%run_scoped3A : memref<!tpu.dma_semaphore, #tpu.memory_space<semaphore_mem>>)
      %dma_wait3A = tpu.memref_slice %arg3[%add3A_187] : memref<4096xi32, #tpu.memory_space<hbm>> -> memref<16xi32, #tpu.memory_space<hbm>>
      %dma_wait3A_560 = tpu.memref_slice %arg3[%add3A_187] : memref<4096xi32, #tpu.memory_space<hbm>> -> memref<16xi32, #tpu.memory_space<hbm>>
      tpu.wait_dma2 semaphore(%run_scoped3A : memref<!tpu.dma_semaphore, #tpu.memory_space<semaphore_mem>>) src(%dma_wait3A_560 : memref<16xi32, #tpu.memory_space<hbm>>) dst(%arg5 : memref<16xi32, #tpu.memory_space<vmem>>)
      tpu.yield
    }) : () -> ()
    %get3A_188 = arith.constant 0 : index
    %get3A_189 = tpu.vector_load %arg5[%get3A_188] {strides = array<i32>} : memref<16xi32, #tpu.memory_space<vmem>>, vector<16xi32>,
    %dma_start3A_190 = arith.constant 0 : i32
    %dma_start3A_191 = tpu.memref_slice %arg2[%add3A_187, %dma_start3A_190] : memref<4096x32000xf32, #tpu.memory_space<hbm>> -> memref<16x640xf32, #tpu.memory_space<hbm>>
    %dma_start3A_192 = arith.constant 0 : i32
    %dma_start3A_193 = tpu.memref_slice %arg2[%add3A_187, %dma_start3A_192] : memref<4096x32000xf32, #tpu.memory_space<hbm>> -> memref<16x640xf32, #tpu.memory_space<hbm>>
    tpu.enqueue_dma source(%dma_start3A_193 : memref<16x640xf32, #tpu.memory_space<hbm>>) target(%arg6 : memref<16x640xf32, #tpu.memory_space<vmem>>) target_semaphore(%arg10 : memref<!tpu.dma_semaphore, #tpu.memory_space<semaphore_mem>>)
    %dma_start3A_194 = arith.constant 640 : i32
    %dma_start3A_195 = tpu.memref_slice %arg2[%add3A_187, %dma_start3A_194] : memref<4096x32000xf32, #tpu.memory_space<hbm>> -> memref<16x640xf32, #tpu.memory_space<hbm>>
    %dma_start3A_196 = arith.constant 640 : i32
    %dma_start3A_197 = tpu.memref_slice %arg2[%add3A_187, %dma_start3A_196] : memref<4096x32000xf32, #tpu.memory_space<hbm>> -> memref<16x640xf32, #tpu.memory_space<hbm>>
    tpu.enqueue_dma source(%dma_start3A_197 : memref<16x640xf32, #tpu.memory_space<hbm>>) target(%arg7 : memref<16x640xf32, #tpu.memory_space<vmem>>) target_semaphore(%arg11 : memref<!tpu.dma_semaphore, #tpu.memory_space<semaphore_mem>>)
    %broadcast_in_dim3A_198 = arith.constant 0.000000e+00 : f32
    %broadcast_in_dim3A_199 = vector.broadcast %broadcast_in_dim3A_198 : f32 to vector<16xf32>
    %broadcast_in_dim3A_200 = arith.constant 0.000000e+00 : f32
    %broadcast_in_dim3A_201 = vector.broadcast %broadcast_in_dim3A_200 : f32 to vector<16xf32>
    %broadcast_in_dim3A_202 = arith.constant 0.000000e+00 : f32
    %broadcast_in_dim3A_203 = vector.broadcast %broadcast_in_dim3A_202 : f32 to vector<16xf32>
    %broadcast_in_dim3A_204 = arith.constant 0.000000e+00 : f32
    %broadcast_in_dim3A_205 = vector.broadcast %broadcast_in_dim3A_204 : f32 to vector<16xf32>
    %broadcast_in_dim3A_206 = arith.constant 0.000000e+00 : f32
    %broadcast_in_dim3A_207 = vector.broadcast %broadcast_in_dim3A_206 : f32 to vector<16xf32>
    %broadcast_in_dim3A_208 = arith.constant 0.000000e+00 : f32
    %broadcast_in_dim3A_209 = vector.broadcast %broadcast_in_dim3A_208 : f32 to vector<16xf32>
    %broadcast_in_dim3A_210 = arith.constant 0.000000e+00 : f32
    %broadcast_in_dim3A_211 = vector.broadcast %broadcast_in_dim3A_210 : f32 to vector<16xf32>
    %broadcast_in_dim3A_212 = arith.constant 0.000000e+00 : f32
    %broadcast_in_dim3A_213 = vector.broadcast %broadcast_in_dim3A_212 : f32 to vector<16xf32>
    %broadcast_in_dim3A_214 = arith.constant 0.000000e+00 : f32
    %broadcast_in_dim3A_215 = vector.broadcast %broadcast_in_dim3A_214 : f32 to vector<16xf32>
    %broadcast_in_dim3A_216 = arith.constant 0.000000e+00 : f32
    %broadcast_in_dim3A_217 = vector.broadcast %broadcast_in_dim3A_216 : f32 to vector<16xf32>
    %broadcast_in_dim3A_218 = arith.constant 0.000000e+00 : f32
    %broadcast_in_dim3A_219 = vector.broadcast %broadcast_in_dim3A_218 : f32 to vector<16xf32>
    %broadcast_in_dim3A_220 = arith.constant 0.000000e+00 : f32
    %broadcast_in_dim3A_221 = vector.broadcast %broadcast_in_dim3A_220 : f32 to vector<16xf32>
    %broadcast_in_dim3A_222 = arith.constant 0.000000e+00 : f32
    %broadcast_in_dim3A_223 = vector.broadcast %broadcast_in_dim3A_222 : f32 to vector<16xf32>
    %broadcast_in_dim3A_224 = arith.constant 0.000000e+00 : f32
    %broadcast_in_dim3A_225 = vector.broadcast %broadcast_in_dim3A_224 : f32 to vector<16xf32>
    %broadcast_in_dim3A_226 = arith.constant 0.000000e+00 : f32
    %broadcast_in_dim3A_227 = vector.broadcast %broadcast_in_dim3A_226 : f32 to vector<16xf32>
    %broadcast_in_dim3A_228 = arith.constant 0.000000e+00 : f32
    %broadcast_in_dim3A_229 = vector.broadcast %broadcast_in_dim3A_228 : f32 to vector<16xf32>
    %broadcast_in_dim3A_230 = arith.constant 0.000000e+00 : f32
    %broadcast_in_dim3A_231 = vector.broadcast %broadcast_in_dim3A_230 : f32 to vector<16xf32>
    %broadcast_in_dim3A_232 = arith.constant 0.000000e+00 : f32
    %broadcast_in_dim3A_233 = vector.broadcast %broadcast_in_dim3A_232 : f32 to vector<16xf32>
    %scan3A_234 = arith.constant 0 : i32
    %scan3A_235 = arith.constant 25 : i32
    %scan3A_236 = arith.addi %scan3A_234, %scan3A_235 : i32
    %scan3A_237 = arith.constant 1 : i32
    %scan3A_238:18 = scf.for %scan3A_558 = %scan3A_234 to %scan3A_236 step %scan3A_237 iter_args(%scan3A_559 = %broadcast_in_dim3A_199, %scan3A_560 = %broadcast_in_dim3A_201, %scan3A_561 = %broadcast_in_dim3A_203, %scan3A_562 = %broadcast_in_dim3A_205, %scan3A_563 = %broadcast_in_dim3A_207, %scan3A_564 = %broadcast_in_dim3A_209, %scan3A_565 = %broadcast_in_dim3A_211, %scan3A_566 = %broadcast_in_dim3A_213, %scan3A_567 = %broadcast_in_dim3A_215, %scan3A_568 = %broadcast_in_dim3A_217, %scan3A_569 = %broadcast_in_dim3A_219, %scan3A_570 = %broadcast_in_dim3A_221, %scan3A_571 = %broadcast_in_dim3A_223, %scan3A_572 = %broadcast_in_dim3A_225, %scan3A_573 = %broadcast_in_dim3A_227, %scan3A_574 = %broadcast_in_dim3A_229, %scan3A_575 = %broadcast_in_dim3A_231, %scan3A_576 = %broadcast_in_dim3A_233) -> (vector<16xf32>, vector<16xf32>, vector<16xf32>, vector<16xf32>, vector<16xf32>, vector<16xf32>, vector<16xf32>, vector<16xf32>, vector<16xf32>, vector<16xf32>, vector<16xf32>, vector<16xf32>, vector<16xf32>, vector<16xf32>, vector<16xf32>, vector<16xf32>, vector<16xf32>, vector<16xf32>)  : i32 {
      %mul3A_577 = arith.constant 2 : i32
      %mul3A_578 = arith.muli %scan3A_558, %mul3A_577 : i32
      %add3A_579 = arith.constant 0 : i32
      %add3A_580 = arith.addi %mul3A_578, %add3A_579 : i32
      %mul3A_581 = arith.constant 640 : i32
      %mul3A_582 = arith.muli %add3A_580, %mul3A_581 : i32
      %dma_wait3A = tpu.memref_slice %arg2[%add3A_187, %mul3A_582] : memref<4096x32000xf32, #tpu.memory_space<hbm>> -> memref<16x640xf32, #tpu.memory_space<hbm>>
      %dma_wait3A_583 = tpu.memref_slice %arg2[%add3A_187, %mul3A_582] : memref<4096x32000xf32, #tpu.memory_space<hbm>> -> memref<16x640xf32, #tpu.memory_space<hbm>>
      tpu.wait_dma2 semaphore(%arg10 : memref<!tpu.dma_semaphore, #tpu.memory_space<semaphore_mem>>) src(%dma_wait3A_583 : memref<16x640xf32, #tpu.memory_space<hbm>>) dst(%arg6 : memref<16x640xf32, #tpu.memory_space<vmem>>)
      %scan3A_584 = arith.constant 0 : i32
      %scan3A_585 = arith.constant 20 : i32
      %scan3A_586 = arith.addi %scan3A_584, %scan3A_585 : i32
      %scan3A_587 = arith.constant 1 : i32
      %scan3A_588:16 = scf.for %scan3A_674 = %scan3A_584 to %scan3A_586 step %scan3A_587 iter_args(%scan3A_675 = %scan3A_559, %scan3A_676 = %scan3A_560, %scan3A_677 = %scan3A_561, %scan3A_678 = %scan3A_562, %scan3A_679 = %scan3A_563, %scan3A_680 = %scan3A_564, %scan3A_681 = %scan3A_565, %scan3A_682 = %scan3A_566, %scan3A_683 = %scan3A_567, %scan3A_684 = %scan3A_568, %scan3A_685 = %scan3A_569, %scan3A_686 = %scan3A_570, %scan3A_687 = %scan3A_571, %scan3A_688 = %scan3A_572, %scan3A_689 = %scan3A_573, %scan3A_690 = %scan3A_574) -> (vector<16xf32>, vector<16xf32>, vector<16xf32>, vector<16xf32>, vector<16xf32>, vector<16xf32>, vector<16xf32>, vector<16xf32>, vector<16xf32>, vector<16xf32>, vector<16xf32>, vector<16xf32>, vector<16xf32>, vector<16xf32>, vector<16xf32>, vector<16xf32>)  : i32 {
        %mul3A_691 = arith.constant 32 : i32
        %mul3A_692 = arith.muli %scan3A_674, %mul3A_691 : i32
        %get3A_693 = arith.constant 0 : i32
        %get3A_694 = arith.index_cast %get3A_693 : i32 to index
        %get3A_695 = arith.index_cast %mul3A_692 : i32 to index
        %get3A_696 = tpu.vector_load %arg6[%get3A_694, %get3A_695] {strides = array<i32>} : memref<16x640xf32, #tpu.memory_space<vmem>>, vector<16xf32>,
        %add3A_697 = arith.addf %scan3A_675, %get3A_696 : vector<16xf32>
        %get3A_698 = arith.constant 1 : i32
        %get3A_699 = arith.index_cast %get3A_698 : i32 to index
        %get3A_700 = arith.index_cast %mul3A_692 : i32 to index
        %get3A_701 = tpu.vector_load %arg6[%get3A_699, %get3A_700] {strides = array<i32>} : memref<16x640xf32, #tpu.memory_space<vmem>>, vector<16xf32>,
        %add3A_702 = arith.addf %scan3A_676, %get3A_701 : vector<16xf32>
        %get3A_703 = arith.constant 2 : i32
        %get3A_704 = arith.index_cast %get3A_703 : i32 to index
        %get3A_705 = arith.index_cast %mul3A_692 : i32 to index
        %get3A_706 = tpu.vector_load %arg6[%get3A_704, %get3A_705] {strides = array<i32>} : memref<16x640xf32, #tpu.memory_space<vmem>>, vector<16xf32>,
        %add3A_707 = arith.addf %scan3A_677, %get3A_706 : vector<16xf32>
        %get3A_708 = arith.constant 3 : i32
        %get3A_709 = arith.index_cast %get3A_708 : i32 to index
        %get3A_710 = arith.index_cast %mul3A_692 : i32 to index
        %get3A_711 = tpu.vector_load %arg6[%get3A_709, %get3A_710] {strides = array<i32>} : memref<16x640xf32, #tpu.memory_space<vmem>>, vector<16xf32>,
        %add3A_712 = arith.addf %scan3A_678, %get3A_711 : vector<16xf32>
        %get3A_713 = arith.constant 4 : i32
        %get3A_714 = arith.index_cast %get3A_713 : i32 to index
        %get3A_715 = arith.index_cast %mul3A_692 : i32 to index
        %get3A_716 = tpu.vector_load %arg6[%get3A_714, %get3A_715] {strides = array<i32>} : memref<16x640xf32, #tpu.memory_space<vmem>>, vector<16xf32>,
        %add3A_717 = arith.addf %scan3A_679, %get3A_716 : vector<16xf32>
        %get3A_718 = arith.constant 5 : i32
        %get3A_719 = arith.index_cast %get3A_718 : i32 to index
        %get3A_720 = arith.index_cast %mul3A_692 : i32 to index
        %get3A_721 = tpu.vector_load %arg6[%get3A_719, %get3A_720] {strides = array<i32>} : memref<16x640xf32, #tpu.memory_space<vmem>>, vector<16xf32>,
        %add3A_722 = arith.addf %scan3A_680, %get3A_721 : vector<16xf32>
        %get3A_723 = arith.constant 6 : i32
        %get3A_724 = arith.index_cast %get3A_723 : i32 to index
        %get3A_725 = arith.index_cast %mul3A_692 : i32 to index
        %get3A_726 = tpu.vector_load %arg6[%get3A_724, %get3A_725] {strides = array<i32>} : memref<16x640xf32, #tpu.memory_space<vmem>>, vector<16xf32>,
        %add3A_727 = arith.addf %scan3A_681, %get3A_726 : vector<16xf32>
        %get3A_728 = arith.constant 7 : i32
        %get3A_729 = arith.index_cast %get3A_728 : i32 to index
        %get3A_730 = arith.index_cast %mul3A_692 : i32 to index
        %get3A_731 = tpu.vector_load %arg6[%get3A_729, %get3A_730] {strides = array<i32>} : memref<16x640xf32, #tpu.memory_space<vmem>>, vector<16xf32>,
        %add3A_732 = arith.addf %scan3A_682, %get3A_731 : vector<16xf32>
        %get3A_733 = arith.constant 8 : i32
        %get3A_734 = arith.index_cast %get3A_733 : i32 to index
        %get3A_735 = arith.index_cast %mul3A_692 : i32 to index
        %get3A_736 = tpu.vector_load %arg6[%get3A_734, %get3A_735] {strides = array<i32>} : memref<16x640xf32, #tpu.memory_space<vmem>>, vector<16xf32>,
        %add3A_737 = arith.addf %scan3A_683, %get3A_736 : vector<16xf32>
        %get3A_738 = arith.constant 9 : i32
        %get3A_739 = arith.index_cast %get3A_738 : i32 to index
        %get3A_740 = arith.index_cast %mul3A_692 : i32 to index
        %get3A_741 = tpu.vector_load %arg6[%get3A_739, %get3A_740] {strides = array<i32>} : memref<16x640xf32, #tpu.memory_space<vmem>>, vector<16xf32>,
        %add3A_742 = arith.addf %scan3A_684, %get3A_741 : vector<16xf32>
        %get3A_743 = arith.constant 10 : i32
        %get3A_744 = arith.index_cast %get3A_743 : i32 to index
        %get3A_745 = arith.index_cast %mul3A_692 : i32 to index
        %get3A_746 = tpu.vector_load %arg6[%get3A_744, %get3A_745] {strides = array<i32>} : memref<16x640xf32, #tpu.memory_space<vmem>>, vector<16xf32>,
        %add3A_747 = arith.addf %scan3A_685, %get3A_746 : vector<16xf32>
        %get3A_748 = arith.constant 11 : i32
        %get3A_749 = arith.index_cast %get3A_748 : i32 to index
        %get3A_750 = arith.index_cast %mul3A_692 : i32 to index
        %get3A_751 = tpu.vector_load %arg6[%get3A_749, %get3A_750] {strides = array<i32>} : memref<16x640xf32, #tpu.memory_space<vmem>>, vector<16xf32>,
        %add3A_752 = arith.addf %scan3A_686, %get3A_751 : vector<16xf32>
        %get3A_753 = arith.constant 12 : i32
        %get3A_754 = arith.index_cast %get3A_753 : i32 to index
        %get3A_755 = arith.index_cast %mul3A_692 : i32 to index
        %get3A_756 = tpu.vector_load %arg6[%get3A_754, %get3A_755] {strides = array<i32>} : memref<16x640xf32, #tpu.memory_space<vmem>>, vector<16xf32>,
        %add3A_757 = arith.addf %scan3A_687, %get3A_756 : vector<16xf32>
        %get3A_758 = arith.constant 13 : i32
        %get3A_759 = arith.index_cast %get3A_758 : i32 to index
        %get3A_760 = arith.index_cast %mul3A_692 : i32 to index
        %get3A_761 = tpu.vector_load %arg6[%get3A_759, %get3A_760] {strides = array<i32>} : memref<16x640xf32, #tpu.memory_space<vmem>>, vector<16xf32>,
        %add3A_762 = arith.addf %scan3A_688, %get3A_761 : vector<16xf32>
        %get3A_763 = arith.constant 14 : i32
        %get3A_764 = arith.index_cast %get3A_763 : i32 to index
        %get3A_765 = arith.index_cast %mul3A_692 : i32 to index
        %get3A_766 = tpu.vector_load %arg6[%get3A_764, %get3A_765] {strides = array<i32>} : memref<16x640xf32, #tpu.memory_space<vmem>>, vector<16xf32>,
        %add3A_767 = arith.addf %scan3A_689, %get3A_766 : vector<16xf32>
        %get3A_768 = arith.constant 15 : i32
        %get3A_769 = arith.index_cast %get3A_768 : i32 to index
        %get3A_770 = arith.index_cast %mul3A_692 : i32 to index
        %get3A_771 = tpu.vector_load %arg6[%get3A_769, %get3A_770] {strides = array<i32>} : memref<16x640xf32, #tpu.memory_space<vmem>>, vector<16xf32>,
        %add3A_772 = arith.addf %scan3A_690, %get3A_771 : vector<16xf32>
        %add3A_773 = arith.constant 16 : i32
        %add3A_774 = arith.addi %mul3A_692, %add3A_773 : i32
        %get3A_775 = arith.constant 0 : i32
        %get3A_776 = arith.index_cast %get3A_775 : i32 to index
        %get3A_777 = arith.index_cast %add3A_774 : i32 to index
        %get3A_778 = tpu.vector_load %arg6[%get3A_776, %get3A_777] {strides = array<i32>} : memref<16x640xf32, #tpu.memory_space<vmem>>, vector<16xf32>,
        %add3A_779 = arith.addf %add3A_697, %get3A_778 : vector<16xf32>
        %add3A_780 = arith.constant 16 : i32
        %add3A_781 = arith.addi %mul3A_692, %add3A_780 : i32
        %get3A_782 = arith.constant 1 : i32
        %get3A_783 = arith.index_cast %get3A_782 : i32 to index
        %get3A_784 = arith.index_cast %add3A_781 : i32 to index
        %get3A_785 = tpu.vector_load %arg6[%get3A_783, %get3A_784] {strides = array<i32>} : memref<16x640xf32, #tpu.memory_space<vmem>>, vector<16xf32>,
        %add3A_786 = arith.addf %add3A_702, %get3A_785 : vector<16xf32>
        %add3A_787 = arith.constant 16 : i32
        %add3A_788 = arith.addi %mul3A_692, %add3A_787 : i32
        %get3A_789 = arith.constant 2 : i32
        %get3A_790 = arith.index_cast %get3A_789 : i32 to index
        %get3A_791 = arith.index_cast %add3A_788 : i32 to index
        %get3A_792 = tpu.vector_load %arg6[%get3A_790, %get3A_791] {strides = array<i32>} : memref<16x640xf32, #tpu.memory_space<vmem>>, vector<16xf32>,
        %add3A_793 = arith.addf %add3A_707, %get3A_792 : vector<16xf32>
        %add3A_794 = arith.constant 16 : i32
        %add3A_795 = arith.addi %mul3A_692, %add3A_794 : i32
        %get3A_796 = arith.constant 3 : i32
        %get3A_797 = arith.index_cast %get3A_796 : i32 to index
        %get3A_798 = arith.index_cast %add3A_795 : i32 to index
        %get3A_799 = tpu.vector_load %arg6[%get3A_797, %get3A_798] {strides = array<i32>} : memref<16x640xf32, #tpu.memory_space<vmem>>, vector<16xf32>,
        %add3A_800 = arith.addf %add3A_712, %get3A_799 : vector<16xf32>
        %add3A_801 = arith.constant 16 : i32
        %add3A_802 = arith.addi %mul3A_692, %add3A_801 : i32
        %get3A_803 = arith.constant 4 : i32
        %get3A_804 = arith.index_cast %get3A_803 : i32 to index
        %get3A_805 = arith.index_cast %add3A_802 : i32 to index
        %get3A_806 = tpu.vector_load %arg6[%get3A_804, %get3A_805] {strides = array<i32>} : memref<16x640xf32, #tpu.memory_space<vmem>>, vector<16xf32>,
        %add3A_807 = arith.addf %add3A_717, %get3A_806 : vector<16xf32>
        %add3A_808 = arith.constant 16 : i32
        %add3A_809 = arith.addi %mul3A_692, %add3A_808 : i32
        %get3A_810 = arith.constant 5 : i32
        %get3A_811 = arith.index_cast %get3A_810 : i32 to index
        %get3A_812 = arith.index_cast %add3A_809 : i32 to index
        %get3A_813 = tpu.vector_load %arg6[%get3A_811, %get3A_812] {strides = array<i32>} : memref<16x640xf32, #tpu.memory_space<vmem>>, vector<16xf32>,
        %add3A_814 = arith.addf %add3A_722, %get3A_813 : vector<16xf32>
        %add3A_815 = arith.constant 16 : i32
        %add3A_816 = arith.addi %mul3A_692, %add3A_815 : i32
        %get3A_817 = arith.constant 6 : i32
        %get3A_818 = arith.index_cast %get3A_817 : i32 to index
        %get3A_819 = arith.index_cast %add3A_816 : i32 to index
        %get3A_820 = tpu.vector_load %arg6[%get3A_818, %get3A_819] {strides = array<i32>} : memref<16x640xf32, #tpu.memory_space<vmem>>, vector<16xf32>,
        %add3A_821 = arith.addf %add3A_727, %get3A_820 : vector<16xf32>
        %add3A_822 = arith.constant 16 : i32
        %add3A_823 = arith.addi %mul3A_692, %add3A_822 : i32
        %get3A_824 = arith.constant 7 : i32
        %get3A_825 = arith.index_cast %get3A_824 : i32 to index
        %get3A_826 = arith.index_cast %add3A_823 : i32 to index
        %get3A_827 = tpu.vector_load %arg6[%get3A_825, %get3A_826] {strides = array<i32>} : memref<16x640xf32, #tpu.memory_space<vmem>>, vector<16xf32>,
        %add3A_828 = arith.addf %add3A_732, %get3A_827 : vector<16xf32>
        %add3A_829 = arith.constant 16 : i32
        %add3A_830 = arith.addi %mul3A_692, %add3A_829 : i32
        %get3A_831 = arith.constant 8 : i32
        %get3A_832 = arith.index_cast %get3A_831 : i32 to index
        %get3A_833 = arith.index_cast %add3A_830 : i32 to index
        %get3A_834 = tpu.vector_load %arg6[%get3A_832, %get3A_833] {strides = array<i32>} : memref<16x640xf32, #tpu.memory_space<vmem>>, vector<16xf32>,
        %add3A_835 = arith.addf %add3A_737, %get3A_834 : vector<16xf32>
        %add3A_836 = arith.constant 16 : i32
        %add3A_837 = arith.addi %mul3A_692, %add3A_836 : i32
        %get3A_838 = arith.constant 9 : i32
        %get3A_839 = arith.index_cast %get3A_838 : i32 to index
        %get3A_840 = arith.index_cast %add3A_837 : i32 to index
        %get3A_841 = tpu.vector_load %arg6[%get3A_839, %get3A_840] {strides = array<i32>} : memref<16x640xf32, #tpu.memory_space<vmem>>, vector<16xf32>,
        %add3A_842 = arith.addf %add3A_742, %get3A_841 : vector<16xf32>
        %add3A_843 = arith.constant 16 : i32
        %add3A_844 = arith.addi %mul3A_692, %add3A_843 : i32
        %get3A_845 = arith.constant 10 : i32
        %get3A_846 = arith.index_cast %get3A_845 : i32 to index
        %get3A_847 = arith.index_cast %add3A_844 : i32 to index
        %get3A_848 = tpu.vector_load %arg6[%get3A_846, %get3A_847] {strides = array<i32>} : memref<16x640xf32, #tpu.memory_space<vmem>>, vector<16xf32>,
        %add3A_849 = arith.addf %add3A_747, %get3A_848 : vector<16xf32>
        %add3A_850 = arith.constant 16 : i32
        %add3A_851 = arith.addi %mul3A_692, %add3A_850 : i32
        %get3A_852 = arith.constant 11 : i32
        %get3A_853 = arith.index_cast %get3A_852 : i32 to index
        %get3A_854 = arith.index_cast %add3A_851 : i32 to index
        %get3A_855 = tpu.vector_load %arg6[%get3A_853, %get3A_854] {strides = array<i32>} : memref<16x640xf32, #tpu.memory_space<vmem>>, vector<16xf32>,
        %add3A_856 = arith.addf %add3A_752, %get3A_855 : vector<16xf32>
        %add3A_857 = arith.constant 16 : i32
        %add3A_858 = arith.addi %mul3A_692, %add3A_857 : i32
        %get3A_859 = arith.constant 12 : i32
        %get3A_860 = arith.index_cast %get3A_859 : i32 to index
        %get3A_861 = arith.index_cast %add3A_858 : i32 to index
        %get3A_862 = tpu.vector_load %arg6[%get3A_860, %get3A_861] {strides = array<i32>} : memref<16x640xf32, #tpu.memory_space<vmem>>, vector<16xf32>,
        %add3A_863 = arith.addf %add3A_757, %get3A_862 : vector<16xf32>
        %add3A_864 = arith.constant 16 : i32
        %add3A_865 = arith.addi %mul3A_692, %add3A_864 : i32
        %get3A_866 = arith.constant 13 : i32
        %get3A_867 = arith.index_cast %get3A_866 : i32 to index
        %get3A_868 = arith.index_cast %add3A_865 : i32 to index
        %get3A_869 = tpu.vector_load %arg6[%get3A_867, %get3A_868] {strides = array<i32>} : memref<16x640xf32, #tpu.memory_space<vmem>>, vector<16xf32>,
        %add3A_870 = arith.addf %add3A_762, %get3A_869 : vector<16xf32>
        %add3A_871 = arith.constant 16 : i32
        %add3A_872 = arith.addi %mul3A_692, %add3A_871 : i32
        %get3A_873 = arith.constant 14 : i32
        %get3A_874 = arith.index_cast %get3A_873 : i32 to index
        %get3A_875 = arith.index_cast %add3A_872 : i32 to index
        %get3A_876 = tpu.vector_load %arg6[%get3A_874, %get3A_875] {strides = array<i32>} : memref<16x640xf32, #tpu.memory_space<vmem>>, vector<16xf32>,
        %add3A_877 = arith.addf %add3A_767, %get3A_876 : vector<16xf32>
        %add3A_878 = arith.constant 16 : i32
        %add3A_879 = arith.addi %mul3A_692, %add3A_878 : i32
        %get3A_880 = arith.constant 15 : i32
        %get3A_881 = arith.index_cast %get3A_880 : i32 to index
        %get3A_882 = arith.index_cast %add3A_879 : i32 to index
        %get3A_883 = tpu.vector_load %arg6[%get3A_881, %get3A_882] {strides = array<i32>} : memref<16x640xf32, #tpu.memory_space<vmem>>, vector<16xf32>,
        %add3A_884 = arith.addf %add3A_772, %get3A_883 : vector<16xf32>
        scf.yield %add3A_779, %add3A_786, %add3A_793, %add3A_800, %add3A_807, %add3A_814, %add3A_821, %add3A_828, %add3A_835, %add3A_842, %add3A_849, %add3A_856, %add3A_863, %add3A_870, %add3A_877, %add3A_884 : vector<16xf32>, vector<16xf32>, vector<16xf32>, vector<16xf32>, vector<16xf32>, vector<16xf32>, vector<16xf32>, vector<16xf32>, vector<16xf32>, vector<16xf32>, vector<16xf32>, vector<16xf32>, vector<16xf32>, vector<16xf32>, vector<16xf32>, vector<16xf32>
      }
      %scan3A_589 = arith.constant 20 : i32
      %add3A_590 = vector.broadcast %add3A_580 : i32 to vector<16xi32>
      %add3A_591 = arith.addi %broadcast_in_dim3A_5, %add3A_590 : vector<16xi32>
      %mul3A_592 = arith.constant 640 : i32
      %mul3A_593 = vector.broadcast %mul3A_592 : i32 to vector<16xi32>
      %mul3A_594 = arith.muli %add3A_591, %mul3A_593 : vector<16xi32>
      %sub3A_595 = arith.subi %get3A_189, %mul3A_594 : vector<16xi32>
      %ge3A = arith.constant 0 : i32
      %ge3A_596 = vector.broadcast %ge3A : i32 to vector<16xi32>
      %ge3A_597 = arith.cmpi sge, %sub3A_595, %ge3A_596 : vector<16xi32>
      %lt3A = arith.constant 640 : i32
      %lt3A_598 = vector.broadcast %lt3A : i32 to vector<16xi32>
      %lt3A_599 = arith.cmpi slt, %sub3A_595, %lt3A_598 : vector<16xi32>
      %and3A = arith.andi %ge3A_597, %lt3A_599 : vector<16xi1>
      %jit3A_600 = arith.constant 0 : i32
      %jit3A_601 = arith.constant 639 : i32
      %max3A = vector.broadcast %jit3A_600 : i32 to vector<16xi32>
      %max3A_602 = arith.maxsi %max3A, %sub3A_595 : vector<16xi32>
      %min3A = vector.broadcast %jit3A_601 : i32 to vector<16xi32>
      %min3A_603 = arith.minsi %min3A, %max3A_602 : vector<16xi32>
      %gather3A_604 = tpu.vector_load_idx %arg6[%iota3A, %min3A_603] : memref<16x640xf32, #tpu.memory_space<vmem>>[vector<16xi32>, vector<16xi32>], vector<16xf32>,
      %jit3A_605 = arith.constant 0.000000e+00 : f32
      %broadcast_in_dim3A_606 = vector.broadcast %jit3A_605 : f32 to vector<16xf32>
      %select_n3A_607 = arith.select %and3A, %gather3A_604, %broadcast_in_dim3A_606 : vector<16xi1>, vector<16xf32>
      %add3A_608 = arith.addf %scan3A_575, %select_n3A_607 : vector<16xf32>
      %gather3A_609 = tpu.vector_load_idx %arg6[%iota3A, %broadcast_in_dim3A_5] : memref<16x640xf32, #tpu.memory_space<vmem>>[vector<16xi32>, vector<16xi32>], vector<16xf32>,
      %eq3A = arith.constant 0 : i32
      %eq3A_610 = vector.broadcast %eq3A : i32 to vector<16xi32>
      %eq3A_611 = arith.cmpi eq, %add3A_591, %eq3A_610 : vector<16xi32>
      %jit3A_612 = arith.constant 0.000000e+00 : f32
      %broadcast_in_dim3A_613 = vector.broadcast %jit3A_612 : f32 to vector<16xf32>
      %select_n3A_614 = arith.select %eq3A_611, %gather3A_609, %broadcast_in_dim3A_613 : vector<16xi1>, vector<16xf32>
      %add3A_615 = arith.addf %scan3A_576, %select_n3A_614 : vector<16xf32>
      %add3A_616 = arith.constant 2 : i32
      %add3A_617 = arith.addi %add3A_580, %add3A_616 : i32
      %lt3A_618 = arith.constant 50 : i32
      %lt3A_619 = arith.cmpi slt, %add3A_617, %lt3A_618 : i32
      %convert_element_type3A = arith.extui %lt3A_619 : i1 to i32
      %cond3A = arith.constant 0 : i32
      %cond3A_620 = arith.cmpi ne, %convert_element_type3A, %cond3A : i32
      scf.if %cond3A_620 {
        %add3A_674 = arith.constant 2 : i32
        %add3A_675 = arith.addi %add3A_580, %add3A_674 : i32
        %mul3A_676 = arith.constant 640 : i32
        %mul3A_677 = arith.muli %add3A_675, %mul3A_676 : i32
        %dma_start3A_678 = tpu.memref_slice %arg2[%add3A_187, %mul3A_677] : memref<4096x32000xf32, #tpu.memory_space<hbm>> -> memref<16x640xf32, #tpu.memory_space<hbm>>
        %dma_start3A_679 = tpu.memref_slice %arg2[%add3A_187, %mul3A_677] : memref<4096x32000xf32, #tpu.memory_space<hbm>> -> memref<16x640xf32, #tpu.memory_space<hbm>>
        tpu.enqueue_dma source(%dma_start3A_679 : memref<16x640xf32, #tpu.memory_space<hbm>>) target(%arg6 : memref<16x640xf32, #tpu.memory_space<vmem>>) target_semaphore(%arg10 : memref<!tpu.dma_semaphore, #tpu.memory_space<semaphore_mem>>)
      } else {
      }
      %mul3A_621 = arith.constant 2 : i32
      %mul3A_622 = arith.muli %scan3A_558, %mul3A_621 : i32
      %add3A_623 = arith.constant 1 : i32
      %add3A_624 = arith.addi %mul3A_622, %add3A_623 : i32
      %mul3A_625 = arith.constant 640 : i32
      %mul3A_626 = arith.muli %add3A_624, %mul3A_625 : i32
      %dma_wait3A_627 = tpu.memref_slice %arg2[%add3A_187, %mul3A_626] : memref<4096x32000xf32, #tpu.memory_space<hbm>> -> memref<16x640xf32, #tpu.memory_space<hbm>>
      %dma_wait3A_628 = tpu.memref_slice %arg2[%add3A_187, %mul3A_626] : memref<4096x32000xf32, #tpu.memory_space<hbm>> -> memref<16x640xf32, #tpu.memory_space<hbm>>
      tpu.wait_dma2 semaphore(%arg11 : memref<!tpu.dma_semaphore, #tpu.memory_space<semaphore_mem>>) src(%dma_wait3A_628 : memref<16x640xf32, #tpu.memory_space<hbm>>) dst(%arg7 : memref<16x640xf32, #tpu.memory_space<vmem>>)
      %scan3A_629 = arith.constant 0 : i32
      %scan3A_630 = arith.constant 20 : i32
      %scan3A_631 = arith.addi %scan3A_629, %scan3A_630 : i32
      %scan3A_632 = arith.constant 1 : i32
      %scan3A_633:16 = scf.for %scan3A_674 = %scan3A_629 to %scan3A_631 step %scan3A_632 iter_args(%scan3A_675 = %scan3A_588#0, %scan3A_676 = %scan3A_588#1, %scan3A_677 = %scan3A_588#2, %scan3A_678 = %scan3A_588#3, %scan3A_679 = %scan3A_588#4, %scan3A_680 = %scan3A_588#5, %scan3A_681 = %scan3A_588#6, %scan3A_682 = %scan3A_588#7, %scan3A_683 = %scan3A_588#8, %scan3A_684 = %scan3A_588#9, %scan3A_685 = %scan3A_588#10, %scan3A_686 = %scan3A_588#11, %scan3A_687 = %scan3A_588#12, %scan3A_688 = %scan3A_588#13, %scan3A_689 = %scan3A_588#14, %scan3A_690 = %scan3A_588#15) -> (vector<16xf32>, vector<16xf32>, vector<16xf32>, vector<16xf32>, vector<16xf32>, vector<16xf32>, vector<16xf32>, vector<16xf32>, vector<16xf32>, vector<16xf32>, vector<16xf32>, vector<16xf32>, vector<16xf32>, vector<16xf32>, vector<16xf32>, vector<16xf32>)  : i32 {
        %mul3A_691 = arith.constant 32 : i32
        %mul3A_692 = arith.muli %scan3A_674, %mul3A_691 : i32
        %get3A_693 = arith.constant 0 : i32
        %get3A_694 = arith.index_cast %get3A_693 : i32 to index
        %get3A_695 = arith.index_cast %mul3A_692 : i32 to index
        %get3A_696 = tpu.vector_load %arg7[%get3A_694, %get3A_695] {strides = array<i32>} : memref<16x640xf32, #tpu.memory_space<vmem>>, vector<16xf32>,
        %add3A_697 = arith.addf %scan3A_675, %get3A_696 : vector<16xf32>
        %get3A_698 = arith.constant 1 : i32
        %get3A_699 = arith.index_cast %get3A_698 : i32 to index
        %get3A_700 = arith.index_cast %mul3A_692 : i32 to index
        %get3A_701 = tpu.vector_load %arg7[%get3A_699, %get3A_700] {strides = array<i32>} : memref<16x640xf32, #tpu.memory_space<vmem>>, vector<16xf32>,
        %add3A_702 = arith.addf %scan3A_676, %get3A_701 : vector<16xf32>
        %get3A_703 = arith.constant 2 : i32
        %get3A_704 = arith.index_cast %get3A_703 : i32 to index
        %get3A_705 = arith.index_cast %mul3A_692 : i32 to index
        %get3A_706 = tpu.vector_load %arg7[%get3A_704, %get3A_705] {strides = array<i32>} : memref<16x640xf32, #tpu.memory_space<vmem>>, vector<16xf32>,
        %add3A_707 = arith.addf %scan3A_677, %get3A_706 : vector<16xf32>
        %get3A_708 = arith.constant 3 : i32
        %get3A_709 = arith.index_cast %get3A_708 : i32 to index
        %get3A_710 = arith.index_cast %mul3A_692 : i32 to index
        %get3A_711 = tpu.vector_load %arg7[%get3A_709, %get3A_710] {strides = array<i32>} : memref<16x640xf32, #tpu.memory_space<vmem>>, vector<16xf32>,
        %add3A_712 = arith.addf %scan3A_678, %get3A_711 : vector<16xf32>
        %get3A_713 = arith.constant 4 : i32
        %get3A_714 = arith.index_cast %get3A_713 : i32 to index
        %get3A_715 = arith.index_cast %mul3A_692 : i32 to index
        %get3A_716 = tpu.vector_load %arg7[%get3A_714, %get3A_715] {strides = array<i32>} : memref<16x640xf32, #tpu.memory_space<vmem>>, vector<16xf32>,
        %add3A_717 = arith.addf %scan3A_679, %get3A_716 : vector<16xf32>
        %get3A_718 = arith.constant 5 : i32
        %get3A_719 = arith.index_cast %get3A_718 : i32 to index
        %get3A_720 = arith.index_cast %mul3A_692 : i32 to index
        %get3A_721 = tpu.vector_load %arg7[%get3A_719, %get3A_720] {strides = array<i32>} : memref<16x640xf32, #tpu.memory_space<vmem>>, vector<16xf32>,
        %add3A_722 = arith.addf %scan3A_680, %get3A_721 : vector<16xf32>
        %get3A_723 = arith.constant 6 : i32
        %get3A_724 = arith.index_cast %get3A_723 : i32 to index
        %get3A_725 = arith.index_cast %mul3A_692 : i32 to index
        %get3A_726 = tpu.vector_load %arg7[%get3A_724, %get3A_725] {strides = array<i32>} : memref<16x640xf32, #tpu.memory_space<vmem>>, vector<16xf32>,
        %add3A_727 = arith.addf %scan3A_681, %get3A_726 : vector<16xf32>
        %get3A_728 = arith.constant 7 : i32
        %get3A_729 = arith.index_cast %get3A_728 : i32 to index
        %get3A_730 = arith.index_cast %mul3A_692 : i32 to index
        %get3A_731 = tpu.vector_load %arg7[%get3A_729, %get3A_730] {strides = array<i32>} : memref<16x640xf32, #tpu.memory_space<vmem>>, vector<16xf32>,
        %add3A_732 = arith.addf %scan3A_682, %get3A_731 : vector<16xf32>
        %get3A_733 = arith.constant 8 : i32
        %get3A_734 = arith.index_cast %get3A_733 : i32 to index
        %get3A_735 = arith.index_cast %mul3A_692 : i32 to index
        %get3A_736 = tpu.vector_load %arg7[%get3A_734, %get3A_735] {strides = array<i32>} : memref<16x640xf32, #tpu.memory_space<vmem>>, vector<16xf32>,
        %add3A_737 = arith.addf %scan3A_683, %get3A_736 : vector<16xf32>
        %get3A_738 = arith.constant 9 : i32
        %get3A_739 = arith.index_cast %get3A_738 : i32 to index
        %get3A_740 = arith.index_cast %mul3A_692 : i32 to index
        %get3A_741 = tpu.vector_load %arg7[%get3A_739, %get3A_740] {strides = array<i32>} : memref<16x640xf32, #tpu.memory_space<vmem>>, vector<16xf32>,
        %add3A_742 = arith.addf %scan3A_684, %get3A_741 : vector<16xf32>
        %get3A_743 = arith.constant 10 : i32
        %get3A_744 = arith.index_cast %get3A_743 : i32 to index
        %get3A_745 = arith.index_cast %mul3A_692 : i32 to index
        %get3A_746 = tpu.vector_load %arg7[%get3A_744, %get3A_745] {strides = array<i32>} : memref<16x640xf32, #tpu.memory_space<vmem>>, vector<16xf32>,
        %add3A_747 = arith.addf %scan3A_685, %get3A_746 : vector<16xf32>
        %get3A_748 = arith.constant 11 : i32
        %get3A_749 = arith.index_cast %get3A_748 : i32 to index
        %get3A_750 = arith.index_cast %mul3A_692 : i32 to index
        %get3A_751 = tpu.vector_load %arg7[%get3A_749, %get3A_750] {strides = array<i32>} : memref<16x640xf32, #tpu.memory_space<vmem>>, vector<16xf32>,
        %add3A_752 = arith.addf %scan3A_686, %get3A_751 : vector<16xf32>
        %get3A_753 = arith.constant 12 : i32
        %get3A_754 = arith.index_cast %get3A_753 : i32 to index
        %get3A_755 = arith.index_cast %mul3A_692 : i32 to index
        %get3A_756 = tpu.vector_load %arg7[%get3A_754, %get3A_755] {strides = array<i32>} : memref<16x640xf32, #tpu.memory_space<vmem>>, vector<16xf32>,
        %add3A_757 = arith.addf %scan3A_687, %get3A_756 : vector<16xf32>
        %get3A_758 = arith.constant 13 : i32
        %get3A_759 = arith.index_cast %get3A_758 : i32 to index
        %get3A_760 = arith.index_cast %mul3A_692 : i32 to index
        %get3A_761 = tpu.vector_load %arg7[%get3A_759, %get3A_760] {strides = array<i32>} : memref<16x640xf32, #tpu.memory_space<vmem>>, vector<16xf32>,
        %add3A_762 = arith.addf %scan3A_688, %get3A_761 : vector<16xf32>
        %get3A_763 = arith.constant 14 : i32
        %get3A_764 = arith.index_cast %get3A_763 : i32 to index
        %get3A_765 = arith.index_cast %mul3A_692 : i32 to index
        %get3A_766 = tpu.vector_load %arg7[%get3A_764, %get3A_765] {strides = array<i32>} : memref<16x640xf32, #tpu.memory_space<vmem>>, vector<16xf32>,
        %add3A_767 = arith.addf %scan3A_689, %get3A_766 : vector<16xf32>
        %get3A_768 = arith.constant 15 : i32
        %get3A_769 = arith.index_cast %get3A_768 : i32 to index
        %get3A_770 = arith.index_cast %mul3A_692 : i32 to index
        %get3A_771 = tpu.vector_load %arg7[%get3A_769, %get3A_770] {strides = array<i32>} : memref<16x640xf32, #tpu.memory_space<vmem>>, vector<16xf32>,
        %add3A_772 = arith.addf %scan3A_690, %get3A_771 : vector<16xf32>
        %add3A_773 = arith.constant 16 : i32
        %add3A_774 = arith.addi %mul3A_692, %add3A_773 : i32
        %get3A_775 = arith.constant 0 : i32
        %get3A_776 = arith.index_cast %get3A_775 : i32 to index
        %get3A_777 = arith.index_cast %add3A_774 : i32 to index
        %get3A_778 = tpu.vector_load %arg7[%get3A_776, %get3A_777] {strides = array<i32>} : memref<16x640xf32, #tpu.memory_space<vmem>>, vector<16xf32>,
        %add3A_779 = arith.addf %add3A_697, %get3A_778 : vector<16xf32>
        %add3A_780 = arith.constant 16 : i32
        %add3A_781 = arith.addi %mul3A_692, %add3A_780 : i32
        %get3A_782 = arith.constant 1 : i32
        %get3A_783 = arith.index_cast %get3A_782 : i32 to index
        %get3A_784 = arith.index_cast %add3A_781 : i32 to index
        %get3A_785 = tpu.vector_load %arg7[%get3A_783, %get3A_784] {strides = array<i32>} : memref<16x640xf32, #tpu.memory_space<vmem>>, vector<16xf32>,
        %add3A_786 = arith.addf %add3A_702, %get3A_785 : vector<16xf32>
        %add3A_787 = arith.constant 16 : i32
        %add3A_788 = arith.addi %mul3A_692, %add3A_787 : i32
        %get3A_789 = arith.constant 2 : i32
        %get3A_790 = arith.index_cast %get3A_789 : i32 to index
        %get3A_791 = arith.index_cast %add3A_788 : i32 to index
        %get3A_792 = tpu.vector_load %arg7[%get3A_790, %get3A_791] {strides = array<i32>} : memref<16x640xf32, #tpu.memory_space<vmem>>, vector<16xf32>,
        %add3A_793 = arith.addf %add3A_707, %get3A_792 : vector<16xf32>
        %add3A_794 = arith.constant 16 : i32
        %add3A_795 = arith.addi %mul3A_692, %add3A_794 : i32
        %get3A_796 = arith.constant 3 : i32
        %get3A_797 = arith.index_cast %get3A_796 : i32 to index
        %get3A_798 = arith.index_cast %add3A_795 : i32 to index
        %get3A_799 = tpu.vector_load %arg7[%get3A_797, %get3A_798] {strides = array<i32>} : memref<16x640xf32, #tpu.memory_space<vmem>>, vector<16xf32>,
        %add3A_800 = arith.addf %add3A_712, %get3A_799 : vector<16xf32>
        %add3A_801 = arith.constant 16 : i32
        %add3A_802 = arith.addi %mul3A_692, %add3A_801 : i32
        %get3A_803 = arith.constant 4 : i32
        %get3A_804 = arith.index_cast %get3A_803 : i32 to index
        %get3A_805 = arith.index_cast %add3A_802 : i32 to index
        %get3A_806 = tpu.vector_load %arg7[%get3A_804, %get3A_805] {strides = array<i32>} : memref<16x640xf32, #tpu.memory_space<vmem>>, vector<16xf32>,
        %add3A_807 = arith.addf %add3A_717, %get3A_806 : vector<16xf32>
        %add3A_808 = arith.constant 16 : i32
        %add3A_809 = arith.addi %mul3A_692, %add3A_808 : i32
        %get3A_810 = arith.constant 5 : i32
        %get3A_811 = arith.index_cast %get3A_810 : i32 to index
        %get3A_812 = arith.index_cast %add3A_809 : i32 to index
        %get3A_813 = tpu.vector_load %arg7[%get3A_811, %get3A_812] {strides = array<i32>} : memref<16x640xf32, #tpu.memory_space<vmem>>, vector<16xf32>,
        %add3A_814 = arith.addf %add3A_722, %get3A_813 : vector<16xf32>
        %add3A_815 = arith.constant 16 : i32
        %add3A_816 = arith.addi %mul3A_692, %add3A_815 : i32
        %get3A_817 = arith.constant 6 : i32
        %get3A_818 = arith.index_cast %get3A_817 : i32 to index
        %get3A_819 = arith.index_cast %add3A_816 : i32 to index
        %get3A_820 = tpu.vector_load %arg7[%get3A_818, %get3A_819] {strides = array<i32>} : memref<16x640xf32, #tpu.memory_space<vmem>>, vector<16xf32>,
        %add3A_821 = arith.addf %add3A_727, %get3A_820 : vector<16xf32>
        %add3A_822 = arith.constant 16 : i32
        %add3A_823 = arith.addi %mul3A_692, %add3A_822 : i32
        %get3A_824 = arith.constant 7 : i32
        %get3A_825 = arith.index_cast %get3A_824 : i32 to index
        %get3A_826 = arith.index_cast %add3A_823 : i32 to index
        %get3A_827 = tpu.vector_load %arg7[%get3A_825, %get3A_826] {strides = array<i32>} : memref<16x640xf32, #tpu.memory_space<vmem>>, vector<16xf32>,
        %add3A_828 = arith.addf %add3A_732, %get3A_827 : vector<16xf32>
        %add3A_829 = arith.constant 16 : i32
        %add3A_830 = arith.addi %mul3A_692, %add3A_829 : i32
        %get3A_831 = arith.constant 8 : i32
        %get3A_832 = arith.index_cast %get3A_831 : i32 to index
        %get3A_833 = arith.index_cast %add3A_830 : i32 to index
        %get3A_834 = tpu.vector_load %arg7[%get3A_832, %get3A_833] {strides = array<i32>} : memref<16x640xf32, #tpu.memory_space<vmem>>, vector<16xf32>,
        %add3A_835 = arith.addf %add3A_737, %get3A_834 : vector<16xf32>
        %add3A_836 = arith.constant 16 : i32
        %add3A_837 = arith.addi %mul3A_692, %add3A_836 : i32
        %get3A_838 = arith.constant 9 : i32
        %get3A_839 = arith.index_cast %get3A_838 : i32 to index
        %get3A_840 = arith.index_cast %add3A_837 : i32 to index
        %get3A_841 = tpu.vector_load %arg7[%get3A_839, %get3A_840] {strides = array<i32>} : memref<16x640xf32, #tpu.memory_space<vmem>>, vector<16xf32>,
        %add3A_842 = arith.addf %add3A_742, %get3A_841 : vector<16xf32>
        %add3A_843 = arith.constant 16 : i32
        %add3A_844 = arith.addi %mul3A_692, %add3A_843 : i32
        %get3A_845 = arith.constant 10 : i32
        %get3A_846 = arith.index_cast %get3A_845 : i32 to index
        %get3A_847 = arith.index_cast %add3A_844 : i32 to index
        %get3A_848 = tpu.vector_load %arg7[%get3A_846, %get3A_847] {strides = array<i32>} : memref<16x640xf32, #tpu.memory_space<vmem>>, vector<16xf32>,
        %add3A_849 = arith.addf %add3A_747, %get3A_848 : vector<16xf32>
        %add3A_850 = arith.constant 16 : i32
        %add3A_851 = arith.addi %mul3A_692, %add3A_850 : i32
        %get3A_852 = arith.constant 11 : i32
        %get3A_853 = arith.index_cast %get3A_852 : i32 to index
        %get3A_854 = arith.index_cast %add3A_851 : i32 to index
        %get3A_855 = tpu.vector_load %arg7[%get3A_853, %get3A_854] {strides = array<i32>} : memref<16x640xf32, #tpu.memory_space<vmem>>, vector<16xf32>,
        %add3A_856 = arith.addf %add3A_752, %get3A_855 : vector<16xf32>
        %add3A_857 = arith.constant 16 : i32
        %add3A_858 = arith.addi %mul3A_692, %add3A_857 : i32
        %get3A_859 = arith.constant 12 : i32
        %get3A_860 = arith.index_cast %get3A_859 : i32 to index
        %get3A_861 = arith.index_cast %add3A_858 : i32 to index
        %get3A_862 = tpu.vector_load %arg7[%get3A_860, %get3A_861] {strides = array<i32>} : memref<16x640xf32, #tpu.memory_space<vmem>>, vector<16xf32>,
        %add3A_863 = arith.addf %add3A_757, %get3A_862 : vector<16xf32>
        %add3A_864 = arith.constant 16 : i32
        %add3A_865 = arith.addi %mul3A_692, %add3A_864 : i32
        %get3A_866 = arith.constant 13 : i32
        %get3A_867 = arith.index_cast %get3A_866 : i32 to index
        %get3A_868 = arith.index_cast %add3A_865 : i32 to index
        %get3A_869 = tpu.vector_load %arg7[%get3A_867, %get3A_868] {strides = array<i32>} : memref<16x640xf32, #tpu.memory_space<vmem>>, vector<16xf32>,
        %add3A_870 = arith.addf %add3A_762, %get3A_869 : vector<16xf32>
        %add3A_871 = arith.constant 16 : i32
        %add3A_872 = arith.addi %mul3A_692, %add3A_871 : i32
        %get3A_873 = arith.constant 14 : i32
        %get3A_874 = arith.index_cast %get3A_873 : i32 to index
        %get3A_875 = arith.index_cast %add3A_872 : i32 to index
        %get3A_876 = tpu.vector_load %arg7[%get3A_874, %get3A_875] {strides = array<i32>} : memref<16x640xf32, #tpu.memory_space<vmem>>, vector<16xf32>,
        %add3A_877 = arith.addf %add3A_767, %get3A_876 : vector<16xf32>
        %add3A_878 = arith.constant 16 : i32
        %add3A_879 = arith.addi %mul3A_692, %add3A_878 : i32
        %get3A_880 = arith.constant 15 : i32
        %get3A_881 = arith.index_cast %get3A_880 : i32 to index
        %get3A_882 = arith.index_cast %add3A_879 : i32 to index
        %get3A_883 = tpu.vector_load %arg7[%get3A_881, %get3A_882] {strides = array<i32>} : memref<16x640xf32, #tpu.memory_space<vmem>>, vector<16xf32>,
        %add3A_884 = arith.addf %add3A_772, %get3A_883 : vector<16xf32>
        scf.yield %add3A_779, %add3A_786, %add3A_793, %add3A_800, %add3A_807, %add3A_814, %add3A_821, %add3A_828, %add3A_835, %add3A_842, %add3A_849, %add3A_856, %add3A_863, %add3A_870, %add3A_877, %add3A_884 : vector<16xf32>, vector<16xf32>, vector<16xf32>, vector<16xf32>, vector<16xf32>, vector<16xf32>, vector<16xf32>, vector<16xf32>, vector<16xf32>, vector<16xf32>, vector<16xf32>, vector<16xf32>, vector<16xf32>, vector<16xf32>, vector<16xf32>, vector<16xf32>
      }
      %scan3A_634 = arith.constant 20 : i32
      %add3A_635 = vector.broadcast %add3A_624 : i32 to vector<16xi32>
      %add3A_636 = arith.addi %broadcast_in_dim3A_5, %add3A_635 : vector<16xi32>
      %mul3A_637 = arith.constant 640 : i32
      %mul3A_638 = vector.broadcast %mul3A_637 : i32 to vector<16xi32>
      %mul3A_639 = arith.muli %add3A_636, %mul3A_638 : vector<16xi32>
      %sub3A_640 = arith.subi %get3A_189, %mul3A_639 : vector<16xi32>
      %ge3A_641 = arith.constant 0 : i32
      %ge3A_642 = vector.broadcast %ge3A_641 : i32 to vector<16xi32>
      %ge3A_643 = arith.cmpi sge, %sub3A_640, %ge3A_642 : vector<16xi32>
      %lt3A_644 = arith.constant 640 : i32
      %lt3A_645 = vector.broadcast %lt3A_644 : i32 to vector<16xi32>
      %lt3A_646 = arith.cmpi slt, %sub3A_640, %lt3A_645 : vector<16xi32>
      %and3A_647 = arith.andi %ge3A_643, %lt3A_646 : vector<16xi1>
      %jit3A_648 = arith.constant 0 : i32
      %jit3A_649 = arith.constant 639 : i32
      %max3A_650 = vector.broadcast %jit3A_648 : i32 to vector<16xi32>
      %max3A_651 = arith.maxsi %max3A_650, %sub3A_640 : vector<16xi32>
      %min3A_652 = vector.broadcast %jit3A_649 : i32 to vector<16xi32>
      %min3A_653 = arith.minsi %min3A_652, %max3A_651 : vector<16xi32>
      %gather3A_654 = tpu.vector_load_idx %arg7[%iota3A, %min3A_653] : memref<16x640xf32, #tpu.memory_space<vmem>>[vector<16xi32>, vector<16xi32>], vector<16xf32>,
      %jit3A_655 = arith.constant 0.000000e+00 : f32
      %broadcast_in_dim3A_656 = vector.broadcast %jit3A_655 : f32 to vector<16xf32>
      %select_n3A_657 = arith.select %and3A_647, %gather3A_654, %broadcast_in_dim3A_656 : vector<16xi1>, vector<16xf32>
      %add3A_658 = arith.addf %add3A_608, %select_n3A_657 : vector<16xf32>
      %gather3A_659 = tpu.vector_load_idx %arg7[%iota3A, %broadcast_in_dim3A_5] : memref<16x640xf32, #tpu.memory_space<vmem>>[vector<16xi32>, vector<16xi32>], vector<16xf32>,
      %eq3A_660 = arith.constant 0 : i32
      %eq3A_661 = vector.broadcast %eq3A_660 : i32 to vector<16xi32>
      %eq3A_662 = arith.cmpi eq, %add3A_636, %eq3A_661 : vector<16xi32>
      %jit3A_663 = arith.constant 0.000000e+00 : f32
      %broadcast_in_dim3A_664 = vector.broadcast %jit3A_663 : f32 to vector<16xf32>
      %select_n3A_665 = arith.select %eq3A_662, %gather3A_659, %broadcast_in_dim3A_664 : vector<16xi1>, vector<16xf32>
      %add3A_666 = arith.addf %add3A_615, %select_n3A_665 : vector<16xf32>
      %add3A_667 = arith.constant 2 : i32
      %add3A_668 = arith.addi %add3A_624, %add3A_667 : i32
      %lt3A_669 = arith.constant 50 : i32
      %lt3A_670 = arith.cmpi slt, %add3A_668, %lt3A_669 : i32
      %convert_element_type3A_671 = arith.extui %lt3A_670 : i1 to i32
      %cond3A_672 = arith.constant 0 : i32
      %cond3A_673 = arith.cmpi ne, %convert_element_type3A_671, %cond3A_672 : i32
      scf.if %cond3A_673 {
        %add3A_674 = arith.constant 2 : i32
        %add3A_675 = arith.addi %add3A_624, %add3A_674 : i32
        %mul3A_676 = arith.constant 640 : i32
        %mul3A_677 = arith.muli %add3A_675, %mul3A_676 : i32
        %dma_start3A_678 = tpu.memref_slice %arg2[%add3A_187, %mul3A_677] : memref<4096x32000xf32, #tpu.memory_space<hbm>> -> memref<16x640xf32, #tpu.memory_space<hbm>>
        %dma_start3A_679 = tpu.memref_slice %arg2[%add3A_187, %mul3A_677] : memref<4096x32000xf32, #tpu.memory_space<hbm>> -> memref<16x640xf32, #tpu.memory_space<hbm>>
        tpu.enqueue_dma source(%dma_start3A_679 : memref<16x640xf32, #tpu.memory_space<hbm>>) target(%arg7 : memref<16x640xf32, #tpu.memory_space<vmem>>) target_semaphore(%arg11 : memref<!tpu.dma_semaphore, #tpu.memory_space<semaphore_mem>>)
      } else {
      }
      scf.yield %scan3A_633#0, %scan3A_633#1, %scan3A_633#2, %scan3A_633#3, %scan3A_633#4, %scan3A_633#5, %scan3A_633#6, %scan3A_633#7, %scan3A_633#8, %scan3A_633#9, %scan3A_633#10, %scan3A_633#11, %scan3A_633#12, %scan3A_633#13, %scan3A_633#14, %scan3A_633#15, %add3A_658, %add3A_666 : vector<16xf32>, vector<16xf32>, vector<16xf32>, vector<16xf32>, vector<16xf32>, vector<16xf32>, vector<16xf32>, vector<16xf32>, vector<16xf32>, vector<16xf32>, vector<16xf32>, vector<16xf32>, vector<16xf32>, vector<16xf32>, vector<16xf32>, vector<16xf32>, vector<16xf32>, vector<16xf32>
    }
    %scan3A_239 = arith.constant 25 : i32
    %broadcast_in_dim3A_240 = arith.constant true
    %broadcast_in_dim3A_241 = vector.broadcast %broadcast_in_dim3A_240 : i1 to vector<16xi1>
    %masked_cumsum3A_242 = tpu.scan <sum>, %scan3A_238#0 masked %broadcast_in_dim3A_241 : vector<16xf32>, vector<16xi1> -> vector<16xf32>
    %swap3A_243 = arith.constant 0 : i32
    %swap3A_244 = arith.index_cast %swap3A_243 : i32 to index
    %swap3A_245 = arith.constant 0 : index
    %swap3A_246 = tpu.vector_load %arg8[%swap3A_244, %swap3A_245] {strides = array<i32>} : memref<16x16xf32, #tpu.memory_space<vmem>>, vector<16xf32>,
    tpu.vector_store %arg8[%swap3A_244, %swap3A_245], %masked_cumsum3A_242 {strides = array<i32>} : memref<16x16xf32, #tpu.memory_space<vmem>>, vector<16xf32>,
    %broadcast_in_dim3A_247 = arith.constant true
    %broadcast_in_dim3A_248 = vector.broadcast %broadcast_in_dim3A_247 : i1 to vector<16xi1>
    %masked_cumsum3A_249 = tpu.scan <sum>, %scan3A_238#1 masked %broadcast_in_dim3A_248 : vector<16xf32>, vector<16xi1> -> vector<16xf32>
    %swap3A_250 = arith.constant 1 : i32
    %swap3A_251 = arith.index_cast %swap3A_250 : i32 to index
    %swap3A_252 = arith.constant 0 : index
    %swap3A_253 = tpu.vector_load %arg8[%swap3A_251, %swap3A_252] {strides = array<i32>} : memref<16x16xf32, #tpu.memory_space<vmem>>, vector<16xf32>,
    tpu.vector_store %arg8[%swap3A_251, %swap3A_252], %masked_cumsum3A_249 {strides = array<i32>} : memref<16x16xf32, #tpu.memory_space<vmem>>, vector<16xf32>,
    %broadcast_in_dim3A_254 = arith.constant true
    %broadcast_in_dim3A_255 = vector.broadcast %broadcast_in_dim3A_254 : i1 to vector<16xi1>
    %masked_cumsum3A_256 = tpu.scan <sum>, %scan3A_238#2 masked %broadcast_in_dim3A_255 : vector<16xf32>, vector<16xi1> -> vector<16xf32>
    %swap3A_257 = arith.constant 2 : i32
    %swap3A_258 = arith.index_cast %swap3A_257 : i32 to index
    %swap3A_259 = arith.constant 0 : index
    %swap3A_260 = tpu.vector_load %arg8[%swap3A_258, %swap3A_259] {strides = array<i32>} : memref<16x16xf32, #tpu.memory_space<vmem>>, vector<16xf32>,
    tpu.vector_store %arg8[%swap3A_258, %swap3A_259], %masked_cumsum3A_256 {strides = array<i32>} : memref<16x16xf32, #tpu.memory_space<vmem>>, vector<16xf32>,
    %broadcast_in_dim3A_261 = arith.constant true
    %broadcast_in_dim3A_262 = vector.broadcast %broadcast_in_dim3A_261 : i1 to vector<16xi1>
    %masked_cumsum3A_263 = tpu.scan <sum>, %scan3A_238#3 masked %broadcast_in_dim3A_262 : vector<16xf32>, vector<16xi1> -> vector<16xf32>
    %swap3A_264 = arith.constant 3 : i32
    %swap3A_265 = arith.index_cast %swap3A_264 : i32 to index
    %swap3A_266 = arith.constant 0 : index
    %swap3A_267 = tpu.vector_load %arg8[%swap3A_265, %swap3A_266] {strides = array<i32>} : memref<16x16xf32, #tpu.memory_space<vmem>>, vector<16xf32>,
    tpu.vector_store %arg8[%swap3A_265, %swap3A_266], %masked_cumsum3A_263 {strides = array<i32>} : memref<16x16xf32, #tpu.memory_space<vmem>>, vector<16xf32>,
    %broadcast_in_dim3A_268 = arith.constant true
    %broadcast_in_dim3A_269 = vector.broadcast %broadcast_in_dim3A_268 : i1 to vector<16xi1>
    %masked_cumsum3A_270 = tpu.scan <sum>, %scan3A_238#4 masked %broadcast_in_dim3A_269 : vector<16xf32>, vector<16xi1> -> vector<16xf32>
    %swap3A_271 = arith.constant 4 : i32
    %swap3A_272 = arith.index_cast %swap3A_271 : i32 to index
    %swap3A_273 = arith.constant 0 : index
    %swap3A_274 = tpu.vector_load %arg8[%swap3A_272, %swap3A_273] {strides = array<i32>} : memref<16x16xf32, #tpu.memory_space<vmem>>, vector<16xf32>,
    tpu.vector_store %arg8[%swap3A_272, %swap3A_273], %masked_cumsum3A_270 {strides = array<i32>} : memref<16x16xf32, #tpu.memory_space<vmem>>, vector<16xf32>,
    %broadcast_in_dim3A_275 = arith.constant true
    %broadcast_in_dim3A_276 = vector.broadcast %broadcast_in_dim3A_275 : i1 to vector<16xi1>
    %masked_cumsum3A_277 = tpu.scan <sum>, %scan3A_238#5 masked %broadcast_in_dim3A_276 : vector<16xf32>, vector<16xi1> -> vector<16xf32>
    %swap3A_278 = arith.constant 5 : i32
    %swap3A_279 = arith.index_cast %swap3A_278 : i32 to index
    %swap3A_280 = arith.constant 0 : index
    %swap3A_281 = tpu.vector_load %arg8[%swap3A_279, %swap3A_280] {strides = array<i32>} : memref<16x16xf32, #tpu.memory_space<vmem>>, vector<16xf32>,
    tpu.vector_store %arg8[%swap3A_279, %swap3A_280], %masked_cumsum3A_277 {strides = array<i32>} : memref<16x16xf32, #tpu.memory_space<vmem>>, vector<16xf32>,
    %broadcast_in_dim3A_282 = arith.constant true
    %broadcast_in_dim3A_283 = vector.broadcast %broadcast_in_dim3A_282 : i1 to vector<16xi1>
    %masked_cumsum3A_284 = tpu.scan <sum>, %scan3A_238#6 masked %broadcast_in_dim3A_283 : vector<16xf32>, vector<16xi1> -> vector<16xf32>
    %swap3A_285 = arith.constant 6 : i32
    %swap3A_286 = arith.index_cast %swap3A_285 : i32 to index
    %swap3A_287 = arith.constant 0 : index
    %swap3A_288 = tpu.vector_load %arg8[%swap3A_286, %swap3A_287] {strides = array<i32>} : memref<16x16xf32, #tpu.memory_space<vmem>>, vector<16xf32>,
    tpu.vector_store %arg8[%swap3A_286, %swap3A_287], %masked_cumsum3A_284 {strides = array<i32>} : memref<16x16xf32, #tpu.memory_space<vmem>>, vector<16xf32>,
    %broadcast_in_dim3A_289 = arith.constant true
    %broadcast_in_dim3A_290 = vector.broadcast %broadcast_in_dim3A_289 : i1 to vector<16xi1>
    %masked_cumsum3A_291 = tpu.scan <sum>, %scan3A_238#7 masked %broadcast_in_dim3A_290 : vector<16xf32>, vector<16xi1> -> vector<16xf32>
    %swap3A_292 = arith.constant 7 : i32
    %swap3A_293 = arith.index_cast %swap3A_292 : i32 to index
    %swap3A_294 = arith.constant 0 : index
    %swap3A_295 = tpu.vector_load %arg8[%swap3A_293, %swap3A_294] {strides = array<i32>} : memref<16x16xf32, #tpu.memory_space<vmem>>, vector<16xf32>,
    tpu.vector_store %arg8[%swap3A_293, %swap3A_294], %masked_cumsum3A_291 {strides = array<i32>} : memref<16x16xf32, #tpu.memory_space<vmem>>, vector<16xf32>,
    %broadcast_in_dim3A_296 = arith.constant true
    %broadcast_in_dim3A_297 = vector.broadcast %broadcast_in_dim3A_296 : i1 to vector<16xi1>
    %masked_cumsum3A_298 = tpu.scan <sum>, %scan3A_238#8 masked %broadcast_in_dim3A_297 : vector<16xf32>, vector<16xi1> -> vector<16xf32>
    %swap3A_299 = arith.constant 8 : i32
    %swap3A_300 = arith.index_cast %swap3A_299 : i32 to index
    %swap3A_301 = arith.constant 0 : index
    %swap3A_302 = tpu.vector_load %arg8[%swap3A_300, %swap3A_301] {strides = array<i32>} : memref<16x16xf32, #tpu.memory_space<vmem>>, vector<16xf32>,
    tpu.vector_store %arg8[%swap3A_300, %swap3A_301], %masked_cumsum3A_298 {strides = array<i32>} : memref<16x16xf32, #tpu.memory_space<vmem>>, vector<16xf32>,
    %broadcast_in_dim3A_303 = arith.constant true
    %broadcast_in_dim3A_304 = vector.broadcast %broadcast_in_dim3A_303 : i1 to vector<16xi1>
    %masked_cumsum3A_305 = tpu.scan <sum>, %scan3A_238#9 masked %broadcast_in_dim3A_304 : vector<16xf32>, vector<16xi1> -> vector<16xf32>
    %swap3A_306 = arith.constant 9 : i32
    %swap3A_307 = arith.index_cast %swap3A_306 : i32 to index
    %swap3A_308 = arith.constant 0 : index
    %swap3A_309 = tpu.vector_load %arg8[%swap3A_307, %swap3A_308] {strides = array<i32>} : memref<16x16xf32, #tpu.memory_space<vmem>>, vector<16xf32>,
    tpu.vector_store %arg8[%swap3A_307, %swap3A_308], %masked_cumsum3A_305 {strides = array<i32>} : memref<16x16xf32, #tpu.memory_space<vmem>>, vector<16xf32>,
    %broadcast_in_dim3A_310 = arith.constant true
    %broadcast_in_dim3A_311 = vector.broadcast %broadcast_in_dim3A_310 : i1 to vector<16xi1>
    %masked_cumsum3A_312 = tpu.scan <sum>, %scan3A_238#10 masked %broadcast_in_dim3A_311 : vector<16xf32>, vector<16xi1> -> vector<16xf32>
    %swap3A_313 = arith.constant 10 : i32
    %swap3A_314 = arith.index_cast %swap3A_313 : i32 to index
    %swap3A_315 = arith.constant 0 : index
    %swap3A_316 = tpu.vector_load %arg8[%swap3A_314, %swap3A_315] {strides = array<i32>} : memref<16x16xf32, #tpu.memory_space<vmem>>, vector<16xf32>,
    tpu.vector_store %arg8[%swap3A_314, %swap3A_315], %masked_cumsum3A_312 {strides = array<i32>} : memref<16x16xf32, #tpu.memory_space<vmem>>, vector<16xf32>,
    %broadcast_in_dim3A_317 = arith.constant true
    %broadcast_in_dim3A_318 = vector.broadcast %broadcast_in_dim3A_317 : i1 to vector<16xi1>
    %masked_cumsum3A_319 = tpu.scan <sum>, %scan3A_238#11 masked %broadcast_in_dim3A_318 : vector<16xf32>, vector<16xi1> -> vector<16xf32>
    %swap3A_320 = arith.constant 11 : i32
    %swap3A_321 = arith.index_cast %swap3A_320 : i32 to index
    %swap3A_322 = arith.constant 0 : index
    %swap3A_323 = tpu.vector_load %arg8[%swap3A_321, %swap3A_322] {strides = array<i32>} : memref<16x16xf32, #tpu.memory_space<vmem>>, vector<16xf32>,
    tpu.vector_store %arg8[%swap3A_321, %swap3A_322], %masked_cumsum3A_319 {strides = array<i32>} : memref<16x16xf32, #tpu.memory_space<vmem>>, vector<16xf32>,
    %broadcast_in_dim3A_324 = arith.constant true
    %broadcast_in_dim3A_325 = vector.broadcast %broadcast_in_dim3A_324 : i1 to vector<16xi1>
    %masked_cumsum3A_326 = tpu.scan <sum>, %scan3A_238#12 masked %broadcast_in_dim3A_325 : vector<16xf32>, vector<16xi1> -> vector<16xf32>
    %swap3A_327 = arith.constant 12 : i32
    %swap3A_328 = arith.index_cast %swap3A_327 : i32 to index
    %swap3A_329 = arith.constant 0 : index
    %swap3A_330 = tpu.vector_load %arg8[%swap3A_328, %swap3A_329] {strides = array<i32>} : memref<16x16xf32, #tpu.memory_space<vmem>>, vector<16xf32>,
    tpu.vector_store %arg8[%swap3A_328, %swap3A_329], %masked_cumsum3A_326 {strides = array<i32>} : memref<16x16xf32, #tpu.memory_space<vmem>>, vector<16xf32>,
    %broadcast_in_dim3A_331 = arith.constant true
    %broadcast_in_dim3A_332 = vector.broadcast %broadcast_in_dim3A_331 : i1 to vector<16xi1>
    %masked_cumsum3A_333 = tpu.scan <sum>, %scan3A_238#13 masked %broadcast_in_dim3A_332 : vector<16xf32>, vector<16xi1> -> vector<16xf32>
    %swap3A_334 = arith.constant 13 : i32
    %swap3A_335 = arith.index_cast %swap3A_334 : i32 to index
    %swap3A_336 = arith.constant 0 : index
    %swap3A_337 = tpu.vector_load %arg8[%swap3A_335, %swap3A_336] {strides = array<i32>} : memref<16x16xf32, #tpu.memory_space<vmem>>, vector<16xf32>,
    tpu.vector_store %arg8[%swap3A_335, %swap3A_336], %masked_cumsum3A_333 {strides = array<i32>} : memref<16x16xf32, #tpu.memory_space<vmem>>, vector<16xf32>,
    %broadcast_in_dim3A_338 = arith.constant true
    %broadcast_in_dim3A_339 = vector.broadcast %broadcast_in_dim3A_338 : i1 to vector<16xi1>
    %masked_cumsum3A_340 = tpu.scan <sum>, %scan3A_238#14 masked %broadcast_in_dim3A_339 : vector<16xf32>, vector<16xi1> -> vector<16xf32>
    %swap3A_341 = arith.constant 14 : i32
    %swap3A_342 = arith.index_cast %swap3A_341 : i32 to index
    %swap3A_343 = arith.constant 0 : index
    %swap3A_344 = tpu.vector_load %arg8[%swap3A_342, %swap3A_343] {strides = array<i32>} : memref<16x16xf32, #tpu.memory_space<vmem>>, vector<16xf32>,
    tpu.vector_store %arg8[%swap3A_342, %swap3A_343], %masked_cumsum3A_340 {strides = array<i32>} : memref<16x16xf32, #tpu.memory_space<vmem>>, vector<16xf32>,
    %broadcast_in_dim3A_345 = arith.constant true
    %broadcast_in_dim3A_346 = vector.broadcast %broadcast_in_dim3A_345 : i1 to vector<16xi1>
    %masked_cumsum3A_347 = tpu.scan <sum>, %scan3A_238#15 masked %broadcast_in_dim3A_346 : vector<16xf32>, vector<16xi1> -> vector<16xf32>
    %swap3A_348 = arith.constant 15 : i32
    %swap3A_349 = arith.index_cast %swap3A_348 : i32 to index
    %swap3A_350 = arith.constant 0 : index
    %swap3A_351 = tpu.vector_load %arg8[%swap3A_349, %swap3A_350] {strides = array<i32>} : memref<16x16xf32, #tpu.memory_space<vmem>>, vector<16xf32>,
    tpu.vector_store %arg8[%swap3A_349, %swap3A_350], %masked_cumsum3A_347 {strides = array<i32>} : memref<16x16xf32, #tpu.memory_space<vmem>>, vector<16xf32>,
    %gather3A_352 = tpu.vector_load_idx %arg8[%iota3A, %add3A_8] : memref<16x16xf32, #tpu.memory_space<vmem>>[vector<16xi32>, vector<16xi32>], vector<16xf32>,
    %sub3A_353 = arith.subf %gather3A_352, %scan3A_238#17 : vector<16xf32>
    %mul3A_354 = arith.constant 3.12519524E-6 : f32
    %mul3A_355 = vector.broadcast %mul3A_354 : f32 to vector<16xf32>
    %mul3A_356 = arith.mulf %mul3A_355, %sub3A_353 : vector<16xf32>
    %sub3A_357 = arith.constant -1.3624258 : f32
    %sub3A_358 = vector.broadcast %sub3A_357 : f32 to vector<16xf32>
    %sub3A_359 = arith.subf %sub3A_358, %mul3A_356 : vector<16xf32>
    %mul3A_360 = arith.constant -0.899996876 : f32
    %mul3A_361 = vector.broadcast %mul3A_360 : f32 to vector<16xf32>
    %mul3A_362 = arith.mulf %mul3A_361, %scan3A_238#16 : vector<16xf32>
    %add3A_363 = arith.addf %sub3A_359, %mul3A_362 : vector<16xf32>
    %ne3A_364 = arith.constant 0 : i32
    %ne3A_365 = vector.broadcast %ne3A_364 : i32 to vector<16xi32>
    %ne3A_366 = arith.cmpi ne, %get3A_189, %ne3A_365 : vector<16xi32>
    %jit3A_367 = arith.constant 0.000000e+00 : f32
    %broadcast_in_dim3A_368 = vector.broadcast %jit3A_367 : f32 to vector<16xf32>
    %select_n3A_369 = arith.select %ne3A_366, %add3A_363, %broadcast_in_dim3A_368 : vector<16xi1>, vector<16xf32>
    %add3A_370 = arith.addf %add3A_185, %select_n3A_369 : vector<16xf32>
    %add3A_371 = arith.constant 32 : i32
    %add3A_372 = arith.addi %add3A_4, %add3A_371 : i32
    "tpu.region"() ({
      %run_scoped3A = tpu.sem_alloc : memref<!tpu.dma_semaphore, #tpu.memory_space<semaphore_mem>>
      %dma_start3A_558 = tpu.memref_slice %arg3[%add3A_372] : memref<4096xi32, #tpu.memory_space<hbm>> -> memref<16xi32, #tpu.memory_space<hbm>>
      %dma_start3A_559 = tpu.memref_slice %arg3[%add3A_372] : memref<4096xi32, #tpu.memory_space<hbm>> -> memref<16xi32, #tpu.memory_space<hbm>>
      tpu.enqueue_dma source(%dma_start3A_559 : memref<16xi32, #tpu.memory_space<hbm>>) target(%arg5 : memref<16xi32, #tpu.memory_space<vmem>>) target_semaphore(%run_scoped3A : memref<!tpu.dma_semaphore, #tpu.memory_space<semaphore_mem>>)
      %dma_wait3A = tpu.memref_slice %arg3[%add3A_372] : memref<4096xi32, #tpu.memory_space<hbm>> -> memref<16xi32, #tpu.memory_space<hbm>>
      %dma_wait3A_560 = tpu.memref_slice %arg3[%add3A_372] : memref<4096xi32, #tpu.memory_space<hbm>> -> memref<16xi32, #tpu.memory_space<hbm>>
      tpu.wait_dma2 semaphore(%run_scoped3A : memref<!tpu.dma_semaphore, #tpu.memory_space<semaphore_mem>>) src(%dma_wait3A_560 : memref<16xi32, #tpu.memory_space<hbm>>) dst(%arg5 : memref<16xi32, #tpu.memory_space<vmem>>)
      tpu.yield
    }) : () -> ()
    %get3A_373 = arith.constant 0 : index
    %get3A_374 = tpu.vector_load %arg5[%get3A_373] {strides = array<i32>} : memref<16xi32, #tpu.memory_space<vmem>>, vector<16xi32>,
    %dma_start3A_375 = arith.constant 0 : i32
    %dma_start3A_376 = tpu.memref_slice %arg2[%add3A_372, %dma_start3A_375] : memref<4096x32000xf32, #tpu.memory_space<hbm>> -> memref<16x640xf32, #tpu.memory_space<hbm>>
    %dma_start3A_377 = arith.constant 0 : i32
    %dma_start3A_378 = tpu.memref_slice %arg2[%add3A_372, %dma_start3A_377] : memref<4096x32000xf32, #tpu.memory_space<hbm>> -> memref<16x640xf32, #tpu.memory_space<hbm>>
    tpu.enqueue_dma source(%dma_start3A_378 : memref<16x640xf32, #tpu.memory_space<hbm>>) target(%arg6 : memref<16x640xf32, #tpu.memory_space<vmem>>) target_semaphore(%arg10 : memref<!tpu.dma_semaphore, #tpu.memory_space<semaphore_mem>>)
    %dma_start3A_379 = arith.constant 640 : i32
    %dma_start3A_380 = tpu.memref_slice %arg2[%add3A_372, %dma_start3A_379] : memref<4096x32000xf32, #tpu.memory_space<hbm>> -> memref<16x640xf32, #tpu.memory_space<hbm>>
    %dma_start3A_381 = arith.constant 640 : i32
    %dma_start3A_382 = tpu.memref_slice %arg2[%add3A_372, %dma_start3A_381] : memref<4096x32000xf32, #tpu.memory_space<hbm>> -> memref<16x640xf32, #tpu.memory_space<hbm>>
    tpu.enqueue_dma source(%dma_start3A_382 : memref<16x640xf32, #tpu.memory_space<hbm>>) target(%arg7 : memref<16x640xf32, #tpu.memory_space<vmem>>) target_semaphore(%arg11 : memref<!tpu.dma_semaphore, #tpu.memory_space<semaphore_mem>>)
    %broadcast_in_dim3A_383 = arith.constant 0.000000e+00 : f32
    %broadcast_in_dim3A_384 = vector.broadcast %broadcast_in_dim3A_383 : f32 to vector<16xf32>
    %broadcast_in_dim3A_385 = arith.constant 0.000000e+00 : f32
    %broadcast_in_dim3A_386 = vector.broadcast %broadcast_in_dim3A_385 : f32 to vector<16xf32>
    %broadcast_in_dim3A_387 = arith.constant 0.000000e+00 : f32
    %broadcast_in_dim3A_388 = vector.broadcast %broadcast_in_dim3A_387 : f32 to vector<16xf32>
    %broadcast_in_dim3A_389 = arith.constant 0.000000e+00 : f32
    %broadcast_in_dim3A_390 = vector.broadcast %broadcast_in_dim3A_389 : f32 to vector<16xf32>
    %broadcast_in_dim3A_391 = arith.constant 0.000000e+00 : f32
    %broadcast_in_dim3A_392 = vector.broadcast %broadcast_in_dim3A_391 : f32 to vector<16xf32>
    %broadcast_in_dim3A_393 = arith.constant 0.000000e+00 : f32
    %broadcast_in_dim3A_394 = vector.broadcast %broadcast_in_dim3A_393 : f32 to vector<16xf32>
    %broadcast_in_dim3A_395 = arith.constant 0.000000e+00 : f32
    %broadcast_in_dim3A_396 = vector.broadcast %broadcast_in_dim3A_395 : f32 to vector<16xf32>
    %broadcast_in_dim3A_397 = arith.constant 0.000000e+00 : f32
    %broadcast_in_dim3A_398 = vector.broadcast %broadcast_in_dim3A_397 : f32 to vector<16xf32>
    %broadcast_in_dim3A_399 = arith.constant 0.000000e+00 : f32
    %broadcast_in_dim3A_400 = vector.broadcast %broadcast_in_dim3A_399 : f32 to vector<16xf32>
    %broadcast_in_dim3A_401 = arith.constant 0.000000e+00 : f32
    %broadcast_in_dim3A_402 = vector.broadcast %broadcast_in_dim3A_401 : f32 to vector<16xf32>
    %broadcast_in_dim3A_403 = arith.constant 0.000000e+00 : f32
    %broadcast_in_dim3A_404 = vector.broadcast %broadcast_in_dim3A_403 : f32 to vector<16xf32>
    %broadcast_in_dim3A_405 = arith.constant 0.000000e+00 : f32
    %broadcast_in_dim3A_406 = vector.broadcast %broadcast_in_dim3A_405 : f32 to vector<16xf32>
    %broadcast_in_dim3A_407 = arith.constant 0.000000e+00 : f32
    %broadcast_in_dim3A_408 = vector.broadcast %broadcast_in_dim3A_407 : f32 to vector<16xf32>
    %broadcast_in_dim3A_409 = arith.constant 0.000000e+00 : f32
    %broadcast_in_dim3A_410 = vector.broadcast %broadcast_in_dim3A_409 : f32 to vector<16xf32>
    %broadcast_in_dim3A_411 = arith.constant 0.000000e+00 : f32
    %broadcast_in_dim3A_412 = vector.broadcast %broadcast_in_dim3A_411 : f32 to vector<16xf32>
    %broadcast_in_dim3A_413 = arith.constant 0.000000e+00 : f32
    %broadcast_in_dim3A_414 = vector.broadcast %broadcast_in_dim3A_413 : f32 to vector<16xf32>
    %broadcast_in_dim3A_415 = arith.constant 0.000000e+00 : f32
    %broadcast_in_dim3A_416 = vector.broadcast %broadcast_in_dim3A_415 : f32 to vector<16xf32>
    %broadcast_in_dim3A_417 = arith.constant 0.000000e+00 : f32
    %broadcast_in_dim3A_418 = vector.broadcast %broadcast_in_dim3A_417 : f32 to vector<16xf32>
    %scan3A_419 = arith.constant 0 : i32
    %scan3A_420 = arith.constant 25 : i32
    %scan3A_421 = arith.addi %scan3A_419, %scan3A_420 : i32
    %scan3A_422 = arith.constant 1 : i32
    %scan3A_423:18 = scf.for %scan3A_558 = %scan3A_419 to %scan3A_421 step %scan3A_422 iter_args(%scan3A_559 = %broadcast_in_dim3A_384, %scan3A_560 = %broadcast_in_dim3A_386, %scan3A_561 = %broadcast_in_dim3A_388, %scan3A_562 = %broadcast_in_dim3A_390, %scan3A_563 = %broadcast_in_dim3A_392, %scan3A_564 = %broadcast_in_dim3A_394, %scan3A_565 = %broadcast_in_dim3A_396, %scan3A_566 = %broadcast_in_dim3A_398, %scan3A_567 = %broadcast_in_dim3A_400, %scan3A_568 = %broadcast_in_dim3A_402, %scan3A_569 = %broadcast_in_dim3A_404, %scan3A_570 = %broadcast_in_dim3A_406, %scan3A_571 = %broadcast_in_dim3A_408, %scan3A_572 = %broadcast_in_dim3A_410, %scan3A_573 = %broadcast_in_dim3A_412, %scan3A_574 = %broadcast_in_dim3A_414, %scan3A_575 = %broadcast_in_dim3A_416, %scan3A_576 = %broadcast_in_dim3A_418) -> (vector<16xf32>, vector<16xf32>, vector<16xf32>, vector<16xf32>, vector<16xf32>, vector<16xf32>, vector<16xf32>, vector<16xf32>, vector<16xf32>, vector<16xf32>, vector<16xf32>, vector<16xf32>, vector<16xf32>, vector<16xf32>, vector<16xf32>, vector<16xf32>, vector<16xf32>, vector<16xf32>)  : i32 {
      %mul3A_577 = arith.constant 2 : i32
      %mul3A_578 = arith.muli %scan3A_558, %mul3A_577 : i32
      %add3A_579 = arith.constant 0 : i32
      %add3A_580 = arith.addi %mul3A_578, %add3A_579 : i32
      %mul3A_581 = arith.constant 640 : i32
      %mul3A_582 = arith.muli %add3A_580, %mul3A_581 : i32
      %dma_wait3A = tpu.memref_slice %arg2[%add3A_372, %mul3A_582] : memref<4096x32000xf32, #tpu.memory_space<hbm>> -> memref<16x640xf32, #tpu.memory_space<hbm>>
      %dma_wait3A_583 = tpu.memref_slice %arg2[%add3A_372, %mul3A_582] : memref<4096x32000xf32, #tpu.memory_space<hbm>> -> memref<16x640xf32, #tpu.memory_space<hbm>>
      tpu.wait_dma2 semaphore(%arg10 : memref<!tpu.dma_semaphore, #tpu.memory_space<semaphore_mem>>) src(%dma_wait3A_583 : memref<16x640xf32, #tpu.memory_space<hbm>>) dst(%arg6 : memref<16x640xf32, #tpu.memory_space<vmem>>)
      %scan3A_584 = arith.constant 0 : i32
      %scan3A_585 = arith.constant 20 : i32
      %scan3A_586 = arith.addi %scan3A_584, %scan3A_585 : i32
      %scan3A_587 = arith.constant 1 : i32
      %scan3A_588:16 = scf.for %scan3A_674 = %scan3A_584 to %scan3A_586 step %scan3A_587 iter_args(%scan3A_675 = %scan3A_559, %scan3A_676 = %scan3A_560, %scan3A_677 = %scan3A_561, %scan3A_678 = %scan3A_562, %scan3A_679 = %scan3A_563, %scan3A_680 = %scan3A_564, %scan3A_681 = %scan3A_565, %scan3A_682 = %scan3A_566, %scan3A_683 = %scan3A_567, %scan3A_684 = %scan3A_568, %scan3A_685 = %scan3A_569, %scan3A_686 = %scan3A_570, %scan3A_687 = %scan3A_571, %scan3A_688 = %scan3A_572, %scan3A_689 = %scan3A_573, %scan3A_690 = %scan3A_574) -> (vector<16xf32>, vector<16xf32>, vector<16xf32>, vector<16xf32>, vector<16xf32>, vector<16xf32>, vector<16xf32>, vector<16xf32>, vector<16xf32>, vector<16xf32>, vector<16xf32>, vector<16xf32>, vector<16xf32>, vector<16xf32>, vector<16xf32>, vector<16xf32>)  : i32 {
        %mul3A_691 = arith.constant 32 : i32
        %mul3A_692 = arith.muli %scan3A_674, %mul3A_691 : i32
        %get3A_693 = arith.constant 0 : i32
        %get3A_694 = arith.index_cast %get3A_693 : i32 to index
        %get3A_695 = arith.index_cast %mul3A_692 : i32 to index
        %get3A_696 = tpu.vector_load %arg6[%get3A_694, %get3A_695] {strides = array<i32>} : memref<16x640xf32, #tpu.memory_space<vmem>>, vector<16xf32>,
        %add3A_697 = arith.addf %scan3A_675, %get3A_696 : vector<16xf32>
        %get3A_698 = arith.constant 1 : i32
        %get3A_699 = arith.index_cast %get3A_698 : i32 to index
        %get3A_700 = arith.index_cast %mul3A_692 : i32 to index
        %get3A_701 = tpu.vector_load %arg6[%get3A_699, %get3A_700] {strides = array<i32>} : memref<16x640xf32, #tpu.memory_space<vmem>>, vector<16xf32>,
        %add3A_702 = arith.addf %scan3A_676, %get3A_701 : vector<16xf32>
        %get3A_703 = arith.constant 2 : i32
        %get3A_704 = arith.index_cast %get3A_703 : i32 to index
        %get3A_705 = arith.index_cast %mul3A_692 : i32 to index
        %get3A_706 = tpu.vector_load %arg6[%get3A_704, %get3A_705] {strides = array<i32>} : memref<16x640xf32, #tpu.memory_space<vmem>>, vector<16xf32>,
        %add3A_707 = arith.addf %scan3A_677, %get3A_706 : vector<16xf32>
        %get3A_708 = arith.constant 3 : i32
        %get3A_709 = arith.index_cast %get3A_708 : i32 to index
        %get3A_710 = arith.index_cast %mul3A_692 : i32 to index
        %get3A_711 = tpu.vector_load %arg6[%get3A_709, %get3A_710] {strides = array<i32>} : memref<16x640xf32, #tpu.memory_space<vmem>>, vector<16xf32>,
        %add3A_712 = arith.addf %scan3A_678, %get3A_711 : vector<16xf32>
        %get3A_713 = arith.constant 4 : i32
        %get3A_714 = arith.index_cast %get3A_713 : i32 to index
        %get3A_715 = arith.index_cast %mul3A_692 : i32 to index
        %get3A_716 = tpu.vector_load %arg6[%get3A_714, %get3A_715] {strides = array<i32>} : memref<16x640xf32, #tpu.memory_space<vmem>>, vector<16xf32>,
        %add3A_717 = arith.addf %scan3A_679, %get3A_716 : vector<16xf32>
        %get3A_718 = arith.constant 5 : i32
        %get3A_719 = arith.index_cast %get3A_718 : i32 to index
        %get3A_720 = arith.index_cast %mul3A_692 : i32 to index
        %get3A_721 = tpu.vector_load %arg6[%get3A_719, %get3A_720] {strides = array<i32>} : memref<16x640xf32, #tpu.memory_space<vmem>>, vector<16xf32>,
        %add3A_722 = arith.addf %scan3A_680, %get3A_721 : vector<16xf32>
        %get3A_723 = arith.constant 6 : i32
        %get3A_724 = arith.index_cast %get3A_723 : i32 to index
        %get3A_725 = arith.index_cast %mul3A_692 : i32 to index
        %get3A_726 = tpu.vector_load %arg6[%get3A_724, %get3A_725] {strides = array<i32>} : memref<16x640xf32, #tpu.memory_space<vmem>>, vector<16xf32>,
        %add3A_727 = arith.addf %scan3A_681, %get3A_726 : vector<16xf32>
        %get3A_728 = arith.constant 7 : i32
        %get3A_729 = arith.index_cast %get3A_728 : i32 to index
        %get3A_730 = arith.index_cast %mul3A_692 : i32 to index
        %get3A_731 = tpu.vector_load %arg6[%get3A_729, %get3A_730] {strides = array<i32>} : memref<16x640xf32, #tpu.memory_space<vmem>>, vector<16xf32>,
        %add3A_732 = arith.addf %scan3A_682, %get3A_731 : vector<16xf32>
        %get3A_733 = arith.constant 8 : i32
        %get3A_734 = arith.index_cast %get3A_733 : i32 to index
        %get3A_735 = arith.index_cast %mul3A_692 : i32 to index
        %get3A_736 = tpu.vector_load %arg6[%get3A_734, %get3A_735] {strides = array<i32>} : memref<16x640xf32, #tpu.memory_space<vmem>>, vector<16xf32>,
        %add3A_737 = arith.addf %scan3A_683, %get3A_736 : vector<16xf32>
        %get3A_738 = arith.constant 9 : i32
        %get3A_739 = arith.index_cast %get3A_738 : i32 to index
        %get3A_740 = arith.index_cast %mul3A_692 : i32 to index
        %get3A_741 = tpu.vector_load %arg6[%get3A_739, %get3A_740] {strides = array<i32>} : memref<16x640xf32, #tpu.memory_space<vmem>>, vector<16xf32>,
        %add3A_742 = arith.addf %scan3A_684, %get3A_741 : vector<16xf32>
        %get3A_743 = arith.constant 10 : i32
        %get3A_744 = arith.index_cast %get3A_743 : i32 to index
        %get3A_745 = arith.index_cast %mul3A_692 : i32 to index
        %get3A_746 = tpu.vector_load %arg6[%get3A_744, %get3A_745] {strides = array<i32>} : memref<16x640xf32, #tpu.memory_space<vmem>>, vector<16xf32>,
        %add3A_747 = arith.addf %scan3A_685, %get3A_746 : vector<16xf32>
        %get3A_748 = arith.constant 11 : i32
        %get3A_749 = arith.index_cast %get3A_748 : i32 to index
        %get3A_750 = arith.index_cast %mul3A_692 : i32 to index
        %get3A_751 = tpu.vector_load %arg6[%get3A_749, %get3A_750] {strides = array<i32>} : memref<16x640xf32, #tpu.memory_space<vmem>>, vector<16xf32>,
        %add3A_752 = arith.addf %scan3A_686, %get3A_751 : vector<16xf32>
        %get3A_753 = arith.constant 12 : i32
        %get3A_754 = arith.index_cast %get3A_753 : i32 to index
        %get3A_755 = arith.index_cast %mul3A_692 : i32 to index
        %get3A_756 = tpu.vector_load %arg6[%get3A_754, %get3A_755] {strides = array<i32>} : memref<16x640xf32, #tpu.memory_space<vmem>>, vector<16xf32>,
        %add3A_757 = arith.addf %scan3A_687, %get3A_756 : vector<16xf32>
        %get3A_758 = arith.constant 13 : i32
        %get3A_759 = arith.index_cast %get3A_758 : i32 to index
        %get3A_760 = arith.index_cast %mul3A_692 : i32 to index
        %get3A_761 = tpu.vector_load %arg6[%get3A_759, %get3A_760] {strides = array<i32>} : memref<16x640xf32, #tpu.memory_space<vmem>>, vector<16xf32>,
        %add3A_762 = arith.addf %scan3A_688, %get3A_761 : vector<16xf32>
        %get3A_763 = arith.constant 14 : i32
        %get3A_764 = arith.index_cast %get3A_763 : i32 to index
        %get3A_765 = arith.index_cast %mul3A_692 : i32 to index
        %get3A_766 = tpu.vector_load %arg6[%get3A_764, %get3A_765] {strides = array<i32>} : memref<16x640xf32, #tpu.memory_space<vmem>>, vector<16xf32>,
        %add3A_767 = arith.addf %scan3A_689, %get3A_766 : vector<16xf32>
        %get3A_768 = arith.constant 15 : i32
        %get3A_769 = arith.index_cast %get3A_768 : i32 to index
        %get3A_770 = arith.index_cast %mul3A_692 : i32 to index
        %get3A_771 = tpu.vector_load %arg6[%get3A_769, %get3A_770] {strides = array<i32>} : memref<16x640xf32, #tpu.memory_space<vmem>>, vector<16xf32>,
        %add3A_772 = arith.addf %scan3A_690, %get3A_771 : vector<16xf32>
        %add3A_773 = arith.constant 16 : i32
        %add3A_774 = arith.addi %mul3A_692, %add3A_773 : i32
        %get3A_775 = arith.constant 0 : i32
        %get3A_776 = arith.index_cast %get3A_775 : i32 to index
        %get3A_777 = arith.index_cast %add3A_774 : i32 to index
        %get3A_778 = tpu.vector_load %arg6[%get3A_776, %get3A_777] {strides = array<i32>} : memref<16x640xf32, #tpu.memory_space<vmem>>, vector<16xf32>,
        %add3A_779 = arith.addf %add3A_697, %get3A_778 : vector<16xf32>
        %add3A_780 = arith.constant 16 : i32
        %add3A_781 = arith.addi %mul3A_692, %add3A_780 : i32
        %get3A_782 = arith.constant 1 : i32
        %get3A_783 = arith.index_cast %get3A_782 : i32 to index
        %get3A_784 = arith.index_cast %add3A_781 : i32 to index
        %get3A_785 = tpu.vector_load %arg6[%get3A_783, %get3A_784] {strides = array<i32>} : memref<16x640xf32, #tpu.memory_space<vmem>>, vector<16xf32>,
        %add3A_786 = arith.addf %add3A_702, %get3A_785 : vector<16xf32>
        %add3A_787 = arith.constant 16 : i32
        %add3A_788 = arith.addi %mul3A_692, %add3A_787 : i32
        %get3A_789 = arith.constant 2 : i32
        %get3A_790 = arith.index_cast %get3A_789 : i32 to index
        %get3A_791 = arith.index_cast %add3A_788 : i32 to index
        %get3A_792 = tpu.vector_load %arg6[%get3A_790, %get3A_791] {strides = array<i32>} : memref<16x640xf32, #tpu.memory_space<vmem>>, vector<16xf32>,
        %add3A_793 = arith.addf %add3A_707, %get3A_792 : vector<16xf32>
        %add3A_794 = arith.constant 16 : i32
        %add3A_795 = arith.addi %mul3A_692, %add3A_794 : i32
        %get3A_796 = arith.constant 3 : i32
        %get3A_797 = arith.index_cast %get3A_796 : i32 to index
        %get3A_798 = arith.index_cast %add3A_795 : i32 to index
        %get3A_799 = tpu.vector_load %arg6[%get3A_797, %get3A_798] {strides = array<i32>} : memref<16x640xf32, #tpu.memory_space<vmem>>, vector<16xf32>,
        %add3A_800 = arith.addf %add3A_712, %get3A_799 : vector<16xf32>
        %add3A_801 = arith.constant 16 : i32
        %add3A_802 = arith.addi %mul3A_692, %add3A_801 : i32
        %get3A_803 = arith.constant 4 : i32
        %get3A_804 = arith.index_cast %get3A_803 : i32 to index
        %get3A_805 = arith.index_cast %add3A_802 : i32 to index
        %get3A_806 = tpu.vector_load %arg6[%get3A_804, %get3A_805] {strides = array<i32>} : memref<16x640xf32, #tpu.memory_space<vmem>>, vector<16xf32>,
        %add3A_807 = arith.addf %add3A_717, %get3A_806 : vector<16xf32>
        %add3A_808 = arith.constant 16 : i32
        %add3A_809 = arith.addi %mul3A_692, %add3A_808 : i32
        %get3A_810 = arith.constant 5 : i32
        %get3A_811 = arith.index_cast %get3A_810 : i32 to index
        %get3A_812 = arith.index_cast %add3A_809 : i32 to index
        %get3A_813 = tpu.vector_load %arg6[%get3A_811, %get3A_812] {strides = array<i32>} : memref<16x640xf32, #tpu.memory_space<vmem>>, vector<16xf32>,
        %add3A_814 = arith.addf %add3A_722, %get3A_813 : vector<16xf32>
        %add3A_815 = arith.constant 16 : i32
        %add3A_816 = arith.addi %mul3A_692, %add3A_815 : i32
        %get3A_817 = arith.constant 6 : i32
        %get3A_818 = arith.index_cast %get3A_817 : i32 to index
        %get3A_819 = arith.index_cast %add3A_816 : i32 to index
        %get3A_820 = tpu.vector_load %arg6[%get3A_818, %get3A_819] {strides = array<i32>} : memref<16x640xf32, #tpu.memory_space<vmem>>, vector<16xf32>,
        %add3A_821 = arith.addf %add3A_727, %get3A_820 : vector<16xf32>
        %add3A_822 = arith.constant 16 : i32
        %add3A_823 = arith.addi %mul3A_692, %add3A_822 : i32
        %get3A_824 = arith.constant 7 : i32
        %get3A_825 = arith.index_cast %get3A_824 : i32 to index
        %get3A_826 = arith.index_cast %add3A_823 : i32 to index
        %get3A_827 = tpu.vector_load %arg6[%get3A_825, %get3A_826] {strides = array<i32>} : memref<16x640xf32, #tpu.memory_space<vmem>>, vector<16xf32>,
        %add3A_828 = arith.addf %add3A_732, %get3A_827 : vector<16xf32>
        %add3A_829 = arith.constant 16 : i32
        %add3A_830 = arith.addi %mul3A_692, %add3A_829 : i32
        %get3A_831 = arith.constant 8 : i32
        %get3A_832 = arith.index_cast %get3A_831 : i32 to index
        %get3A_833 = arith.index_cast %add3A_830 : i32 to index
        %get3A_834 = tpu.vector_load %arg6[%get3A_832, %get3A_833] {strides = array<i32>} : memref<16x640xf32, #tpu.memory_space<vmem>>, vector<16xf32>,
        %add3A_835 = arith.addf %add3A_737, %get3A_834 : vector<16xf32>
        %add3A_836 = arith.constant 16 : i32
        %add3A_837 = arith.addi %mul3A_692, %add3A_836 : i32
        %get3A_838 = arith.constant 9 : i32
        %get3A_839 = arith.index_cast %get3A_838 : i32 to index
        %get3A_840 = arith.index_cast %add3A_837 : i32 to index
        %get3A_841 = tpu.vector_load %arg6[%get3A_839, %get3A_840] {strides = array<i32>} : memref<16x640xf32, #tpu.memory_space<vmem>>, vector<16xf32>,
        %add3A_842 = arith.addf %add3A_742, %get3A_841 : vector<16xf32>
        %add3A_843 = arith.constant 16 : i32
        %add3A_844 = arith.addi %mul3A_692, %add3A_843 : i32
        %get3A_845 = arith.constant 10 : i32
        %get3A_846 = arith.index_cast %get3A_845 : i32 to index
        %get3A_847 = arith.index_cast %add3A_844 : i32 to index
        %get3A_848 = tpu.vector_load %arg6[%get3A_846, %get3A_847] {strides = array<i32>} : memref<16x640xf32, #tpu.memory_space<vmem>>, vector<16xf32>,
        %add3A_849 = arith.addf %add3A_747, %get3A_848 : vector<16xf32>
        %add3A_850 = arith.constant 16 : i32
        %add3A_851 = arith.addi %mul3A_692, %add3A_850 : i32
        %get3A_852 = arith.constant 11 : i32
        %get3A_853 = arith.index_cast %get3A_852 : i32 to index
        %get3A_854 = arith.index_cast %add3A_851 : i32 to index
        %get3A_855 = tpu.vector_load %arg6[%get3A_853, %get3A_854] {strides = array<i32>} : memref<16x640xf32, #tpu.memory_space<vmem>>, vector<16xf32>,
        %add3A_856 = arith.addf %add3A_752, %get3A_855 : vector<16xf32>
        %add3A_857 = arith.constant 16 : i32
        %add3A_858 = arith.addi %mul3A_692, %add3A_857 : i32
        %get3A_859 = arith.constant 12 : i32
        %get3A_860 = arith.index_cast %get3A_859 : i32 to index
        %get3A_861 = arith.index_cast %add3A_858 : i32 to index
        %get3A_862 = tpu.vector_load %arg6[%get3A_860, %get3A_861] {strides = array<i32>} : memref<16x640xf32, #tpu.memory_space<vmem>>, vector<16xf32>,
        %add3A_863 = arith.addf %add3A_757, %get3A_862 : vector<16xf32>
        %add3A_864 = arith.constant 16 : i32
        %add3A_865 = arith.addi %mul3A_692, %add3A_864 : i32
        %get3A_866 = arith.constant 13 : i32
        %get3A_867 = arith.index_cast %get3A_866 : i32 to index
        %get3A_868 = arith.index_cast %add3A_865 : i32 to index
        %get3A_869 = tpu.vector_load %arg6[%get3A_867, %get3A_868] {strides = array<i32>} : memref<16x640xf32, #tpu.memory_space<vmem>>, vector<16xf32>,
        %add3A_870 = arith.addf %add3A_762, %get3A_869 : vector<16xf32>
        %add3A_871 = arith.constant 16 : i32
        %add3A_872 = arith.addi %mul3A_692, %add3A_871 : i32
        %get3A_873 = arith.constant 14 : i32
        %get3A_874 = arith.index_cast %get3A_873 : i32 to index
        %get3A_875 = arith.index_cast %add3A_872 : i32 to index
        %get3A_876 = tpu.vector_load %arg6[%get3A_874, %get3A_875] {strides = array<i32>} : memref<16x640xf32, #tpu.memory_space<vmem>>, vector<16xf32>,
        %add3A_877 = arith.addf %add3A_767, %get3A_876 : vector<16xf32>
        %add3A_878 = arith.constant 16 : i32
        %add3A_879 = arith.addi %mul3A_692, %add3A_878 : i32
        %get3A_880 = arith.constant 15 : i32
        %get3A_881 = arith.index_cast %get3A_880 : i32 to index
        %get3A_882 = arith.index_cast %add3A_879 : i32 to index
        %get3A_883 = tpu.vector_load %arg6[%get3A_881, %get3A_882] {strides = array<i32>} : memref<16x640xf32, #tpu.memory_space<vmem>>, vector<16xf32>,
        %add3A_884 = arith.addf %add3A_772, %get3A_883 : vector<16xf32>
        scf.yield %add3A_779, %add3A_786, %add3A_793, %add3A_800, %add3A_807, %add3A_814, %add3A_821, %add3A_828, %add3A_835, %add3A_842, %add3A_849, %add3A_856, %add3A_863, %add3A_870, %add3A_877, %add3A_884 : vector<16xf32>, vector<16xf32>, vector<16xf32>, vector<16xf32>, vector<16xf32>, vector<16xf32>, vector<16xf32>, vector<16xf32>, vector<16xf32>, vector<16xf32>, vector<16xf32>, vector<16xf32>, vector<16xf32>, vector<16xf32>, vector<16xf32>, vector<16xf32>
      }
      %scan3A_589 = arith.constant 20 : i32
      %add3A_590 = vector.broadcast %add3A_580 : i32 to vector<16xi32>
      %add3A_591 = arith.addi %broadcast_in_dim3A_5, %add3A_590 : vector<16xi32>
      %mul3A_592 = arith.constant 640 : i32
      %mul3A_593 = vector.broadcast %mul3A_592 : i32 to vector<16xi32>
      %mul3A_594 = arith.muli %add3A_591, %mul3A_593 : vector<16xi32>
      %sub3A_595 = arith.subi %get3A_374, %mul3A_594 : vector<16xi32>
      %ge3A = arith.constant 0 : i32
      %ge3A_596 = vector.broadcast %ge3A : i32 to vector<16xi32>
      %ge3A_597 = arith.cmpi sge, %sub3A_595, %ge3A_596 : vector<16xi32>
      %lt3A = arith.constant 640 : i32
      %lt3A_598 = vector.broadcast %lt3A : i32 to vector<16xi32>
      %lt3A_599 = arith.cmpi slt, %sub3A_595, %lt3A_598 : vector<16xi32>
      %and3A = arith.andi %ge3A_597, %lt3A_599 : vector<16xi1>
      %jit3A_600 = arith.constant 0 : i32
      %jit3A_601 = arith.constant 639 : i32
      %max3A = vector.broadcast %jit3A_600 : i32 to vector<16xi32>
      %max3A_602 = arith.maxsi %max3A, %sub3A_595 : vector<16xi32>
      %min3A = vector.broadcast %jit3A_601 : i32 to vector<16xi32>
      %min3A_603 = arith.minsi %min3A, %max3A_602 : vector<16xi32>
      %gather3A_604 = tpu.vector_load_idx %arg6[%iota3A, %min3A_603] : memref<16x640xf32, #tpu.memory_space<vmem>>[vector<16xi32>, vector<16xi32>], vector<16xf32>,
      %jit3A_605 = arith.constant 0.000000e+00 : f32
      %broadcast_in_dim3A_606 = vector.broadcast %jit3A_605 : f32 to vector<16xf32>
      %select_n3A_607 = arith.select %and3A, %gather3A_604, %broadcast_in_dim3A_606 : vector<16xi1>, vector<16xf32>
      %add3A_608 = arith.addf %scan3A_575, %select_n3A_607 : vector<16xf32>
      %gather3A_609 = tpu.vector_load_idx %arg6[%iota3A, %broadcast_in_dim3A_5] : memref<16x640xf32, #tpu.memory_space<vmem>>[vector<16xi32>, vector<16xi32>], vector<16xf32>,
      %eq3A = arith.constant 0 : i32
      %eq3A_610 = vector.broadcast %eq3A : i32 to vector<16xi32>
      %eq3A_611 = arith.cmpi eq, %add3A_591, %eq3A_610 : vector<16xi32>
      %jit3A_612 = arith.constant 0.000000e+00 : f32
      %broadcast_in_dim3A_613 = vector.broadcast %jit3A_612 : f32 to vector<16xf32>
      %select_n3A_614 = arith.select %eq3A_611, %gather3A_609, %broadcast_in_dim3A_613 : vector<16xi1>, vector<16xf32>
      %add3A_615 = arith.addf %scan3A_576, %select_n3A_614 : vector<16xf32>
      %add3A_616 = arith.constant 2 : i32
      %add3A_617 = arith.addi %add3A_580, %add3A_616 : i32
      %lt3A_618 = arith.constant 50 : i32
      %lt3A_619 = arith.cmpi slt, %add3A_617, %lt3A_618 : i32
      %convert_element_type3A = arith.extui %lt3A_619 : i1 to i32
      %cond3A = arith.constant 0 : i32
      %cond3A_620 = arith.cmpi ne, %convert_element_type3A, %cond3A : i32
      scf.if %cond3A_620 {
        %add3A_674 = arith.constant 2 : i32
        %add3A_675 = arith.addi %add3A_580, %add3A_674 : i32
        %mul3A_676 = arith.constant 640 : i32
        %mul3A_677 = arith.muli %add3A_675, %mul3A_676 : i32
        %dma_start3A_678 = tpu.memref_slice %arg2[%add3A_372, %mul3A_677] : memref<4096x32000xf32, #tpu.memory_space<hbm>> -> memref<16x640xf32, #tpu.memory_space<hbm>>
        %dma_start3A_679 = tpu.memref_slice %arg2[%add3A_372, %mul3A_677] : memref<4096x32000xf32, #tpu.memory_space<hbm>> -> memref<16x640xf32, #tpu.memory_space<hbm>>
        tpu.enqueue_dma source(%dma_start3A_679 : memref<16x640xf32, #tpu.memory_space<hbm>>) target(%arg6 : memref<16x640xf32, #tpu.memory_space<vmem>>) target_semaphore(%arg10 : memref<!tpu.dma_semaphore, #tpu.memory_space<semaphore_mem>>)
      } else {
      }
      %mul3A_621 = arith.constant 2 : i32
      %mul3A_622 = arith.muli %scan3A_558, %mul3A_621 : i32
      %add3A_623 = arith.constant 1 : i32
      %add3A_624 = arith.addi %mul3A_622, %add3A_623 : i32
      %mul3A_625 = arith.constant 640 : i32
      %mul3A_626 = arith.muli %add3A_624, %mul3A_625 : i32
      %dma_wait3A_627 = tpu.memref_slice %arg2[%add3A_372, %mul3A_626] : memref<4096x32000xf32, #tpu.memory_space<hbm>> -> memref<16x640xf32, #tpu.memory_space<hbm>>
      %dma_wait3A_628 = tpu.memref_slice %arg2[%add3A_372, %mul3A_626] : memref<4096x32000xf32, #tpu.memory_space<hbm>> -> memref<16x640xf32, #tpu.memory_space<hbm>>
      tpu.wait_dma2 semaphore(%arg11 : memref<!tpu.dma_semaphore, #tpu.memory_space<semaphore_mem>>) src(%dma_wait3A_628 : memref<16x640xf32, #tpu.memory_space<hbm>>) dst(%arg7 : memref<16x640xf32, #tpu.memory_space<vmem>>)
      %scan3A_629 = arith.constant 0 : i32
      %scan3A_630 = arith.constant 20 : i32
      %scan3A_631 = arith.addi %scan3A_629, %scan3A_630 : i32
      %scan3A_632 = arith.constant 1 : i32
      %scan3A_633:16 = scf.for %scan3A_674 = %scan3A_629 to %scan3A_631 step %scan3A_632 iter_args(%scan3A_675 = %scan3A_588#0, %scan3A_676 = %scan3A_588#1, %scan3A_677 = %scan3A_588#2, %scan3A_678 = %scan3A_588#3, %scan3A_679 = %scan3A_588#4, %scan3A_680 = %scan3A_588#5, %scan3A_681 = %scan3A_588#6, %scan3A_682 = %scan3A_588#7, %scan3A_683 = %scan3A_588#8, %scan3A_684 = %scan3A_588#9, %scan3A_685 = %scan3A_588#10, %scan3A_686 = %scan3A_588#11, %scan3A_687 = %scan3A_588#12, %scan3A_688 = %scan3A_588#13, %scan3A_689 = %scan3A_588#14, %scan3A_690 = %scan3A_588#15) -> (vector<16xf32>, vector<16xf32>, vector<16xf32>, vector<16xf32>, vector<16xf32>, vector<16xf32>, vector<16xf32>, vector<16xf32>, vector<16xf32>, vector<16xf32>, vector<16xf32>, vector<16xf32>, vector<16xf32>, vector<16xf32>, vector<16xf32>, vector<16xf32>)  : i32 {
        %mul3A_691 = arith.constant 32 : i32
        %mul3A_692 = arith.muli %scan3A_674, %mul3A_691 : i32
        %get3A_693 = arith.constant 0 : i32
        %get3A_694 = arith.index_cast %get3A_693 : i32 to index
        %get3A_695 = arith.index_cast %mul3A_692 : i32 to index
        %get3A_696 = tpu.vector_load %arg7[%get3A_694, %get3A_695] {strides = array<i32>} : memref<16x640xf32, #tpu.memory_space<vmem>>, vector<16xf32>,
        %add3A_697 = arith.addf %scan3A_675, %get3A_696 : vector<16xf32>
        %get3A_698 = arith.constant 1 : i32
        %get3A_699 = arith.index_cast %get3A_698 : i32 to index
        %get3A_700 = arith.index_cast %mul3A_692 : i32 to index
        %get3A_701 = tpu.vector_load %arg7[%get3A_699, %get3A_700] {strides = array<i32>} : memref<16x640xf32, #tpu.memory_space<vmem>>, vector<16xf32>,
        %add3A_702 = arith.addf %scan3A_676, %get3A_701 : vector<16xf32>
        %get3A_703 = arith.constant 2 : i32
        %get3A_704 = arith.index_cast %get3A_703 : i32 to index
        %get3A_705 = arith.index_cast %mul3A_692 : i32 to index
        %get3A_706 = tpu.vector_load %arg7[%get3A_704, %get3A_705] {strides = array<i32>} : memref<16x640xf32, #tpu.memory_space<vmem>>, vector<16xf32>,
        %add3A_707 = arith.addf %scan3A_677, %get3A_706 : vector<16xf32>
        %get3A_708 = arith.constant 3 : i32
        %get3A_709 = arith.index_cast %get3A_708 : i32 to index
        %get3A_710 = arith.index_cast %mul3A_692 : i32 to index
        %get3A_711 = tpu.vector_load %arg7[%get3A_709, %get3A_710] {strides = array<i32>} : memref<16x640xf32, #tpu.memory_space<vmem>>, vector<16xf32>,
        %add3A_712 = arith.addf %scan3A_678, %get3A_711 : vector<16xf32>
        %get3A_713 = arith.constant 4 : i32
        %get3A_714 = arith.index_cast %get3A_713 : i32 to index
        %get3A_715 = arith.index_cast %mul3A_692 : i32 to index
        %get3A_716 = tpu.vector_load %arg7[%get3A_714, %get3A_715] {strides = array<i32>} : memref<16x640xf32, #tpu.memory_space<vmem>>, vector<16xf32>,
        %add3A_717 = arith.addf %scan3A_679, %get3A_716 : vector<16xf32>
        %get3A_718 = arith.constant 5 : i32
        %get3A_719 = arith.index_cast %get3A_718 : i32 to index
        %get3A_720 = arith.index_cast %mul3A_692 : i32 to index
        %get3A_721 = tpu.vector_load %arg7[%get3A_719, %get3A_720] {strides = array<i32>} : memref<16x640xf32, #tpu.memory_space<vmem>>, vector<16xf32>,
        %add3A_722 = arith.addf %scan3A_680, %get3A_721 : vector<16xf32>
        %get3A_723 = arith.constant 6 : i32
        %get3A_724 = arith.index_cast %get3A_723 : i32 to index
        %get3A_725 = arith.index_cast %mul3A_692 : i32 to index
        %get3A_726 = tpu.vector_load %arg7[%get3A_724, %get3A_725] {strides = array<i32>} : memref<16x640xf32, #tpu.memory_space<vmem>>, vector<16xf32>,
        %add3A_727 = arith.addf %scan3A_681, %get3A_726 : vector<16xf32>
        %get3A_728 = arith.constant 7 : i32
        %get3A_729 = arith.index_cast %get3A_728 : i32 to index
        %get3A_730 = arith.index_cast %mul3A_692 : i32 to index
        %get3A_731 = tpu.vector_load %arg7[%get3A_729, %get3A_730] {strides = array<i32>} : memref<16x640xf32, #tpu.memory_space<vmem>>, vector<16xf32>,
        %add3A_732 = arith.addf %scan3A_682, %get3A_731 : vector<16xf32>
        %get3A_733 = arith.constant 8 : i32
        %get3A_734 = arith.index_cast %get3A_733 : i32 to index
        %get3A_735 = arith.index_cast %mul3A_692 : i32 to index
        %get3A_736 = tpu.vector_load %arg7[%get3A_734, %get3A_735] {strides = array<i32>} : memref<16x640xf32, #tpu.memory_space<vmem>>, vector<16xf32>,
        %add3A_737 = arith.addf %scan3A_683, %get3A_736 : vector<16xf32>
        %get3A_738 = arith.constant 9 : i32
        %get3A_739 = arith.index_cast %get3A_738 : i32 to index
        %get3A_740 = arith.index_cast %mul3A_692 : i32 to index
        %get3A_741 = tpu.vector_load %arg7[%get3A_739, %get3A_740] {strides = array<i32>} : memref<16x640xf32, #tpu.memory_space<vmem>>, vector<16xf32>,
        %add3A_742 = arith.addf %scan3A_684, %get3A_741 : vector<16xf32>
        %get3A_743 = arith.constant 10 : i32
        %get3A_744 = arith.index_cast %get3A_743 : i32 to index
        %get3A_745 = arith.index_cast %mul3A_692 : i32 to index
        %get3A_746 = tpu.vector_load %arg7[%get3A_744, %get3A_745] {strides = array<i32>} : memref<16x640xf32, #tpu.memory_space<vmem>>, vector<16xf32>,
        %add3A_747 = arith.addf %scan3A_685, %get3A_746 : vector<16xf32>
        %get3A_748 = arith.constant 11 : i32
        %get3A_749 = arith.index_cast %get3A_748 : i32 to index
        %get3A_750 = arith.index_cast %mul3A_692 : i32 to index
        %get3A_751 = tpu.vector_load %arg7[%get3A_749, %get3A_750] {strides = array<i32>} : memref<16x640xf32, #tpu.memory_space<vmem>>, vector<16xf32>,
        %add3A_752 = arith.addf %scan3A_686, %get3A_751 : vector<16xf32>
        %get3A_753 = arith.constant 12 : i32
        %get3A_754 = arith.index_cast %get3A_753 : i32 to index
        %get3A_755 = arith.index_cast %mul3A_692 : i32 to index
        %get3A_756 = tpu.vector_load %arg7[%get3A_754, %get3A_755] {strides = array<i32>} : memref<16x640xf32, #tpu.memory_space<vmem>>, vector<16xf32>,
        %add3A_757 = arith.addf %scan3A_687, %get3A_756 : vector<16xf32>
        %get3A_758 = arith.constant 13 : i32
        %get3A_759 = arith.index_cast %get3A_758 : i32 to index
        %get3A_760 = arith.index_cast %mul3A_692 : i32 to index
        %get3A_761 = tpu.vector_load %arg7[%get3A_759, %get3A_760] {strides = array<i32>} : memref<16x640xf32, #tpu.memory_space<vmem>>, vector<16xf32>,
        %add3A_762 = arith.addf %scan3A_688, %get3A_761 : vector<16xf32>
        %get3A_763 = arith.constant 14 : i32
        %get3A_764 = arith.index_cast %get3A_763 : i32 to index
        %get3A_765 = arith.index_cast %mul3A_692 : i32 to index
        %get3A_766 = tpu.vector_load %arg7[%get3A_764, %get3A_765] {strides = array<i32>} : memref<16x640xf32, #tpu.memory_space<vmem>>, vector<16xf32>,
        %add3A_767 = arith.addf %scan3A_689, %get3A_766 : vector<16xf32>
        %get3A_768 = arith.constant 15 : i32
        %get3A_769 = arith.index_cast %get3A_768 : i32 to index
        %get3A_770 = arith.index_cast %mul3A_692 : i32 to index
        %get3A_771 = tpu.vector_load %arg7[%get3A_769, %get3A_770] {strides = array<i32>} : memref<16x640xf32, #tpu.memory_space<vmem>>, vector<16xf32>,
        %add3A_772 = arith.addf %scan3A_690, %get3A_771 : vector<16xf32>
        %add3A_773 = arith.constant 16 : i32
        %add3A_774 = arith.addi %mul3A_692, %add3A_773 : i32
        %get3A_775 = arith.constant 0 : i32
        %get3A_776 = arith.index_cast %get3A_775 : i32 to index
        %get3A_777 = arith.index_cast %add3A_774 : i32 to index
        %get3A_778 = tpu.vector_load %arg7[%get3A_776, %get3A_777] {strides = array<i32>} : memref<16x640xf32, #tpu.memory_space<vmem>>, vector<16xf32>,
        %add3A_779 = arith.addf %add3A_697, %get3A_778 : vector<16xf32>
        %add3A_780 = arith.constant 16 : i32
        %add3A_781 = arith.addi %mul3A_692, %add3A_780 : i32
        %get3A_782 = arith.constant 1 : i32
        %get3A_783 = arith.index_cast %get3A_782 : i32 to index
        %get3A_784 = arith.index_cast %add3A_781 : i32 to index
        %get3A_785 = tpu.vector_load %arg7[%get3A_783, %get3A_784] {strides = array<i32>} : memref<16x640xf32, #tpu.memory_space<vmem>>, vector<16xf32>,
        %add3A_786 = arith.addf %add3A_702, %get3A_785 : vector<16xf32>
        %add3A_787 = arith.constant 16 : i32
        %add3A_788 = arith.addi %mul3A_692, %add3A_787 : i32
        %get3A_789 = arith.constant 2 : i32
        %get3A_790 = arith.index_cast %get3A_789 : i32 to index
        %get3A_791 = arith.index_cast %add3A_788 : i32 to index
        %get3A_792 = tpu.vector_load %arg7[%get3A_790, %get3A_791] {strides = array<i32>} : memref<16x640xf32, #tpu.memory_space<vmem>>, vector<16xf32>,
        %add3A_793 = arith.addf %add3A_707, %get3A_792 : vector<16xf32>
        %add3A_794 = arith.constant 16 : i32
        %add3A_795 = arith.addi %mul3A_692, %add3A_794 : i32
        %get3A_796 = arith.constant 3 : i32
        %get3A_797 = arith.index_cast %get3A_796 : i32 to index
        %get3A_798 = arith.index_cast %add3A_795 : i32 to index
        %get3A_799 = tpu.vector_load %arg7[%get3A_797, %get3A_798] {strides = array<i32>} : memref<16x640xf32, #tpu.memory_space<vmem>>, vector<16xf32>,
        %add3A_800 = arith.addf %add3A_712, %get3A_799 : vector<16xf32>
        %add3A_801 = arith.constant 16 : i32
        %add3A_802 = arith.addi %mul3A_692, %add3A_801 : i32
        %get3A_803 = arith.constant 4 : i32
        %get3A_804 = arith.index_cast %get3A_803 : i32 to index
        %get3A_805 = arith.index_cast %add3A_802 : i32 to index
        %get3A_806 = tpu.vector_load %arg7[%get3A_804, %get3A_805] {strides = array<i32>} : memref<16x640xf32, #tpu.memory_space<vmem>>, vector<16xf32>,
        %add3A_807 = arith.addf %add3A_717, %get3A_806 : vector<16xf32>
        %add3A_808 = arith.constant 16 : i32
        %add3A_809 = arith.addi %mul3A_692, %add3A_808 : i32
        %get3A_810 = arith.constant 5 : i32
        %get3A_811 = arith.index_cast %get3A_810 : i32 to index
        %get3A_812 = arith.index_cast %add3A_809 : i32 to index
        %get3A_813 = tpu.vector_load %arg7[%get3A_811, %get3A_812] {strides = array<i32>} : memref<16x640xf32, #tpu.memory_space<vmem>>, vector<16xf32>,
        %add3A_814 = arith.addf %add3A_722, %get3A_813 : vector<16xf32>
        %add3A_815 = arith.constant 16 : i32
        %add3A_816 = arith.addi %mul3A_692, %add3A_815 : i32
        %get3A_817 = arith.constant 6 : i32
        %get3A_818 = arith.index_cast %get3A_817 : i32 to index
        %get3A_819 = arith.index_cast %add3A_816 : i32 to index
        %get3A_820 = tpu.vector_load %arg7[%get3A_818, %get3A_819] {strides = array<i32>} : memref<16x640xf32, #tpu.memory_space<vmem>>, vector<16xf32>,
        %add3A_821 = arith.addf %add3A_727, %get3A_820 : vector<16xf32>
        %add3A_822 = arith.constant 16 : i32
        %add3A_823 = arith.addi %mul3A_692, %add3A_822 : i32
        %get3A_824 = arith.constant 7 : i32
        %get3A_825 = arith.index_cast %get3A_824 : i32 to index
        %get3A_826 = arith.index_cast %add3A_823 : i32 to index
        %get3A_827 = tpu.vector_load %arg7[%get3A_825, %get3A_826] {strides = array<i32>} : memref<16x640xf32, #tpu.memory_space<vmem>>, vector<16xf32>,
        %add3A_828 = arith.addf %add3A_732, %get3A_827 : vector<16xf32>
        %add3A_829 = arith.constant 16 : i32
        %add3A_830 = arith.addi %mul3A_692, %add3A_829 : i32
        %get3A_831 = arith.constant 8 : i32
        %get3A_832 = arith.index_cast %get3A_831 : i32 to index
        %get3A_833 = arith.index_cast %add3A_830 : i32 to index
        %get3A_834 = tpu.vector_load %arg7[%get3A_832, %get3A_833] {strides = array<i32>} : memref<16x640xf32, #tpu.memory_space<vmem>>, vector<16xf32>,
        %add3A_835 = arith.addf %add3A_737, %get3A_834 : vector<16xf32>
        %add3A_836 = arith.constant 16 : i32
        %add3A_837 = arith.addi %mul3A_692, %add3A_836 : i32
        %get3A_838 = arith.constant 9 : i32
        %get3A_839 = arith.index_cast %get3A_838 : i32 to index
        %get3A_840 = arith.index_cast %add3A_837 : i32 to index
        %get3A_841 = tpu.vector_load %arg7[%get3A_839, %get3A_840] {strides = array<i32>} : memref<16x640xf32, #tpu.memory_space<vmem>>, vector<16xf32>,
        %add3A_842 = arith.addf %add3A_742, %get3A_841 : vector<16xf32>
        %add3A_843 = arith.constant 16 : i32
        %add3A_844 = arith.addi %mul3A_692, %add3A_843 : i32
        %get3A_845 = arith.constant 10 : i32
        %get3A_846 = arith.index_cast %get3A_845 : i32 to index
        %get3A_847 = arith.index_cast %add3A_844 : i32 to index
        %get3A_848 = tpu.vector_load %arg7[%get3A_846, %get3A_847] {strides = array<i32>} : memref<16x640xf32, #tpu.memory_space<vmem>>, vector<16xf32>,
        %add3A_849 = arith.addf %add3A_747, %get3A_848 : vector<16xf32>
        %add3A_850 = arith.constant 16 : i32
        %add3A_851 = arith.addi %mul3A_692, %add3A_850 : i32
        %get3A_852 = arith.constant 11 : i32
        %get3A_853 = arith.index_cast %get3A_852 : i32 to index
        %get3A_854 = arith.index_cast %add3A_851 : i32 to index
        %get3A_855 = tpu.vector_load %arg7[%get3A_853, %get3A_854] {strides = array<i32>} : memref<16x640xf32, #tpu.memory_space<vmem>>, vector<16xf32>,
        %add3A_856 = arith.addf %add3A_752, %get3A_855 : vector<16xf32>
        %add3A_857 = arith.constant 16 : i32
        %add3A_858 = arith.addi %mul3A_692, %add3A_857 : i32
        %get3A_859 = arith.constant 12 : i32
        %get3A_860 = arith.index_cast %get3A_859 : i32 to index
        %get3A_861 = arith.index_cast %add3A_858 : i32 to index
        %get3A_862 = tpu.vector_load %arg7[%get3A_860, %get3A_861] {strides = array<i32>} : memref<16x640xf32, #tpu.memory_space<vmem>>, vector<16xf32>,
        %add3A_863 = arith.addf %add3A_757, %get3A_862 : vector<16xf32>
        %add3A_864 = arith.constant 16 : i32
        %add3A_865 = arith.addi %mul3A_692, %add3A_864 : i32
        %get3A_866 = arith.constant 13 : i32
        %get3A_867 = arith.index_cast %get3A_866 : i32 to index
        %get3A_868 = arith.index_cast %add3A_865 : i32 to index
        %get3A_869 = tpu.vector_load %arg7[%get3A_867, %get3A_868] {strides = array<i32>} : memref<16x640xf32, #tpu.memory_space<vmem>>, vector<16xf32>,
        %add3A_870 = arith.addf %add3A_762, %get3A_869 : vector<16xf32>
        %add3A_871 = arith.constant 16 : i32
        %add3A_872 = arith.addi %mul3A_692, %add3A_871 : i32
        %get3A_873 = arith.constant 14 : i32
        %get3A_874 = arith.index_cast %get3A_873 : i32 to index
        %get3A_875 = arith.index_cast %add3A_872 : i32 to index
        %get3A_876 = tpu.vector_load %arg7[%get3A_874, %get3A_875] {strides = array<i32>} : memref<16x640xf32, #tpu.memory_space<vmem>>, vector<16xf32>,
        %add3A_877 = arith.addf %add3A_767, %get3A_876 : vector<16xf32>
        %add3A_878 = arith.constant 16 : i32
        %add3A_879 = arith.addi %mul3A_692, %add3A_878 : i32
        %get3A_880 = arith.constant 15 : i32
        %get3A_881 = arith.index_cast %get3A_880 : i32 to index
        %get3A_882 = arith.index_cast %add3A_879 : i32 to index
        %get3A_883 = tpu.vector_load %arg7[%get3A_881, %get3A_882] {strides = array<i32>} : memref<16x640xf32, #tpu.memory_space<vmem>>, vector<16xf32>,
        %add3A_884 = arith.addf %add3A_772, %get3A_883 : vector<16xf32>
        scf.yield %add3A_779, %add3A_786, %add3A_793, %add3A_800, %add3A_807, %add3A_814, %add3A_821, %add3A_828, %add3A_835, %add3A_842, %add3A_849, %add3A_856, %add3A_863, %add3A_870, %add3A_877, %add3A_884 : vector<16xf32>, vector<16xf32>, vector<16xf32>, vector<16xf32>, vector<16xf32>, vector<16xf32>, vector<16xf32>, vector<16xf32>, vector<16xf32>, vector<16xf32>, vector<16xf32>, vector<16xf32>, vector<16xf32>, vector<16xf32>, vector<16xf32>, vector<16xf32>
      }
      %scan3A_634 = arith.constant 20 : i32
      %add3A_635 = vector.broadcast %add3A_624 : i32 to vector<16xi32>
      %add3A_636 = arith.addi %broadcast_in_dim3A_5, %add3A_635 : vector<16xi32>
      %mul3A_637 = arith.constant 640 : i32
      %mul3A_638 = vector.broadcast %mul3A_637 : i32 to vector<16xi32>
      %mul3A_639 = arith.muli %add3A_636, %mul3A_638 : vector<16xi32>
      %sub3A_640 = arith.subi %get3A_374, %mul3A_639 : vector<16xi32>
      %ge3A_641 = arith.constant 0 : i32
      %ge3A_642 = vector.broadcast %ge3A_641 : i32 to vector<16xi32>
      %ge3A_643 = arith.cmpi sge, %sub3A_640, %ge3A_642 : vector<16xi32>
      %lt3A_644 = arith.constant 640 : i32
      %lt3A_645 = vector.broadcast %lt3A_644 : i32 to vector<16xi32>
      %lt3A_646 = arith.cmpi slt, %sub3A_640, %lt3A_645 : vector<16xi32>
      %and3A_647 = arith.andi %ge3A_643, %lt3A_646 : vector<16xi1>
      %jit3A_648 = arith.constant 0 : i32
      %jit3A_649 = arith.constant 639 : i32
      %max3A_650 = vector.broadcast %jit3A_648 : i32 to vector<16xi32>
      %max3A_651 = arith.maxsi %max3A_650, %sub3A_640 : vector<16xi32>
      %min3A_652 = vector.broadcast %jit3A_649 : i32 to vector<16xi32>
      %min3A_653 = arith.minsi %min3A_652, %max3A_651 : vector<16xi32>
      %gather3A_654 = tpu.vector_load_idx %arg7[%iota3A, %min3A_653] : memref<16x640xf32, #tpu.memory_space<vmem>>[vector<16xi32>, vector<16xi32>], vector<16xf32>,
      %jit3A_655 = arith.constant 0.000000e+00 : f32
      %broadcast_in_dim3A_656 = vector.broadcast %jit3A_655 : f32 to vector<16xf32>
      %select_n3A_657 = arith.select %and3A_647, %gather3A_654, %broadcast_in_dim3A_656 : vector<16xi1>, vector<16xf32>
      %add3A_658 = arith.addf %add3A_608, %select_n3A_657 : vector<16xf32>
      %gather3A_659 = tpu.vector_load_idx %arg7[%iota3A, %broadcast_in_dim3A_5] : memref<16x640xf32, #tpu.memory_space<vmem>>[vector<16xi32>, vector<16xi32>], vector<16xf32>,
      %eq3A_660 = arith.constant 0 : i32
      %eq3A_661 = vector.broadcast %eq3A_660 : i32 to vector<16xi32>
      %eq3A_662 = arith.cmpi eq, %add3A_636, %eq3A_661 : vector<16xi32>
      %jit3A_663 = arith.constant 0.000000e+00 : f32
      %broadcast_in_dim3A_664 = vector.broadcast %jit3A_663 : f32 to vector<16xf32>
      %select_n3A_665 = arith.select %eq3A_662, %gather3A_659, %broadcast_in_dim3A_664 : vector<16xi1>, vector<16xf32>
      %add3A_666 = arith.addf %add3A_615, %select_n3A_665 : vector<16xf32>
      %add3A_667 = arith.constant 2 : i32
      %add3A_668 = arith.addi %add3A_624, %add3A_667 : i32
      %lt3A_669 = arith.constant 50 : i32
      %lt3A_670 = arith.cmpi slt, %add3A_668, %lt3A_669 : i32
      %convert_element_type3A_671 = arith.extui %lt3A_670 : i1 to i32
      %cond3A_672 = arith.constant 0 : i32
      %cond3A_673 = arith.cmpi ne, %convert_element_type3A_671, %cond3A_672 : i32
      scf.if %cond3A_673 {
        %add3A_674 = arith.constant 2 : i32
        %add3A_675 = arith.addi %add3A_624, %add3A_674 : i32
        %mul3A_676 = arith.constant 640 : i32
        %mul3A_677 = arith.muli %add3A_675, %mul3A_676 : i32
        %dma_start3A_678 = tpu.memref_slice %arg2[%add3A_372, %mul3A_677] : memref<4096x32000xf32, #tpu.memory_space<hbm>> -> memref<16x640xf32, #tpu.memory_space<hbm>>
        %dma_start3A_679 = tpu.memref_slice %arg2[%add3A_372, %mul3A_677] : memref<4096x32000xf32, #tpu.memory_space<hbm>> -> memref<16x640xf32, #tpu.memory_space<hbm>>
        tpu.enqueue_dma source(%dma_start3A_679 : memref<16x640xf32, #tpu.memory_space<hbm>>) target(%arg7 : memref<16x640xf32, #tpu.memory_space<vmem>>) target_semaphore(%arg11 : memref<!tpu.dma_semaphore, #tpu.memory_space<semaphore_mem>>)
      } else {
      }
      scf.yield %scan3A_633#0, %scan3A_633#1, %scan3A_633#2, %scan3A_633#3, %scan3A_633#4, %scan3A_633#5, %scan3A_633#6, %scan3A_633#7, %scan3A_633#8, %scan3A_633#9, %scan3A_633#10, %scan3A_633#11, %scan3A_633#12, %scan3A_633#13, %scan3A_633#14, %scan3A_633#15, %add3A_658, %add3A_666 : vector<16xf32>, vector<16xf32>, vector<16xf32>, vector<16xf32>, vector<16xf32>, vector<16xf32>, vector<16xf32>, vector<16xf32>, vector<16xf32>, vector<16xf32>, vector<16xf32>, vector<16xf32>, vector<16xf32>, vector<16xf32>, vector<16xf32>, vector<16xf32>, vector<16xf32>, vector<16xf32>
    }
    %scan3A_424 = arith.constant 25 : i32
    %broadcast_in_dim3A_425 = arith.constant true
    %broadcast_in_dim3A_426 = vector.broadcast %broadcast_in_dim3A_425 : i1 to vector<16xi1>
    %masked_cumsum3A_427 = tpu.scan <sum>, %scan3A_423#0 masked %broadcast_in_dim3A_426 : vector<16xf32>, vector<16xi1> -> vector<16xf32>
    %swap3A_428 = arith.constant 0 : i32
    %swap3A_429 = arith.index_cast %swap3A_428 : i32 to index
    %swap3A_430 = arith.constant 0 : index
    %swap3A_431 = tpu.vector_load %arg8[%swap3A_429, %swap3A_430] {strides = array<i32>} : memref<16x16xf32, #tpu.memory_space<vmem>>, vector<16xf32>,
    tpu.vector_store %arg8[%swap3A_429, %swap3A_430], %masked_cumsum3A_427 {strides = array<i32>} : memref<16x16xf32, #tpu.memory_space<vmem>>, vector<16xf32>,
    %broadcast_in_dim3A_432 = arith.constant true
    %broadcast_in_dim3A_433 = vector.broadcast %broadcast_in_dim3A_432 : i1 to vector<16xi1>
    %masked_cumsum3A_434 = tpu.scan <sum>, %scan3A_423#1 masked %broadcast_in_dim3A_433 : vector<16xf32>, vector<16xi1> -> vector<16xf32>
    %swap3A_435 = arith.constant 1 : i32
    %swap3A_436 = arith.index_cast %swap3A_435 : i32 to index
    %swap3A_437 = arith.constant 0 : index
    %swap3A_438 = tpu.vector_load %arg8[%swap3A_436, %swap3A_437] {strides = array<i32>} : memref<16x16xf32, #tpu.memory_space<vmem>>, vector<16xf32>,
    tpu.vector_store %arg8[%swap3A_436, %swap3A_437], %masked_cumsum3A_434 {strides = array<i32>} : memref<16x16xf32, #tpu.memory_space<vmem>>, vector<16xf32>,
    %broadcast_in_dim3A_439 = arith.constant true
    %broadcast_in_dim3A_440 = vector.broadcast %broadcast_in_dim3A_439 : i1 to vector<16xi1>
    %masked_cumsum3A_441 = tpu.scan <sum>, %scan3A_423#2 masked %broadcast_in_dim3A_440 : vector<16xf32>, vector<16xi1> -> vector<16xf32>
    %swap3A_442 = arith.constant 2 : i32
    %swap3A_443 = arith.index_cast %swap3A_442 : i32 to index
    %swap3A_444 = arith.constant 0 : index
    %swap3A_445 = tpu.vector_load %arg8[%swap3A_443, %swap3A_444] {strides = array<i32>} : memref<16x16xf32, #tpu.memory_space<vmem>>, vector<16xf32>,
    tpu.vector_store %arg8[%swap3A_443, %swap3A_444], %masked_cumsum3A_441 {strides = array<i32>} : memref<16x16xf32, #tpu.memory_space<vmem>>, vector<16xf32>,
    %broadcast_in_dim3A_446 = arith.constant true
    %broadcast_in_dim3A_447 = vector.broadcast %broadcast_in_dim3A_446 : i1 to vector<16xi1>
    %masked_cumsum3A_448 = tpu.scan <sum>, %scan3A_423#3 masked %broadcast_in_dim3A_447 : vector<16xf32>, vector<16xi1> -> vector<16xf32>
    %swap3A_449 = arith.constant 3 : i32
    %swap3A_450 = arith.index_cast %swap3A_449 : i32 to index
    %swap3A_451 = arith.constant 0 : index
    %swap3A_452 = tpu.vector_load %arg8[%swap3A_450, %swap3A_451] {strides = array<i32>} : memref<16x16xf32, #tpu.memory_space<vmem>>, vector<16xf32>,
    tpu.vector_store %arg8[%swap3A_450, %swap3A_451], %masked_cumsum3A_448 {strides = array<i32>} : memref<16x16xf32, #tpu.memory_space<vmem>>, vector<16xf32>,
    %broadcast_in_dim3A_453 = arith.constant true
    %broadcast_in_dim3A_454 = vector.broadcast %broadcast_in_dim3A_453 : i1 to vector<16xi1>
    %masked_cumsum3A_455 = tpu.scan <sum>, %scan3A_423#4 masked %broadcast_in_dim3A_454 : vector<16xf32>, vector<16xi1> -> vector<16xf32>
    %swap3A_456 = arith.constant 4 : i32
    %swap3A_457 = arith.index_cast %swap3A_456 : i32 to index
    %swap3A_458 = arith.constant 0 : index
    %swap3A_459 = tpu.vector_load %arg8[%swap3A_457, %swap3A_458] {strides = array<i32>} : memref<16x16xf32, #tpu.memory_space<vmem>>, vector<16xf32>,
    tpu.vector_store %arg8[%swap3A_457, %swap3A_458], %masked_cumsum3A_455 {strides = array<i32>} : memref<16x16xf32, #tpu.memory_space<vmem>>, vector<16xf32>,
    %broadcast_in_dim3A_460 = arith.constant true
    %broadcast_in_dim3A_461 = vector.broadcast %broadcast_in_dim3A_460 : i1 to vector<16xi1>
    %masked_cumsum3A_462 = tpu.scan <sum>, %scan3A_423#5 masked %broadcast_in_dim3A_461 : vector<16xf32>, vector<16xi1> -> vector<16xf32>
    %swap3A_463 = arith.constant 5 : i32
    %swap3A_464 = arith.index_cast %swap3A_463 : i32 to index
    %swap3A_465 = arith.constant 0 : index
    %swap3A_466 = tpu.vector_load %arg8[%swap3A_464, %swap3A_465] {strides = array<i32>} : memref<16x16xf32, #tpu.memory_space<vmem>>, vector<16xf32>,
    tpu.vector_store %arg8[%swap3A_464, %swap3A_465], %masked_cumsum3A_462 {strides = array<i32>} : memref<16x16xf32, #tpu.memory_space<vmem>>, vector<16xf32>,
    %broadcast_in_dim3A_467 = arith.constant true
    %broadcast_in_dim3A_468 = vector.broadcast %broadcast_in_dim3A_467 : i1 to vector<16xi1>
    %masked_cumsum3A_469 = tpu.scan <sum>, %scan3A_423#6 masked %broadcast_in_dim3A_468 : vector<16xf32>, vector<16xi1> -> vector<16xf32>
    %swap3A_470 = arith.constant 6 : i32
    %swap3A_471 = arith.index_cast %swap3A_470 : i32 to index
    %swap3A_472 = arith.constant 0 : index
    %swap3A_473 = tpu.vector_load %arg8[%swap3A_471, %swap3A_472] {strides = array<i32>} : memref<16x16xf32, #tpu.memory_space<vmem>>, vector<16xf32>,
    tpu.vector_store %arg8[%swap3A_471, %swap3A_472], %masked_cumsum3A_469 {strides = array<i32>} : memref<16x16xf32, #tpu.memory_space<vmem>>, vector<16xf32>,
    %broadcast_in_dim3A_474 = arith.constant true
    %broadcast_in_dim3A_475 = vector.broadcast %broadcast_in_dim3A_474 : i1 to vector<16xi1>
    %masked_cumsum3A_476 = tpu.scan <sum>, %scan3A_423#7 masked %broadcast_in_dim3A_475 : vector<16xf32>, vector<16xi1> -> vector<16xf32>
    %swap3A_477 = arith.constant 7 : i32
    %swap3A_478 = arith.index_cast %swap3A_477 : i32 to index
    %swap3A_479 = arith.constant 0 : index
    %swap3A_480 = tpu.vector_load %arg8[%swap3A_478, %swap3A_479] {strides = array<i32>} : memref<16x16xf32, #tpu.memory_space<vmem>>, vector<16xf32>,
    tpu.vector_store %arg8[%swap3A_478, %swap3A_479], %masked_cumsum3A_476 {strides = array<i32>} : memref<16x16xf32, #tpu.memory_space<vmem>>, vector<16xf32>,
    %broadcast_in_dim3A_481 = arith.constant true
    %broadcast_in_dim3A_482 = vector.broadcast %broadcast_in_dim3A_481 : i1 to vector<16xi1>
    %masked_cumsum3A_483 = tpu.scan <sum>, %scan3A_423#8 masked %broadcast_in_dim3A_482 : vector<16xf32>, vector<16xi1> -> vector<16xf32>
    %swap3A_484 = arith.constant 8 : i32
    %swap3A_485 = arith.index_cast %swap3A_484 : i32 to index
    %swap3A_486 = arith.constant 0 : index
    %swap3A_487 = tpu.vector_load %arg8[%swap3A_485, %swap3A_486] {strides = array<i32>} : memref<16x16xf32, #tpu.memory_space<vmem>>, vector<16xf32>,
    tpu.vector_store %arg8[%swap3A_485, %swap3A_486], %masked_cumsum3A_483 {strides = array<i32>} : memref<16x16xf32, #tpu.memory_space<vmem>>, vector<16xf32>,
    %broadcast_in_dim3A_488 = arith.constant true
    %broadcast_in_dim3A_489 = vector.broadcast %broadcast_in_dim3A_488 : i1 to vector<16xi1>
    %masked_cumsum3A_490 = tpu.scan <sum>, %scan3A_423#9 masked %broadcast_in_dim3A_489 : vector<16xf32>, vector<16xi1> -> vector<16xf32>
    %swap3A_491 = arith.constant 9 : i32
    %swap3A_492 = arith.index_cast %swap3A_491 : i32 to index
    %swap3A_493 = arith.constant 0 : index
    %swap3A_494 = tpu.vector_load %arg8[%swap3A_492, %swap3A_493] {strides = array<i32>} : memref<16x16xf32, #tpu.memory_space<vmem>>, vector<16xf32>,
    tpu.vector_store %arg8[%swap3A_492, %swap3A_493], %masked_cumsum3A_490 {strides = array<i32>} : memref<16x16xf32, #tpu.memory_space<vmem>>, vector<16xf32>,
    %broadcast_in_dim3A_495 = arith.constant true
    %broadcast_in_dim3A_496 = vector.broadcast %broadcast_in_dim3A_495 : i1 to vector<16xi1>
    %masked_cumsum3A_497 = tpu.scan <sum>, %scan3A_423#10 masked %broadcast_in_dim3A_496 : vector<16xf32>, vector<16xi1> -> vector<16xf32>
    %swap3A_498 = arith.constant 10 : i32
    %swap3A_499 = arith.index_cast %swap3A_498 : i32 to index
    %swap3A_500 = arith.constant 0 : index
    %swap3A_501 = tpu.vector_load %arg8[%swap3A_499, %swap3A_500] {strides = array<i32>} : memref<16x16xf32, #tpu.memory_space<vmem>>, vector<16xf32>,
    tpu.vector_store %arg8[%swap3A_499, %swap3A_500], %masked_cumsum3A_497 {strides = array<i32>} : memref<16x16xf32, #tpu.memory_space<vmem>>, vector<16xf32>,
    %broadcast_in_dim3A_502 = arith.constant true
    %broadcast_in_dim3A_503 = vector.broadcast %broadcast_in_dim3A_502 : i1 to vector<16xi1>
    %masked_cumsum3A_504 = tpu.scan <sum>, %scan3A_423#11 masked %broadcast_in_dim3A_503 : vector<16xf32>, vector<16xi1> -> vector<16xf32>
    %swap3A_505 = arith.constant 11 : i32
    %swap3A_506 = arith.index_cast %swap3A_505 : i32 to index
    %swap3A_507 = arith.constant 0 : index
    %swap3A_508 = tpu.vector_load %arg8[%swap3A_506, %swap3A_507] {strides = array<i32>} : memref<16x16xf32, #tpu.memory_space<vmem>>, vector<16xf32>,
    tpu.vector_store %arg8[%swap3A_506, %swap3A_507], %masked_cumsum3A_504 {strides = array<i32>} : memref<16x16xf32, #tpu.memory_space<vmem>>, vector<16xf32>,
    %broadcast_in_dim3A_509 = arith.constant true
    %broadcast_in_dim3A_510 = vector.broadcast %broadcast_in_dim3A_509 : i1 to vector<16xi1>
    %masked_cumsum3A_511 = tpu.scan <sum>, %scan3A_423#12 masked %broadcast_in_dim3A_510 : vector<16xf32>, vector<16xi1> -> vector<16xf32>
    %swap3A_512 = arith.constant 12 : i32
    %swap3A_513 = arith.index_cast %swap3A_512 : i32 to index
    %swap3A_514 = arith.constant 0 : index
    %swap3A_515 = tpu.vector_load %arg8[%swap3A_513, %swap3A_514] {strides = array<i32>} : memref<16x16xf32, #tpu.memory_space<vmem>>, vector<16xf32>,
    tpu.vector_store %arg8[%swap3A_513, %swap3A_514], %masked_cumsum3A_511 {strides = array<i32>} : memref<16x16xf32, #tpu.memory_space<vmem>>, vector<16xf32>,
    %broadcast_in_dim3A_516 = arith.constant true
    %broadcast_in_dim3A_517 = vector.broadcast %broadcast_in_dim3A_516 : i1 to vector<16xi1>
    %masked_cumsum3A_518 = tpu.scan <sum>, %scan3A_423#13 masked %broadcast_in_dim3A_517 : vector<16xf32>, vector<16xi1> -> vector<16xf32>
    %swap3A_519 = arith.constant 13 : i32
    %swap3A_520 = arith.index_cast %swap3A_519 : i32 to index
    %swap3A_521 = arith.constant 0 : index
    %swap3A_522 = tpu.vector_load %arg8[%swap3A_520, %swap3A_521] {strides = array<i32>} : memref<16x16xf32, #tpu.memory_space<vmem>>, vector<16xf32>,
    tpu.vector_store %arg8[%swap3A_520, %swap3A_521], %masked_cumsum3A_518 {strides = array<i32>} : memref<16x16xf32, #tpu.memory_space<vmem>>, vector<16xf32>,
    %broadcast_in_dim3A_523 = arith.constant true
    %broadcast_in_dim3A_524 = vector.broadcast %broadcast_in_dim3A_523 : i1 to vector<16xi1>
    %masked_cumsum3A_525 = tpu.scan <sum>, %scan3A_423#14 masked %broadcast_in_dim3A_524 : vector<16xf32>, vector<16xi1> -> vector<16xf32>
    %swap3A_526 = arith.constant 14 : i32
    %swap3A_527 = arith.index_cast %swap3A_526 : i32 to index
    %swap3A_528 = arith.constant 0 : index
    %swap3A_529 = tpu.vector_load %arg8[%swap3A_527, %swap3A_528] {strides = array<i32>} : memref<16x16xf32, #tpu.memory_space<vmem>>, vector<16xf32>,
    tpu.vector_store %arg8[%swap3A_527, %swap3A_528], %masked_cumsum3A_525 {strides = array<i32>} : memref<16x16xf32, #tpu.memory_space<vmem>>, vector<16xf32>,
    %broadcast_in_dim3A_530 = arith.constant true
    %broadcast_in_dim3A_531 = vector.broadcast %broadcast_in_dim3A_530 : i1 to vector<16xi1>
    %masked_cumsum3A_532 = tpu.scan <sum>, %scan3A_423#15 masked %broadcast_in_dim3A_531 : vector<16xf32>, vector<16xi1> -> vector<16xf32>
    %swap3A_533 = arith.constant 15 : i32
    %swap3A_534 = arith.index_cast %swap3A_533 : i32 to index
    %swap3A_535 = arith.constant 0 : index
    %swap3A_536 = tpu.vector_load %arg8[%swap3A_534, %swap3A_535] {strides = array<i32>} : memref<16x16xf32, #tpu.memory_space<vmem>>, vector<16xf32>,
    tpu.vector_store %arg8[%swap3A_534, %swap3A_535], %masked_cumsum3A_532 {strides = array<i32>} : memref<16x16xf32, #tpu.memory_space<vmem>>, vector<16xf32>,
    %gather3A_537 = tpu.vector_load_idx %arg8[%iota3A, %add3A_8] : memref<16x16xf32, #tpu.memory_space<vmem>>[vector<16xi32>, vector<16xi32>], vector<16xf32>,
    %sub3A_538 = arith.subf %gather3A_537, %scan3A_423#17 : vector<16xf32>
    %mul3A_539 = arith.constant 3.12519524E-6 : f32
    %mul3A_540 = vector.broadcast %mul3A_539 : f32 to vector<16xf32>
    %mul3A_541 = arith.mulf %mul3A_540, %sub3A_538 : vector<16xf32>
    %sub3A_542 = arith.constant -1.3624258 : f32
    %sub3A_543 = vector.broadcast %sub3A_542 : f32 to vector<16xf32>
    %sub3A_544 = arith.subf %sub3A_543, %mul3A_541 : vector<16xf32>
    %mul3A_545 = arith.constant -0.899996876 : f32
    %mul3A_546 = vector.broadcast %mul3A_545 : f32 to vector<16xf32>
    %mul3A_547 = arith.mulf %mul3A_546, %scan3A_423#16 : vector<16xf32>
    %add3A_548 = arith.addf %sub3A_544, %mul3A_547 : vector<16xf32>
    %ne3A_549 = arith.constant 0 : i32
    %ne3A_550 = vector.broadcast %ne3A_549 : i32 to vector<16xi32>
    %ne3A_551 = arith.cmpi ne, %get3A_374, %ne3A_550 : vector<16xi32>
    %jit3A_552 = arith.constant 0.000000e+00 : f32
    %broadcast_in_dim3A_553 = vector.broadcast %jit3A_552 : f32 to vector<16xf32>
    %select_n3A_554 = arith.select %ne3A_551, %add3A_548, %broadcast_in_dim3A_553 : vector<16xi1>, vector<16xf32>
    %add3A_555 = arith.addf %add3A_370, %select_n3A_554 : vector<16xf32>
    %swap3A_556 = arith.constant 0 : index
    %swap3A_557 = tpu.vector_load %arg9[%swap3A_556] {strides = array<i32>} : memref<16xf32, #tpu.memory_space<vmem>>, vector<16xf32>,
    tpu.vector_store %arg9[%swap3A_556], %add3A_555 {strides = array<i32>} : memref<16xf32, #tpu.memory_space<vmem>>, vector<16xf32>,
    "tpu.region"() ({
      %run_scoped3A = tpu.sem_alloc : memref<!tpu.dma_semaphore, #tpu.memory_space<semaphore_mem>>
      %dma_start3A_558 = arith.constant 0 : i32
      %dma_start3A_559 = tpu.memref_slice %arg4[%add3A, %dma_start3A_558] : memref<32x16xf32, #tpu.memory_space<hbm>> -> memref<1x16xf32, #tpu.memory_space<hbm>>
      %dma_start3A_560 = tpu.memref_squeeze %dma_start3A_559 : memref<1x16xf32, #tpu.memory_space<hbm>> -> memref<16xf32, #tpu.memory_space<hbm>>
      %dma_start3A_561 = arith.constant 0 : i32
      %dma_start3A_562 = tpu.memref_slice %arg4[%add3A, %dma_start3A_561] : memref<32x16xf32, #tpu.memory_space<hbm>> -> memref<1x16xf32, #tpu.memory_space<hbm>>
      %dma_start3A_563 = tpu.memref_squeeze %dma_start3A_562 : memref<1x16xf32, #tpu.memory_space<hbm>> -> memref<16xf32, #tpu.memory_space<hbm>>
      tpu.enqueue_dma source(%arg9 : memref<16xf32, #tpu.memory_space<vmem>>) target(%dma_start3A_563 : memref<16xf32, #tpu.memory_space<hbm>>) target_semaphore(%run_scoped3A : memref<!tpu.dma_semaphore, #tpu.memory_space<semaphore_mem>>)
      %dma_wait3A = arith.constant 0 : i32
      %dma_wait3A_564 = tpu.memref_slice %arg4[%add3A, %dma_wait3A] : memref<32x16xf32, #tpu.memory_space<hbm>> -> memref<1x16xf32, #tpu.memory_space<hbm>>
      %dma_wait3A_565 = tpu.memref_squeeze %dma_wait3A_564 : memref<1x16xf32, #tpu.memory_space<hbm>> -> memref<16xf32, #tpu.memory_space<hbm>>
      %dma_wait3A_566 = arith.constant 0 : i32
      %dma_wait3A_567 = tpu.memref_slice %arg4[%add3A, %dma_wait3A_566] : memref<32x16xf32, #tpu.memory_space<hbm>> -> memref<1x16xf32, #tpu.memory_space<hbm>>
      %dma_wait3A_568 = tpu.memref_squeeze %dma_wait3A_567 : memref<1x16xf32, #tpu.memory_space<hbm>> -> memref<16xf32, #tpu.memory_space<hbm>>
      tpu.wait_dma2 semaphore(%run_scoped3A : memref<!tpu.dma_semaphore, #tpu.memory_space<semaphore_mem>>) src(%arg9 : memref<16xf32, #tpu.memory_space<vmem>>) dst(%dma_wait3A_568 : memref<16xf32, #tpu.memory_space<hbm>>)
      tpu.yield
    }) : () -> ()
    return
  }
}

module attributes {stable_mosaic.version = 14 : i64} {
  func.func @_tc_body(%arg0: i32, %arg1: i32, %arg2: memref<256x1xi32, #tpu.memory_space<vmem>>, %arg3: memref<1x3200xi32, #tpu.memory_space<vmem>>, %arg4: memref<256x3200xf32, #tpu.memory_space<vmem>>, %arg5: memref<8x128xf32, #tpu.memory_space<vmem>>) attributes {dimension_semantics = [#tpu.dimension_semantics<parallel>, #tpu.dimension_semantics<parallel>], iteration_bounds = array<i64: 10, 10>, scalar_prefetch = 0 : i64, scratch_operands = 0 : i64, tpu.core_type = #tpu.core_type<tc>, window_params = [{transform_indices = @transform_0, window_bounds = array<i64: 256, 1>}, {transform_indices = @transform_1, window_bounds = array<i64: 1, 3200>}, {transform_indices = @transform_2, window_bounds = array<i64: 256, 3200>}, {transform_indices = @transform_3, window_bounds = array<i64: 8, 128>}]} {
    %get3A = arith.constant 0 : index
    %get3A_0 = arith.constant 0 : index
    %get3A_1 = vector.load %arg4[%get3A, %get3A_0] : memref<256x3200xf32, #tpu.memory_space<vmem>>, vector<256x3200xf32>
    %get3A_2 = arith.constant 0 : index
    %get3A_3 = arith.constant 0 : index
    %get3A_4 = vector.load %arg2[%get3A_2, %get3A_3] : memref<256x1xi32, #tpu.memory_space<vmem>>, vector<256x1xi32>
    %ne3A = arith.constant 0 : i32
    %ne3A_5 = vector.broadcast %ne3A : i32 to vector<256x1xi32>
    %ne3A_6 = arith.cmpi ne, %get3A_4, %ne3A_5 : vector<256x1xi32>
    %convert_element_type3A = arith.extui %ne3A_6 : vector<256x1xi1> to vector<256x1xi32>
    %convert_element_type3A_7 = arith.sitofp %convert_element_type3A : vector<256x1xi32> to vector<256x1xf32>
    %reduce_sum3A = arith.constant dense<0.000000e+00> : vector<256xf32>
    %reduce_sum3A_8 = vector.multi_reduction <add>, %get3A_1, %reduce_sum3A [1] : vector<256x3200xf32> to vector<256xf32>
    %broadcast_in_dim3A = vector.shape_cast %reduce_sum3A_8 : vector<256xf32> to vector<256x1xf32>
    %get3A_9 = arith.constant 0 : index
    %get3A_10 = arith.constant 0 : index
    %get3A_11 = vector.load %arg3[%get3A_9, %get3A_10] : memref<1x3200xi32, #tpu.memory_space<vmem>>, vector<1x3200xi32>
    %eq3A = vector.broadcast %get3A_11 : vector<1x3200xi32> to vector<256x3200xi32>
    %eq3A_12 = vector.broadcast %get3A_4 : vector<256x1xi32> to vector<256x3200xi32>
    %eq3A_13 = arith.cmpi eq, %eq3A, %eq3A_12 : vector<256x3200xi32>
    %jit3A = arith.constant 0.000000e+00 : f32
    %broadcast_in_dim3A_14 = vector.broadcast %jit3A : f32 to vector<256x3200xf32>
    %select_n3A = arith.select %eq3A_13, %get3A_1, %broadcast_in_dim3A_14 : vector<256x3200xi1>, vector<256x3200xf32>
    %reduce_sum3A_15 = arith.constant dense<0.000000e+00> : vector<256xf32>
    %reduce_sum3A_16 = vector.multi_reduction <add>, %select_n3A, %reduce_sum3A_15 [1] : vector<256x3200xf32> to vector<256xf32>
    %broadcast_in_dim3A_17 = vector.shape_cast %reduce_sum3A_16 : vector<256xf32> to vector<256x1xf32>
    %mul3A = arith.constant -0.899996876 : f32
    %mul3A_18 = vector.broadcast %mul3A : f32 to vector<256x1xf32>
    %mul3A_19 = arith.mulf %mul3A_18, %broadcast_in_dim3A_17 : vector<256x1xf32>
    %mul3A_20 = arith.constant 3.12519524E-6 : f32
    %mul3A_21 = vector.broadcast %mul3A_20 : f32 to vector<256x1xf32>
    %mul3A_22 = arith.mulf %mul3A_21, %broadcast_in_dim3A : vector<256x1xf32>
    %sub3A = arith.subf %mul3A_19, %mul3A_22 : vector<256x1xf32>
    %mul3A_23 = arith.mulf %convert_element_type3A_7, %sub3A : vector<256x1xf32>
    %reduce_sum3A_24 = vector.shape_cast %mul3A_23 : vector<256x1xf32> to vector<1x256x1xf32>
    %reduce_sum3A_25 = arith.constant dense<0.000000e+00> : vector<1xf32>
    %reduce_sum3A_26 = vector.multi_reduction <add>, %reduce_sum3A_24, %reduce_sum3A_25 [1, 2] : vector<1x256x1xf32> to vector<1xf32>
    %reduce_sum3A_27 = vector.shape_cast %reduce_sum3A_26 : vector<1xf32> to vector<1x1x1xf32>
    %reduce_sum3A_28 = vector.extract %reduce_sum3A_27[0, 0, 0] : f32 from vector<1x1x1xf32>
    %eq3A_29 = arith.constant 0 : i32
    %eq3A_30 = arith.cmpi eq, %arg1, %eq3A_29 : i32
    %slice3A = vector.extract_strided_slice %get3A_1 {offsets = [0, 0], sizes = [256, 1], strides = [1, 1]} : vector<256x3200xf32> to vector<256x1xf32>
    %mul3A_31 = arith.constant 3.12519524E-6 : f32
    %mul3A_32 = vector.broadcast %mul3A_31 : f32 to vector<256x1xf32>
    %mul3A_33 = arith.mulf %mul3A_32, %slice3A : vector<256x1xf32>
    %add3A = arith.constant -1.3624258 : f32
    %add3A_34 = vector.broadcast %add3A : f32 to vector<256x1xf32>
    %add3A_35 = arith.addf %mul3A_33, %add3A_34 : vector<256x1xf32>
    %mul3A_36 = arith.mulf %convert_element_type3A_7, %add3A_35 : vector<256x1xf32>
    %reduce_sum3A_37 = vector.shape_cast %mul3A_36 : vector<256x1xf32> to vector<1x256x1xf32>
    %reduce_sum3A_38 = arith.constant dense<0.000000e+00> : vector<1xf32>
    %reduce_sum3A_39 = vector.multi_reduction <add>, %reduce_sum3A_37, %reduce_sum3A_38 [1, 2] : vector<1x256x1xf32> to vector<1xf32>
    %reduce_sum3A_40 = vector.shape_cast %reduce_sum3A_39 : vector<1xf32> to vector<1x1x1xf32>
    %reduce_sum3A_41 = vector.extract %reduce_sum3A_40[0, 0, 0] : f32 from vector<1x1x1xf32>
    %jit3A_42 = arith.constant 0.000000e+00 : f32
    %select_n3A_43 = arith.select %eq3A_30, %reduce_sum3A_41, %jit3A_42 : f32
    %add3A_44 = arith.addf %reduce_sum3A_28, %select_n3A_43 : f32
    %iota3A = tpu.iota {dimensions = array<i32: 0>} : vector<8x128xi32>
    %iota3A_45 = tpu.iota {dimensions = array<i32: 1>} : vector<8x128xi32>
    %eq3A_46 = arith.constant 0 : i32
    %eq3A_47 = vector.broadcast %eq3A_46 : i32 to vector<8x128xi32>
    %eq3A_48 = arith.cmpi eq, %iota3A, %eq3A_47 : vector<8x128xi32>
    %eq3A_49 = arith.constant 0 : i32
    %eq3A_50 = vector.broadcast %eq3A_49 : i32 to vector<8x128xi32>
    %eq3A_51 = arith.cmpi eq, %iota3A_45, %eq3A_50 : vector<8x128xi32>
    %and3A = arith.andi %eq3A_48, %eq3A_51 : vector<8x128xi1>
    %jit3A_52 = arith.constant 0.000000e+00 : f32
    %broadcast_in_dim3A_53 = vector.broadcast %add3A_44 : f32 to vector<8x128xf32>
    %broadcast_in_dim3A_54 = vector.broadcast %jit3A_52 : f32 to vector<8x128xf32>
    %select_n3A_55 = arith.select %and3A, %broadcast_in_dim3A_53, %broadcast_in_dim3A_54 : vector<8x128xi1>, vector<8x128xf32>
    %swap3A = arith.constant 0 : index
    %swap3A_56 = arith.constant 0 : index
    %swap3A_57 = vector.load %arg5[%swap3A, %swap3A_56] : memref<8x128xf32, #tpu.memory_space<vmem>>, vector<8x128xf32>
    tpu.vector_store %arg5[%swap3A, %swap3A_56], %select_n3A_55 {strides = array<i32>} : memref<8x128xf32, #tpu.memory_space<vmem>>, vector<8x128xf32>,
    return
  }
  func.func @transform_0(%arg0: i32, %arg1: i32) -> (i32, i32) {
    %c0_i32 = arith.constant 0 : i32
    %c0_i32_0 = arith.constant 0 : i32
    return %arg0, %c0_i32 : i32, i32
  }
  func.func @transform_1(%arg0: i32, %arg1: i32) -> (i32, i32) {
    %c0_i32 = arith.constant 0 : i32
    %c0_i32_0 = arith.constant 0 : i32
    return %c0_i32, %arg1 : i32, i32
  }
  func.func @transform_2(%arg0: i32, %arg1: i32) -> (i32, i32) {
    %c0_i32 = arith.constant 0 : i32
    return %arg0, %arg1 : i32, i32
  }
  func.func @transform_3(%arg0: i32, %arg1: i32) -> (i32, i32) {
    %c0_i32 = arith.constant 0 : i32
    return %arg0, %arg1 : i32, i32
  }
}

</mosaic_0001>

<sc_bundles>
// kernel: kernel.4.cloned.1.call-start
scs
__scs_entry_jumppad:
0x0: {  	(pc) =	sbr.rel $0x88, $3  }
0x1: {  	(tag) =	ssettag $0x0;
	lr =	simm.s32 $0x1  }
0x2: {  	[smem:$0x3F9F] =	sst lr;
	_ =	strace $0xD0000000  }
0x3: {  	_ = 	snop  }
0x4: {  	_ = 	snop  }
0x5: {  	_ = 	snop  }
0x6: {  	_ = 	snop  }
0x7: {  	_ = 	snop  }
__scs_overlays_trampoline_lowered:
0x8: {  	[smem:$0x3FAE] =	sst s0  }
0x9: {  	[smem:$0x3FAF] =	sst s1  }
0xa: {  	[smem:$0x3FB0] =	sst s2  }
0xb: {  	[smem:$0x3FB1] =	sst s3  }
0xc: {  	[smem:$0x3FB2] =	sst s4  }
0xd: {  	[smem:$0x3FB3] =	sst s5  }
0xe: {  	[smem:$0x3FB4] =	sst s6  }
0xf: {  	[smem:$0x3FB5] =	sst s7  }
0x10: {  	[smem:$0x3FB6] =	sst s8  }
0x11: {  	[smem:$0x3FB7] =	sst s9;
	s0 =	simm.s32 @!p0 $0x0  }
0x12: {  	s1 =	sld [smem:$0x3F9D];
	s0 =	simm.s32 @p0 $0x1  }
0x13: {  	[smem:$0x3FB8] =	sst s0;
	s0 =	simm.s32 @!p1 $0x0  }
0x14: {  	s2 =	sld [smem:$0x3F9C];
	s0 =	simm.s32 @p1 $0x1  }
0x15: {  	[smem:$0x3FB9] =	sst s0;
	s0 =	simm.s32 @!p2 $0x0  }
0x16: {  	s3 =	sld [smem:$0x3FDB];
	s0 =	simm.s32 @p2 $0x1  }
0x17: {  	s4 =	simm.s32 $0x1BF5;
	[smem:$0x3FBB] =	sst s0  }
0x18: {  	s0 =	sld [smem:$0x3F9E];
	_ =	swait.ge [sflag:s4], $0x0  }
0x19: {  	s7 =	sld [smem:$0x3F9F]  }
0x1a: {  	s8 =	sadd.s32 $0xFFFFE003, lr  }
0x1b: {  	s9 =	sadd.s32 $0xFFFFFEF7, lr;
	s5 =	simm.s32 $0xFFFFFFFF;
	p2 =	slt.u32 s8, $0xFFFFF086  }
0x1c: {  	p1 =	slt.u32 s9, $0xF7A;
	s5 =	simm.s32 @!p2 $0x0  }
0x1d: {  	s5 =	simm.s32 @p1 $0x1;
	p0 =	seq.s32 s7, s2  }
0x1e: {  	s7 =	smul.u32 @!p0 $0xF7A, s2;
	p2 =	seq.s32 @!p0 s5, $0x0  }
0x1f: {  	s9 =	smul.u32 $0xF7A, s1;
	s8 =	simm.s32 @!p0 $0x1BF5;
	p2 =	por !p2, p0  }
0x20: {  	[sflag:s8] =	ssyncset.s32 @!p0 $0xFFFFF086;
	s6 =	sadd.s32 @!p0 s3, s7;
	s7 =	simm.s32 @!p0 $0x108  }
0x21: {  	s3 =	sadd.s32 s3, s9;
	s6 =	sadd.s32 @!p0 $0x88, s6;
	s7 =	simm.s32 @p2 $0x1082  }
0x22: {  	[simem:s7], [sflag:s8] =	dma.local @!p0 [hbm:s6], $0xF7A  }
0x23: {  	s9 =	sor.u32 $0xD0000000, s2;
	s6 =	simm.s32 $0x108;
	_ =	swait.ge @!p0 [sflag:s8], $0x0  }
0x24: {  	s3 =	sadd.s32 $0x88, s3;
	s6 =	simm.s32 @!p1 $0x1082;
	[sflag:s4] =	ssyncset.s32 $0xFFFFF086  }
0x25: {  	[simem:s6], [sflag:s4] =	dma.local [hbm:s3], $0xF7A  }
0x26: {  	[smem:$0x3F9F] =	sst s1;
	(tag) =	ssettag s2;
	_ =	strace s9  }
0x27: {  	s1 =	sld [smem:$0x3FAF]  }
0x28: {  	s2 =	sld [smem:$0x3FB0]  }
0x29: {  	s4 =	sld [smem:$0x3FB2]  }
0x2a: {  	p0 =	seq.s32 s5, $0x0;
	s5 =	sld [smem:$0x3FB3]  }
0x2b: {  	s6 =	sld [smem:$0x3FB4]  }
0x2c: {  	s7 =	sld [smem:$0x3FB5]  }
0x2d: {  	s3 =	simm.s32 $0x108;
	s8 =	sld [smem:$0x3FB6]  }
0x2e: {  	s3 =	simm.s32 @!p0 $0x1082;
	s9 =	sld [smem:$0x3FB7]  }
0x2f: {  	lr =	sadd.s32 s0, s3;
	s0 =	sld [smem:$0x3FAE]  }
0x30: {  	s3 =	sld [smem:$0x3FB1]  }
0x31: {  	[smem:$0x3FBA] =	sst s10  }
0x32: {  	s10 =	sld [smem:$0x3FB8];
	_ =	sdelay $0x3  }
0x33: {  	p0 =	seq.s32 s10, $0x1;
	s10 =	sld [smem:$0x3FBA];
	_ =	sdelay $0x3  }
0x34: {  	[smem:$0x3FBA] =	sst s10  }
0x35: {  	s10 =	sld [smem:$0x3FB9];
	_ =	sdelay $0x3  }
0x36: {  	p1 =	seq.s32 s10, $0x1;
	s10 =	sld [smem:$0x3FBA];
	_ =	sdelay $0x3  }
0x37: {  	[smem:$0x3FBA] =	sst s10  }
0x38: {  	s10 =	sld [smem:$0x3FBB]  }
0x39: {  	_ = 	snop;
	(pc) =	sbr.ind lr, $3  }
0x3a: {  	_ = 	snop  }
0x3b: {  	_ = 	snop  }
0x3c: {  	p2 =	seq.s32 s10, $0x1;
	s10 =	sld [smem:$0x3FBA]  }
0x3d: {  	_ =	shalt  }
0x3e: {  	_ =	shalt  }
0x3f: {  	_ =	shalt  }
0x40: {  	_ =	shalt  }
0x41: {  	_ =	shalt  }
0x42: {  	_ =	shalt  }
0x43: {  	_ =	shalt  }
0x44: {  	_ =	shalt  }
0x45: {  	_ =	shalt  }
0x46: {  	_ =	shalt  }
0x47: {  	_ =	shalt  }
0x48: {  	_ =	shalt  }
0x49: {  	_ =	shalt  }
0x4a: {  	_ =	shalt  }
0x4b: {  	_ =	shalt  }
0x4c: {  	_ =	shalt  }
0x4d: {  	_ =	shalt  }
0x4e: {  	_ =	shalt  }
0x4f: {  	_ =	shalt  }
0x50: {  	_ =	shalt  }
0x51: {  	_ =	shalt  }
0x52: {  	_ =	shalt  }
0x53: {  	_ =	shalt  }
0x54: {  	_ =	shalt  }
0x55: {  	_ =	shalt  }
0x56: {  	_ =	shalt  }
0x57: {  	_ =	shalt  }
0x58: {  	_ =	shalt  }
0x59: {  	_ =	shalt  }
0x5a: {  	_ =	shalt  }
0x5b: {  	_ =	shalt  }
0x5c: {  	_ =	shalt  }
0x5d: {  	_ =	shalt  }
0x5e: {  	_ =	shalt  }
0x5f: {  	_ =	shalt  }
0x60: {  	_ =	shalt  }
0x61: {  	_ =	shalt  }
0x62: {  	_ =	shalt  }
0x63: {  	_ =	shalt  }
0x64: {  	_ =	shalt  }
0x65: {  	_ =	shalt  }
0x66: {  	_ =	shalt  }
0x67: {  	_ =	shalt  }
0x68: {  	_ =	shalt  }
0x69: {  	_ =	shalt  }
0x6a: {  	_ =	shalt  }
0x6b: {  	_ =	shalt  }
0x6c: {  	_ =	shalt  }
0x6d: {  	_ =	shalt  }
0x6e: {  	_ =	shalt  }
0x6f: {  	_ =	shalt  }
0x70: {  	_ =	shalt  }
0x71: {  	_ =	shalt  }
0x72: {  	_ =	shalt  }
0x73: {  	_ =	shalt  }
0x74: {  	_ =	shalt  }
0x75: {  	_ =	shalt  }
0x76: {  	_ =	shalt  }
0x77: {  	_ =	shalt  }
0x78: {  	_ =	shalt  }
0x79: {  	_ =	shalt  }
0x7a: {  	_ =	shalt  }
0x7b: {  	_ =	shalt  }
0x7c: {  	_ =	shalt  }
0x7d: {  	_ =	shalt  }
0x7e: {  	_ =	shalt  }
0x7f: {  	_ =	shalt  }
0x80: {  	_ =	shalt  }
0x81: {  	_ =	shalt  }
0x82: {  	_ =	shalt  }
0x83: {  	_ =	shalt  }
0x84: {  	_ =	shalt  }
0x85: {  	_ =	shalt  }
0x86: {  	_ =	shalt  }
0x87: {  	_ =	shalt  }
.Lfunc_end0:
.L_simem_size_0:
called_computation_lowered:
.L_overlay_start_0:
0x88: {  	s2 =	sld [smem:$0x3FD9]  }
0x89: {  	s3 =	sld [smem:$0x3FFE];
	_ =	sdelay $0x1  }
0x8a: {  	s1 =	srdreg.scid  }
0x8b: {  	s0 =	sand.u32 $0x1, s1  }
0x8c: {  	s17 =	sshll.u32 s0, $0xA;
	s2 =	sadd.s32 s3, s2  }
0x8d: {  	s2 =	sadd.s32 s2, s17  }
0x8e: {  	[smem:$0x3FC6] =	sst s2  }
0x8f: {  	_ = 	snop  }
0x90: {  	s2 =	sld [smem:$0x3FC9]  }
0x91: {  	s18 =	sld [smem:$0x3FC8];
	(tm) =	ssettm $0x1  }
0x92: {  	s4 =	sld [smem:$0x3FFB];
	_ =	sdelay $0x3  }
0x93: {  	_ =	strace s4  }
0x94: {  	s4 =	sld [smem:$0x3FFC];
	_ =	sdelay $0x3  }
0x95: {  	_ =	strace s4  }
0x96: {  	s4 =	sld [smem:$0x3FFD];
	_ =	sdelay $0x3  }
0x97: {  	_ =	strace s4  }
0x98: {  	_ =	strace $0x8FFFFFFF  }
0x99: {  	s19 =	sld [smem:$0x3FDB];
	_ =	sdelay $0x1  }
0x9a: {  	s5 =	simm.s32 $_scs_section_size  }
0x9b: {  	s6 =	simm.s32 $_size__tile_overlayer_lowered;
	s7 =	simm.s32 $_tile_overlayer_lowered  }
0x9c: {  	s22 =	simm.s32 $0x1BFF;
	s21 =	sshll.u32 s7, $0x1;
	s4 =	sadd.s32 s5, s19  }
0x9d: {  	s8 =	simm.s32 $0x0;
	s20 =	sshll.u32 s6, $0x1;
	s6 =	sadd.s32 s21, s4  }
0x9e: {  	[timem:s8], [sflag:s22] =	dma.local [hbm:s6], s20  }
0x9f: {  	_ =	swait.ge [sflag:s22], s20  }
0xa0: {  	s5 =	ssub.s32 $0x0, s20;
	[sflag:s22] =	ssyncset.done $0x0  }
0xa1: {  	[sflag:s22] =	ssyncadd.s32 s5;
	_ =	sdelay $0x1  }
0xa2: {  	s23 =	simm.s32 $0x1B8B  }
0xa3: {  	_ =	swait.ge [sflag:s23], $0x1  }
0xa4: {  	[sflag:s23] =	ssyncset.done $0x0  }
0xa5: {  	s25 =	simm.s32 $0x1B8E;
	s24 =	sld [smem:$0x3FFE];
	[sflag:s23] =	ssyncadd.s32 $0xFFFFFFFF  }
0xa6: {  	s26 =	simm.s32 $execute0_lowered;
	[smem:$0x3FD2] =	sst s25  }
0xa7: {  	s6 =	sshll.u32 s26, $0x1;
	_ =	strace $0x80000046;
	[dreg:$0x1] =	wrdreg $0xFFFFFFFF  }
0xa8: {  	s28 =	simm.s32 $_size_execute0_lowered;
	s4 =	sadd.s32 s4, s6;
	[dreg:$0x0] =	wrdreg $0x0  }
0xa9: {  	s6 =	sshll.u32 s28, $0x1;
	[dreg:$0x2] =	wrdreg s4  }
0xaa: {  	[dreg:$0x3] =	wrdreg s6  }
0xab: {  	[dreg:$0x4] =	wrdreg $0xC0  }
0xac: {  	_ =	task [dreg:s8], $0x5FFFF  }
0xad: {  	[dreg:$0x1] =	wrdreg $0xFFFFFFFF  }
0xae: {  	[dreg:$0x0] =	wrdreg $0x60  }
0xaf: {  	[dreg:$0x2] =	wrdreg s2  }
0xb0: {  	[dreg:$0x3] =	wrdreg s18  }
0xb1: {  	[dreg:$0x4] =	wrdreg s24  }
0xb2: {  	[dreg:$0x5] =	wrdreg $0x9  }
0xb3: {  	_ =	task.clear_ibuf [dreg:s8], $0x6FFFF;
	_ =	strace $0x90000046  }
0xb4: {  	s29 =	simm.s32 $0x9;
	_ =	strace $0x80000048  }
0xb5: {  	_ =	swait.ge [sflag:s29], $0x1  }
0xb6: {  	[sflag:s29] =	ssyncadd.s32 $0xFFFFFFFF  }
0xb7: {  	_ =	strace $0x90000048  }
0xb8: {  	_ =	sfence  }
0xb9: {  	s30 =	sld [smem:$0x0];
	_ =	sdelay $0x2  }
0xba: {  	s31 =	sshll.u32 s1, $0xD;
	s1 =	sshrl.u32 s1, $0x2  }
0xbb: {  	s3 =	sand.u32 $0x4000, s31;
	s1 =	sadd.s32 s1, s30  }
0xbc: {  	s0 =	sor.u32 s3, s0;
	s1 =	sshll.u32 s1, $0x11  }
0xbd: {  	s0 =	sor.u32 s1, s0  }
0xbe: {  	s0 =	sadd.s32 $0x8F2B, s0  }
0xbf: {  	[sflag:s0] =	ssyncadd.remote.s32 $0x1  }
0xc0: {  	_ =	sfence.sel $0xFFFF  }
0xc1: {  	[dreg:$0x0] =	wrdreg $0xFFFFFFFF;
	(pc) =	sbr.abs _section_cstart, $3  }
0xc2: {  	[dreg:$0x1] =	wrdreg $0xFFFFFFFF  }
0xc3: {  	_ =	task.clear_ibuf [dreg:s8], $0x2FFFF;
	_ =	strace $0x9FFFFFFF  }
0xc4: {  	(tm) =	ssettm $0x7FFFFFFF  }
0xc5: {  	_ =	shalt  }
tec
execute0_lowered:
.L_overlay_start_1:
0x0: {  	(tag) =	ssettag $0x1  }
0x1: {  	s0 =	srdreg.scid;
	s4 =	rddreg [dreg:$0x1]  }
0x2: {  	s1 =	stileid.u32;
	s6 =	rddreg [dreg:$0x2];
	s10 =	simm.s32 $0x0  }
0x3: {  	s28 =	simm.s32 $0x2;
	s0 =	sand.u32 $0x1, s0;
	s1 =	sshll.u32 s1, $0x1  }
0x4: {  	s31 =	simm.s32 $0x0;
	[smem:$0x7FF] =	sst s10;
	s2 =	sor.u32 s0, s1  }
0x5: {  	s1 =	rddreg [dreg:$0x0];
	s0 =	ssub.s32 $0x2, s0;
	s3 =	smul.u32 $0x30, s2  }
0x6: {  	v0 =	vimm.s32 $0x1780;
	vm0 =	vcmask $0x300;
	_ =	strace $0x80000047;
	s7 =	sshrl.u32 s0, $0x1;
	s2 =	sshll.u32 s2, $0x4  }
0x7: {  	vm14 =	vcmask $0x704;
	v0 =	vsel vm0, $0x0, v0;
	s0 =	ssub.s32 s0, s7;
	s2 =	sadd.s32 s6, s2;
	s3 =	sshrl.u32 s3, $0x3  }
0x8: {  	vm15 =	vcmask $0xB08;
	v0 =	vsel vm14, $0x80, v0;
	[dreg:$0xd] =	wrdreg s2;
	s0 =	smax.u32 s0, $0x1;
	s2 =	simm.s32 $0x3  }
0x9: {  	vm4 =	vcmask $0xF0C;
	v0 =	vsel vm15, $0x100, v0;
	s9 =	smul.u32 $0x3E800, s3;
	s3 =	sadd.s32 s4, s3;
	[dreg:$0xe] =	wrdreg s0  }
0xa: {  	vm5 =	vcmask $0x1310;
	v0 =	vsel vm4, $0x180, v0;
	s23 =	sadd.s32 $0x140, s3;
	s25 =	sadd.s32 $0x142, s3;
	s3 =	sadd.s32 $0x144, s3  }
0xb: {  	vm6 =	vcmask $0x1714;
	v0 =	vsel vm5, $0x200, v0;
	s5 =	sadd.s32 $0x4E20000, s9;
	[dreg:$0x4] =	wrdreg s23;
	s7 =	sadd.s32 $0x4E22800, s9  }
0xc: {  	vm7 =	vcmask $0x1B18;
	v0 =	vsel vm6, $0x280, v0;
	s24 =	sadd.s32 $0x4E9D000, s9;
	s8 =	sadd.s32 $0x4E23C00, s9;
	s11 =	sadd.s32 $0x4F1A000, s9  }
0xd: {  	vm8 =	vcmask $0x1F1C;
	v0 =	vsel vm7, $0x300, v0;
	[dreg:$0x7] =	wrdreg s25;
	s12 =	sadd.s32 $0x4E9F800, s9;
	s22 =	sshrl.u32 s5, $0x3  }
0xe: {  	vm9 =	vcmask $0x2320;
	v0 =	vsel vm8, $0x380, v0;
	s14 =	sadd.s32 $0x4EA0C00, s9;
	[dreg:$0xb] =	wrdreg s3;
	s4 =	sadd.s32 s1, s22  }
0xf: {  	vm10 =	vcmask $0x2724;
	s17 =	sadd.s32 $0x4F1C800, s9;
	v0 =	vsel vm9, $0x1400, v0;
	[dreg:$0x5] =	wrdreg s4;
	s4 =	sadd.s32 $0x280, s4  }
0x10: {  	vm11 =	vcmask $0x2B28;
	s18 =	sadd.s32 $0x4F1DC00, s9;
	v0 =	vsel vm10, $0x1480, v0;
	[dreg:$0x6] =	wrdreg s4;
	s4 =	sshrl.u32 s24, $0x3  }
.Ltmp0:
0x11: {  	vm12 =	vcmask $0x2F2C;
	s29 =	sshrl.u32 s11, $0x3;
	v0 =	vsel vm11, $0x1500, v0;
	s26 =	sadd.s32 s1, s4;
	(pc) =	sbr.rel .LBB2_1-.Ltmp0, $4  }
0x12: {  	vm13 =	vcmask $0x3330;
	v1 =	vlaneseq.u32;
	s23 =	simm.s32 $0x3E800;
	v0 =	vsel vm12, $0x1580, v0;
	s4 =	sadd.s32 s1, s29;
	[dreg:$0x8] =	wrdreg s26  }
0x13: {  	v1 =	vmul.u32 $0x80, v1;
	vm14 =	vcmask $0x3734;
	s25 =	simm.s32 $0x2880;
	v0 =	vsel vm13, $0x1600, v0;
	s5 =	sadd.s32 $0x280, s26;
	[dreg:$0xa] =	wrdreg s4  }
0x14: {  	vm15 =	vcmask $0x3B38;
	s22 =	simm.s32 $0x1400;
	s30 =	sadd.s32 $0x280, s4;
	v0 =	vsel vm14, $0x1680, v0;
	[dreg:$0x9] =	wrdreg s5  }
0x15: {  	v1 =	vor.u32 $0xF, v1;
	s24 =	simm.s32 $0x80;
	s26 =	simm.s32 $0x1;
	[dreg:$0xc] =	wrdreg s30;
	v0 =	vsel vm15, $0x1700, v0  }
.LBB2_22:
0x16: {  	(xrf2) =	vadd.scan.msk.f32 $0xffff, v26  }
0x17: {  	(xrf2) =	vadd.scan.msk.f32 $0xffff, v24  }
0x18: {  	(xrf2) =	vadd.scan.msk.f32 $0xffff, v25  }
0x19: {  	(xrf2) =	vadd.scan.msk.f32 $0xffff, v23  }
0x1a: {  	(xrf2) =	vadd.scan.msk.f32 $0xffff, v37  }
0x1b: {  	(xrf2) =	vadd.scan.msk.f32 $0xffff, v40  }
0x1c: {  	(xrf2) =	vadd.scan.msk.f32 $0xffff, v21  }
0x1d: {  	(xrf2) =	vadd.scan.msk.f32 $0xffff, v22  }
0x1e: {  	(xrf2) =	vadd.scan.msk.f32 $0xffff, v20  }
0x1f: {  	(xrf2) =	vadd.scan.msk.f32 $0xffff, v19  }
0x20: {  	v42, _, _ =	vpop (xrf2);
	(xrf2) =	vadd.scan.msk.f32 $0xffff, v18  }
0x21: {  	[tilespmem:$0x5080] =	vst v42;
	v43, _, _ =	vpop (xrf2);
	(xrf2) =	vadd.scan.msk.f32 $0xffff, v17  }
0x22: {  	[tilespmem:$0x5100] =	vst v43;
	v44, _, _ =	vpop (xrf2);
	(xrf2) =	vadd.scan.msk.f32 $0xffff, v16  }
0x23: {  	[tilespmem:$0x5180] =	vst v44;
	v45, _, _ =	vpop (xrf2);
	(xrf2) =	vadd.scan.msk.f32 $0xffff, v15  }
0x24: {  	[tilespmem:$0x5200] =	vst v45;
	v46, _, _ =	vpop (xrf2);
	(xrf2) =	vadd.scan.msk.f32 $0xffff, v14  }
0x25: {  	[tilespmem:$0x5280] =	vst v46;
	v47, _, _ =	vpop (xrf2);
	(xrf2) =	vadd.scan.msk.f32 $0xffff, v13  }
0x26: {  	v48, _, _ =	vpop (xrf2);
	[tilespmem:$0x5300] =	vst v47  }
0x27: {  	v49, _, _ =	vpop (xrf2);
	[tilespmem:$0x5380] =	vst v48  }
0x28: {  	v50, _, _ =	vpop (xrf2);
	[tilespmem:$0x5400] =	vst v49  }
0x29: {  	v51, _, _ =	vpop (xrf2);
	[tilespmem:$0x5480] =	vst v50  }
0x2a: {  	v52, _, _ =	vpop (xrf2);
	[tilespmem:$0x5500] =	vst v51  }
0x2b: {  	v53, _, _ =	vpop (xrf2);
	[tilespmem:$0x5580] =	vst v52  }
0x2c: {  	v54, _, _ =	vpop (xrf2);
	[tilespmem:$0x5600] =	vst v53  }
0x2d: {  	v55, _, _ =	vpop (xrf2);
	[tilespmem:$0x5680] =	vst v54  }
0x2e: {  	v56, _, _ =	vpop (xrf2);
	[tilespmem:$0x5700] =	vst v55  }
0x2f: {  	[tilespmem:$0x5780] =	vst v56;
	v57, _, _ =	vpop (xrf2)  }
0x30: {  	s0 =	simm.s32 $0x5080;
	[tilespmem:$0x5800] =	vst v57  }
0x31: {  	v13 =	vld.idx.msk [tilespmem:v1+s0+$0x0], $0xffff;
	_ =	sdelay $0x1  }
0x32: {  	v3 =	vsub.f32 v6, v3  }
0x33: {  	v58 =	vsub.f32 v10, v7  }
0x34: {  	v3 =	vmul.f32 $3.125195240e-06, v3  }
0x35: {  	v6 =	vmul.f32 $3.125195240e-06, v58;
	v59 =	vsub.f32 v13, v11  }
0x36: {  	v4 =	vmul.f32 $8.999968760e-01, v4;
	v3 =	vsub.f32 $-1.362425800e+00, v3  }
0x37: {  	v8 =	vmul.f32 $8.999968760e-01, v8;
	v6 =	vsub.f32 $-1.362425800e+00, v6;
	v7 =	vmul.f32 $3.125195240e-06, v59  }
0x38: {  	v3 =	vsub.f32 v3, v4  }
0x39: {  	v62 =	vmul.f32 $8.999968760e-01, v12;
	v60 =	vsub.f32 v6, v8;
	v61 =	vsub.f32 $-1.362425800e+00, v7  }
0x3a: {  	vm0 =	veq.s32 v2, $0x0;
	vm1 =	veq.s32 v5, $0x0  }
0x3b: {  	v2 =	vsel vm0, $0x0, v3;
	v3 =	vsel vm1, $0x0, v60;
	v63 =	vsub.f32 v61, v62  }
0x3c: {  	vm15 =	veq.s32 v9, $0x0;
	v2 =	vadd.f32 v3, v2  }
0x3d: {  	v3 =	vsel vm15, $0x0, v63  }
0x3e: {  	v2 =	vadd.f32 v3, v2;
	_ =	sdelay $0x1  }
0x3f: {  	s10 =	simm.s32 $0x0;
	s29 =	rddreg [dreg:$0xd];
	s2 =	simm.s32 $0x5880;
	[tilespmem:$0x5880] =	vst v2  }
0x40: {  	[hbm4b:s29+s10] =	stream.linear.scatter [tilespmem:s2], [sflag:$0x3], $0x80, $0x38;
	[tilespmem:$0x5900] =	vst v63  }
0x41: {  	s2 =	simm.s32 $0x3  }
0x42: {  	_ =	swait.ge [sflag:s2], $0x80  }
0x43: {  	s31 =	sadd.s32 $0x1, s31;
	s30 =	rddreg [dreg:$0xe]  }
0x44: {  	p0 =	sne.s32 s31, s30  }
.Ltmp1:
0x45: {  	_ = 	snop;
	(pc) =	sbr.rel @!p0 .LBB2_23-.Ltmp1, $3  }
0x46: {  	_ =	sdelay $0x1  }
0x47: {  	[sflag:s2] =	ssyncset.done $0x0  }
0x48: {  	[sflag:s2] =	ssyncadd.s32 $0xFFFFFF80  }
.LBB2_1:
0x49: {  	s0 =	rddreg [dreg:$0x4]  }
0x4a: {  	[tilespmem:s10], [sflag:$0x3] =	stream.linear.gather [hbm4b:s0+s10], $0x10, $0x38;
	[tilespmem:$0x5900] =	vst v63  }
0x4b: {  	v3 =	vimm.f32 $0.0e+00;
	v4 =	vimm.f32 $0.0e+00;
	v5 =	vimm.f32 $0.0e+00;
	_ =	swait.ge [sflag:s2], $0x10  }
0x4c: {  	v6 =	vimm.f32 $0.0e+00;
	v7 =	vimm.f32 $0.0e+00;
	v8 =	vimm.f32 $0.0e+00;
	[sflag:s2] =	ssyncset.done $0x0  }
0x4d: {  	v9 =	vimm.f32 $0.0e+00;
	v10 =	vimm.f32 $0.0e+00;
	v11 =	vimm.f32 $0.0e+00;
	s29 =	rddreg [dreg:$0x5];
	[sflag:s2] =	ssyncadd.s32 $0xFFFFFFF0  }
0x4e: {  	v12 =	vimm.f32 $0.0e+00;
	v14 =	vimm.f32 $0.0e+00;
	v13 =	vimm.f32 $0.0e+00;
	v2 =	vld [tilespmem:$0x0];
	[tilespmem:s24], [sflag:$0x1] =	stream.strided.gather [hbm4b:s29+s22], $0x2800, s23, s22, $0x38  }
0x4f: {  	v32 =	vimm.f32 $0.0e+00;
	v29 =	vimm.f32 $0.0e+00;
	v15 =	vimm.f32 $0.0e+00;
	s30 =	rddreg [dreg:$0x6];
	s2 =	simm.s32 $0x0  }
0x50: {  	v17 =	vimm.f32 $0.0e+00;
	v16 =	vimm.f32 $0.0e+00;
	v18 =	vimm.f32 $0.0e+00;
	[tilespmem:s25], [sflag:$0x2] =	stream.strided.gather [hbm4b:s30+s22], $0x2800, s23, s22, $0x38;
	[tilespmem:$0x5900] =	vst v63  }
.LBB2_2:
0x51: {  	_ =	swait.ge [sflag:s26], $0x2800;
	s0 =	simm.s32 $0x0  }
0x52: {  	[sflag:s26] =	ssyncset.done $0x0;
	s3 =	sand.u32 $0x60, s0  }
0x53: {  	s6 =	sand.u32 $0x1C00, s0;
	s4 =	sor.u32 s0, s0;
	[sflag:s26] =	ssyncadd.s32 $0xFFFFD800  }
0x54: {  	s9 =	sor.u32 $0x80, s6;
	s11 =	sor.u32 $0x380, s4;
	s4 =	sor.u32 $0x10, s3  }
0x55: {  	v25 =	vld [tilespmem:s11+$0x80];
	s21 =	sor.u32 s4, s9  }
0x56: {  	v26 =	vld [tilespmem:s21+$0x0]  }
0x57: {  	v33 =	vld [tilespmem:s21+$0x80]  }
0x58: {  	v36 =	vld [tilespmem:s21+$0x100]  }
0x59: {  	v39 =	vld [tilespmem:s21+$0x180]  }
0x5a: {  	s16 =	sadd.s32 $0x1480, s6;
	v27 =	vld [tilespmem:s21+$0x200]  }
0x5b: {  	s19 =	sadd.s32 $0x1500, s6;
	s29 =	sor.u32 s4, s16;
	v28 =	vld [tilespmem:s21+$0x280]  }
0x5c: {  	s30 =	sadd.s32 $0x1580, s6;
	s5 =	sor.u32 s4, s19;
	v20 =	vld [tilespmem:s29+$0x0]  }
0x5d: {  	s20 =	sadd.s32 $0x1600, s6;
	s10 =	sor.u32 s4, s30;
	v22 =	vld [tilespmem:s5+$0x0]  }
0x5e: {  	s13 =	sor.u32 s4, s20;
	v23 =	vld [tilespmem:s10+$0x0]  }
0x5f: {  	s9 =	sor.u32 s3, s9;
	v24 =	vld [tilespmem:s13+$0x0]  }
0x60: {  	v31 =	vld [tilespmem:s9+$0x0]  }
0x61: {  	v35 =	vld [tilespmem:s9+$0x80]  }
0x62: {  	v37 =	vld [tilespmem:s9+$0x100]  }
0x63: {  	v40 =	vld [tilespmem:s9+$0x180]  }
0x64: {  	s15 =	sadd.s32 $0x1700, s6;
	v41 =	vld [tilespmem:s9+$0x200]  }
0x65: {  	s29 =	sor.u32 s4, s15;
	v42 =	vld [tilespmem:s9+$0x280]  }
0x66: {  	s10 =	sand.u32 $0x3, s0;
	s13 =	sor.u32 s3, s16;
	v21 =	vld [tilespmem:s29+$0x0]  }
0x67: {  	s5 =	sadd.s32 $0x1680, s6;
	s16 =	sor.u32 s3, s19;
	s11 =	sshll.u32 s10, $0x5;
	v30 =	vld [tilespmem:s13+$0x0]  }
0x68: {  	s21 =	sor.u32 s4, s5;
	v34 =	vld [tilespmem:s16+$0x0];
	s11 =	sadd.s32 $0x0, s11  }
0x69: {  	v19 =	vld [tilespmem:s21+$0x0];
	s19 =	sor.u32 $0x300, s11;
	s21 =	sadd.s32 $0x10, s11  }
0x6a: {  	v38 =	vld [tilespmem:s19+$0x80];
	s11 =	sor.u32 $0x300, s21;
	v18 =	vadd.f32 v31, v18;
	v16 =	vadd.f32 v35, v16  }
0x6b: {  	s9 =	sor.u32 $0x380, s21;
	v17 =	vadd.f32 v37, v17;
	v40 =	vadd.f32 v40, v15;
	v31 =	vld [tilespmem:s11+$0x80]  }
0x6c: {  	s29 =	sor.u32 s3, s30;
	v37 =	vld [tilespmem:s9+$0x80];
	v15 =	vadd.f32 v26, v18;
	v16 =	vadd.f32 v33, v16  }
0x6d: {  	s30 =	sor.u32 s3, s20;
	v35 =	vld [tilespmem:s29+$0x0];
	v17 =	vadd.f32 v36, v17;
	v18 =	vadd.f32 v39, v40  }
0x6e: {  	s16 =	sor.u32 s3, s5;
	s9 =	simm.s32 $0x20;
	s11 =	simm.s32 $0x0;
	v39 =	vadd.f32 v41, v29;
	v40 =	vadd.f32 v42, v32;
	v36 =	vld [tilespmem:s30+$0x0]  }
.LBB2_3:
0x6f: {  	p0 =	sne.s32 s9, $0x260;
	v13 =	vadd.f32 v38, v13;
	v14 =	vadd.f32 v25, v14;
	v26 =	vld [tilespmem:s16+$0x0];
	s5 =	sor.u32 s3, s15;
	s15 =	sadd.s32 $0x1780, s6  }
0x70: {  	s16 =	sadd.s32 $0x1800, s6;
	v29 =	vld [tilespmem:s5+$0x0];
	s5 =	sor.u32 s3, s15;
	v32 =	vadd.f32 v27, v39;
	v33 =	vadd.f32 v28, v40  }
0x71: {  	v27 =	vld [tilespmem:s5+$0x0];
	s5 =	sor.u32 s3, s16;
	v13 =	vadd.f32 v31, v13;
	v14 =	vadd.f32 v37, v14  }
0x72: {  	v12 =	vadd.f32 v30, v12;
	v11 =	vadd.f32 v34, v11;
	s0 =	sadd.s32 $0x100, s0;
	s3 =	sand.u32 $0x60, s9;
	v28 =	vld [tilespmem:s5+$0x0];
	s5 =	sor.u32 s4, s15  }
0x73: {  	s6 =	sand.u32 $0x1C00, s0;
	s15 =	sor.u32 s0, s9;
	v10 =	vadd.f32 v35, v10;
	v9 =	vadd.f32 v36, v9;
	v30 =	vld [tilespmem:s5+$0x0];
	s5 =	sor.u32 s4, s16  }
0x74: {  	v12 =	vadd.f32 v20, v12;
	v11 =	vadd.f32 v22, v11;
	s16 =	sor.u32 $0x80, s6;
	s15 =	sor.u32 $0x380, s15;
	s4 =	sor.u32 $0x10, s3;
	v20 =	vld [tilespmem:s5+$0x0]  }
0x75: {  	s5 =	sor.u32 s4, s16;
	v10 =	vadd.f32 v23, v10;
	v25 =	vld [tilespmem:s15+$0x80];
	v9 =	vadd.f32 v24, v9  }
0x76: {  	v8 =	vadd.f32 v26, v8;
	v7 =	vadd.f32 v29, v7;
	v35 =	vld [tilespmem:s5+$0x0]  }
0x77: {  	v6 =	vadd.f32 v27, v6;
	v26 =	vld [tilespmem:s5+$0x80];
	v5 =	vadd.f32 v28, v5  }
0x78: {  	v8 =	vadd.f32 v19, v8;
	v7 =	vadd.f32 v21, v7;
	v29 =	vld [tilespmem:s5+$0x100]  }
0x79: {  	v6 =	vadd.f32 v30, v6;
	v36 =	vld [tilespmem:s5+$0x180];
	v5 =	vadd.f32 v20, v5  }
0x7a: {  	s19 =	sadd.s32 $0x1480, s6;
	v27 =	vld [tilespmem:s5+$0x200]  }
0x7b: {  	s20 =	sadd.s32 $0x1500, s6;
	v28 =	vld [tilespmem:s5+$0x280];
	s5 =	sor.u32 s4, s19  }
0x7c: {  	s30 =	sadd.s32 $0x1580, s6;
	v20 =	vld [tilespmem:s5+$0x0];
	s5 =	sor.u32 s4, s20  }
0x7d: {  	s10 =	sadd.s32 $0x1600, s6;
	v22 =	vld [tilespmem:s5+$0x0];
	s5 =	sor.u32 s4, s30  }
0x7e: {  	s13 =	sadd.s32 $0x1680, s6;
	v23 =	vld [tilespmem:s5+$0x0];
	s5 =	sor.u32 s4, s10  }
0x7f: {  	s15 =	sadd.s32 $0x1700, s6;
	v24 =	vld [tilespmem:s5+$0x0];
	s5 =	sor.u32 s4, s13  }
0x80: {  	v19 =	vld [tilespmem:s5+$0x0];
	s5 =	sor.u32 s4, s15  }
0x81: {  	s16 =	sor.u32 s3, s16;
	v21 =	vld [tilespmem:s5+$0x0]  }
0x82: {  	v31 =	vld [tilespmem:s16+$0x0]  }
0x83: {  	v37 =	vld [tilespmem:s16+$0x80]  }
0x84: {  	v39 =	vld [tilespmem:s16+$0x100]  }
0x85: {  	s11 =	sadd.s32 $0x1, s11;
	v40 =	vld [tilespmem:s16+$0x180]  }
0x86: {  	s5 =	sand.u32 $0x3, s11;
	v41 =	vld [tilespmem:s16+$0x200]  }
0x87: {  	s5 =	sshll.u32 s5, $0x5;
	v42 =	vld [tilespmem:s16+$0x280];
	s16 =	sor.u32 s3, s19  }
0x88: {  	s5 =	sadd.s32 s5, s0;
	v30 =	vld [tilespmem:s16+$0x0];
	s16 =	sor.u32 s3, s20  }
0x89: {  	s19 =	sor.u32 $0x300, s5;
	s5 =	sadd.s32 $0x10, s5;
	v34 =	vld [tilespmem:s16+$0x0]  }
.Ltmp2:
0x8a: {  	v15 =	vadd.f32 v31, v15;
	v16 =	vadd.f32 v37, v16;
	s16 =	sor.u32 $0x300, s5;
	v38 =	vld [tilespmem:s19+$0x80];
	(pc) =	sbr.rel @p0 .LBB2_3-.Ltmp2, $4  }
0x8b: {  	v17 =	vadd.f32 v39, v17;
	s5 =	sor.u32 $0x380, s5;
	v18 =	vadd.f32 v40, v18;
	v31 =	vld [tilespmem:s16+$0x80]  }
0x8c: {  	v15 =	vadd.f32 v35, v15;
	v16 =	vadd.f32 v26, v16;
	s16 =	sor.u32 s3, s30;
	v37 =	vld [tilespmem:s5+$0x80]  }
0x8d: {  	v17 =	vadd.f32 v29, v17;
	s5 =	sor.u32 s3, s10;
	v18 =	vadd.f32 v36, v18;
	v35 =	vld [tilespmem:s16+$0x0]  }
0x8e: {  	s9 =	sadd.s32 $0x20, s9;
	v39 =	vadd.f32 v41, v32;
	v40 =	vadd.f32 v42, v33;
	s16 =	sor.u32 s3, s13;
	v36 =	vld [tilespmem:s5+$0x0]  }
0x8f: {  	s0 =	sshll.u32 s2, $0x1  }
0x90: {  	v41 =	vmov s0  }
0x91: {  	v26 =	vmul.u32 $0xFFFFFD80, v41;
	_ =	sdelay $0x1  }
0x92: {  	v42 =	vadd.s32 v2, v26  }
0x93: {  	vm0 =	vgt.s32 v42, $0x0  }
0x94: {  	v26 =	vnsel vm0, $0x0, v42  }
0x95: {  	v26 =	vmin.u32 v26, $0x27F  }
0x96: {  	v29 =	vshll.u32 v26, $0x3  }
0x97: {  	v43 =	vld [tilespmem:s16+$0x0];
	v26 =	vand.u32 $0x7F, v26;
	v29 =	vand.u32 $0x1C00, v29  }
0x98: {  	s5 =	sor.u32 s3, s15;
	s9 =	sadd.s32 $0x1780, s6;
	p0 =	seq.s32 s2, $0x18;
	v50 =	vld.idx.msk [tilespmem:v0+s24+$0x0], $0xffff;
	v26 =	vor.u32 v26, v29  }
0x99: {  	s15 =	sadd.s32 $0x1800, s6;
	v44 =	vld [tilespmem:s5+$0x0];
	s13 =	sor.u32 s3, s9;
	s5 =	smul.u32 @!p0 $0x2800, s2;
	v26 =	vadd.s32 v0, v26  }
0x9a: {  	s16 =	sor.u32 s3, s15;
	v45 =	vld [tilespmem:s13+$0x0]  }
0x9b: {  	s19 =	sor.u32 s4, s9;
	s20 =	sor.u32 s4, s15;
	v46 =	vld [tilespmem:s16+$0x0];
	s4 =	sadd.s32 @!p0 s5, s7  }
0x9c: {  	s6 =	simm.s32 @!p0 $0x80;
	v47 =	vld [tilespmem:s19+$0x0];
	s3 =	sshrl.u32 @!p0 s4, $0x3  }
0x9d: {  	v48 =	vld [tilespmem:s20+$0x0];
	s5 =	simm.s32 @!p0 $0x3E800;
	s4 =	simm.s32 @!p0 $0x1400;
	s3 =	sadd.s32 @!p0 s1, s3  }
0x9e: {  	v49 =	vld.idx.msk [tilespmem:v26+s24+$0x0], $0xffff;
	[tilespmem:s6], [sflag:$0x1] =	stream.strided.gather @!p0 [hbm4b:s3+s4], $0x2800, s5, s4, $0x38  }
0x9f: {  	s6 =	simm.s32 $0x0  }
0xa0: {  	_ =	swait.ge [sflag:s28], $0x2800;
	s3 =	sand.u32 $0x60, s6;
	s4 =	sand.u32 $0x1C00, s6  }
0xa1: {  	s21 =	sor.u32 s6, s6;
	[sflag:s28] =	ssyncset.done $0x0;
	s10 =	sadd.s32 $0x2880, s4  }
0xa2: {  	s5 =	sor.u32 $0x380, s21;
	s30 =	sor.u32 $0x10, s3;
	[sflag:s28] =	ssyncadd.s32 $0xFFFFD800  }
0xa3: {  	s29 =	sor.u32 s30, s10;
	v29 =	vld [tilespmem:s5+$0x2880]  }
0xa4: {  	v51 =	vld [tilespmem:s29+$0x0]  }
0xa5: {  	v52 =	vld [tilespmem:s29+$0x80]  }
0xa6: {  	v53 =	vld [tilespmem:s29+$0x100]  }
0xa7: {  	v54 =	vld [tilespmem:s29+$0x180]  }
0xa8: {  	s13 =	sadd.s32 $0x3C80, s4;
	v32 =	vld [tilespmem:s29+$0x200]  }
0xa9: {  	s19 =	sadd.s32 $0x3D00, s4;
	s9 =	sor.u32 s30, s13;
	v33 =	vld [tilespmem:s29+$0x280]  }
0xaa: {  	s15 =	sadd.s32 $0x3D80, s4;
	s11 =	sor.u32 s30, s19;
	v26 =	vld [tilespmem:s9+$0x0]  }
0xab: {  	v13 =	vadd.f32 v38, v13;
	v59 =	vadd.f32 v25, v14;
	s16 =	sadd.s32 $0x3E00, s4;
	s20 =	sor.u32 s30, s15;
	v25 =	vld [tilespmem:s11+$0x0]  }
0xac: {  	v11 =	vadd.f32 v34, v11;
	v40 =	vadd.f32 v28, v40;
	s21 =	sor.u32 s30, s16;
	v28 =	vld [tilespmem:s20+$0x0]  }
0xad: {  	v14 =	vadd.f32 v31, v13;
	v10 =	vadd.f32 v35, v10;
	s10 =	sor.u32 s3, s10;
	v31 =	vld [tilespmem:s21+$0x0]  }
0xae: {  	v11 =	vadd.f32 v22, v11;
	v9 =	vadd.f32 v36, v9;
	v22 =	vld [tilespmem:s10+$0x0]  }
0xaf: {  	v10 =	vadd.f32 v23, v10;
	v23 =	vld [tilespmem:s10+$0x80]  }
0xb0: {  	v12 =	vadd.f32 v30, v12;
	v9 =	vadd.f32 v24, v9;
	v24 =	vld [tilespmem:s10+$0x100]  }
0xb1: {  	v39 =	vadd.f32 v27, v39;
	v61 =	vld [tilespmem:s10+$0x180]  }
0xb2: {  	v13 =	vadd.f32 v37, v59;
	v12 =	vadd.f32 v20, v12;
	s11 =	sadd.s32 $0x3E80, s4;
	v62 =	vld [tilespmem:s10+$0x200]  }
0xb3: {  	vm1 =	veq.s32 v41, $0x0;
	v8 =	vadd.f32 v43, v8;
	v7 =	vadd.f32 v44, v7;
	s9 =	sadd.s32 $0x3F00, s4;
	v63 =	vld [tilespmem:s10+$0x280];
	s29 =	sor.u32 s30, s11  }
0xb4: {  	vm15 =	vlt.u32 v42, $0x280;
	v20 =	vadd.f32 v45, v6;
	v60 =	vadd.f32 v46, v5;
	s21 =	sand.u32 $0x3, s6;
	s20 =	sor.u32 s30, s9;
	v27 =	vld [tilespmem:s29+$0x0]  }
0xb5: {  	v5 =	vadd.f32 v19, v8;
	v6 =	vadd.f32 v21, v7;
	v21 =	vnsel vm1, $0x0, v50;
	s5 =	sshll.u32 s21, $0x5;
	s21 =	sor.u32 s3, s15;
	v30 =	vld [tilespmem:s20+$0x0]  }
0xb6: {  	v7 =	vadd.f32 v47, v20;
	v3 =	vadd.f32 v21, v3;
	v20 =	vnsel vm15, $0x0, v49;
	s29 =	sor.u32 s3, s13;
	s5 =	sadd.s32 $0x0, s5;
	v21 =	vld [tilespmem:s21+$0x0]  }
0xb7: {  	v8 =	vadd.f32 v48, v60;
	s13 =	sor.u32 s3, s19;
	v4 =	vadd.f32 v20, v4;
	v19 =	vld [tilespmem:s29+$0x0];
	s19 =	sor.u32 $0x300, s5;
	s5 =	sadd.s32 $0x10, s5  }
0xb8: {  	v34 =	vld [tilespmem:s19+$0x2880];
	s20 =	sor.u32 $0x300, s5;
	v15 =	vadd.f32 v22, v15;
	v16 =	vadd.f32 v23, v16  }
0xb9: {  	s5 =	sor.u32 $0x380, s5;
	v17 =	vadd.f32 v24, v17;
	v23 =	vadd.f32 v61, v18;
	v22 =	vld [tilespmem:s20+$0x2880]  }
0xba: {  	v24 =	vld [tilespmem:s5+$0x2880];
	v36 =	vadd.f32 v62, v39;
	v35 =	vadd.f32 v63, v40  }
0xbb: {  	v20 =	vld [tilespmem:s13+$0x0];
	s29 =	sor.u32 s3, s16;
	v18 =	vadd.f32 v51, v15;
	v16 =	vadd.f32 v52, v16  }
0xbc: {  	s15 =	simm.s32 $0x0;
	s16 =	sor.u32 s3, s11;
	s11 =	simm.s32 $0x20;
	v17 =	vadd.f32 v53, v17;
	v15 =	vadd.f32 v54, v23;
	v23 =	vld [tilespmem:s29+$0x0]  }
.LBB2_5:
0xbd: {  	p1 =	sne.s32 s11, $0x260;
	v14 =	vadd.f32 v34, v14;
	v13 =	vadd.f32 v29, v13;
	v34 =	vld [tilespmem:s16+$0x0];
	s5 =	sor.u32 s3, s9;
	s9 =	sadd.s32 $0x3F80, s4  }
0xbe: {  	s10 =	sor.u32 $0x4000, s4;
	v37 =	vld [tilespmem:s5+$0x0];
	s5 =	sor.u32 s3, s9;
	v36 =	vadd.f32 v32, v36;
	v35 =	vadd.f32 v33, v35  }
0xbf: {  	s4 =	sor.u32 s3, s10;
	v32 =	vld [tilespmem:s5+$0x0];
	v14 =	vadd.f32 v22, v14;
	v13 =	vadd.f32 v24, v13  }
0xc0: {  	v12 =	vadd.f32 v19, v12;
	v11 =	vadd.f32 v20, v11;
	s6 =	sadd.s32 $0x100, s6;
	s3 =	sand.u32 $0x60, s11;
	s5 =	sor.u32 s30, s9;
	v19 =	vld [tilespmem:s4+$0x0]  }
0xc1: {  	s9 =	sor.u32 s6, s11;
	s4 =	sand.u32 $0x1C00, s6;
	v10 =	vadd.f32 v21, v10;
	v9 =	vadd.f32 v23, v9;
	v20 =	vld [tilespmem:s5+$0x0];
	s5 =	sor.u32 s30, s10  }
0xc2: {  	v12 =	vadd.f32 v26, v12;
	v11 =	vadd.f32 v25, v11;
	s9 =	sor.u32 $0x380, s9;
	s10 =	sadd.s32 $0x2880, s4;
	s30 =	sor.u32 $0x10, s3;
	v21 =	vld [tilespmem:s5+$0x0]  }
0xc3: {  	s5 =	sor.u32 s30, s10;
	v10 =	vadd.f32 v28, v10;
	v29 =	vld [tilespmem:s9+$0x2880];
	v9 =	vadd.f32 v31, v9  }
0xc4: {  	v5 =	vadd.f32 v34, v5;
	v6 =	vadd.f32 v37, v6;
	v23 =	vld [tilespmem:s5+$0x0]  }
0xc5: {  	v7 =	vadd.f32 v32, v7;
	v24 =	vld [tilespmem:s5+$0x80];
	v8 =	vadd.f32 v19, v8  }
0xc6: {  	v5 =	vadd.f32 v27, v5;
	v6 =	vadd.f32 v30, v6;
	v37 =	vld [tilespmem:s5+$0x100]  }
0xc7: {  	v7 =	vadd.f32 v20, v7;
	v38 =	vld [tilespmem:s5+$0x180];
	v8 =	vadd.f32 v21, v8  }
0xc8: {  	s13 =	sadd.s32 $0x3C80, s4;
	v32 =	vld [tilespmem:s5+$0x200]  }
0xc9: {  	s16 =	sadd.s32 $0x3D00, s4;
	v33 =	vld [tilespmem:s5+$0x280];
	s5 =	sor.u32 s30, s13  }
0xca: {  	s19 =	sadd.s32 $0x3D80, s4;
	v26 =	vld [tilespmem:s5+$0x0];
	s5 =	sor.u32 s30, s16  }
0xcb: {  	s20 =	sadd.s32 $0x3E00, s4;
	v25 =	vld [tilespmem:s5+$0x0];
	s5 =	sor.u32 s30, s19  }
0xcc: {  	s29 =	sadd.s32 $0x3E80, s4;
	v28 =	vld [tilespmem:s5+$0x0];
	s5 =	sor.u32 s30, s20  }
0xcd: {  	s9 =	sadd.s32 $0x3F00, s4;
	v31 =	vld [tilespmem:s5+$0x0];
	s5 =	sor.u32 s30, s29  }
0xce: {  	v27 =	vld [tilespmem:s5+$0x0];
	s5 =	sor.u32 s30, s9  }
0xcf: {  	s10 =	sor.u32 s3, s10;
	v30 =	vld [tilespmem:s5+$0x0]  }
0xd0: {  	v21 =	vld [tilespmem:s10+$0x0]  }
0xd1: {  	v22 =	vld [tilespmem:s10+$0x80]  }
0xd2: {  	v39 =	vld [tilespmem:s10+$0x100]  }
0xd3: {  	s15 =	sadd.s32 $0x1, s15;
	v40 =	vld [tilespmem:s10+$0x180]  }
0xd4: {  	s5 =	sand.u32 $0x3, s15;
	v41 =	vld [tilespmem:s10+$0x200]  }
0xd5: {  	s5 =	sshll.u32 s5, $0x5;
	v42 =	vld [tilespmem:s10+$0x280];
	s10 =	sor.u32 s3, s13  }
0xd6: {  	s5 =	sadd.s32 s5, s6;
	v19 =	vld [tilespmem:s10+$0x0];
	s10 =	sor.u32 s3, s16  }
0xd7: {  	s13 =	sor.u32 $0x300, s5;
	s5 =	sadd.s32 $0x10, s5;
	v20 =	vld [tilespmem:s10+$0x0]  }
.Ltmp3:
0xd8: {  	v18 =	vadd.f32 v21, v18;
	v16 =	vadd.f32 v22, v16;
	s10 =	sor.u32 $0x300, s5;
	v34 =	vld [tilespmem:s13+$0x2880];
	(pc) =	sbr.rel @p1 .LBB2_5-.Ltmp3, $4  }
0xd9: {  	v17 =	vadd.f32 v39, v17;
	s5 =	sor.u32 $0x380, s5;
	v15 =	vadd.f32 v40, v15;
	v22 =	vld [tilespmem:s10+$0x2880]  }
0xda: {  	v18 =	vadd.f32 v23, v18;
	v16 =	vadd.f32 v24, v16;
	s10 =	sor.u32 s3, s19;
	v24 =	vld [tilespmem:s5+$0x2880]  }
0xdb: {  	v17 =	vadd.f32 v37, v17;
	s5 =	sor.u32 s3, s20;
	v15 =	vadd.f32 v38, v15;
	v21 =	vld [tilespmem:s10+$0x0]  }
0xdc: {  	s11 =	sadd.s32 $0x20, s11;
	s16 =	sor.u32 s3, s29;
	v36 =	vadd.f32 v41, v36;
	v35 =	vadd.f32 v42, v35;
	v23 =	vld [tilespmem:s5+$0x0]  }
0xdd: {  	s0 =	sor.u32 $0x1, s0  }
0xde: {  	v37 =	vmov s0  }
0xdf: {  	v37 =	vmul.u32 $0xFFFFFD80, v37;
	_ =	sdelay $0x1  }
0xe0: {  	v37 =	vbroadcast v37, $0x0;
	_ =	sdelay $0x1  }
0xe1: {  	v37 =	vadd.s32 v2, v37  }
0xe2: {  	vm0 =	vgt.s32 v37, $0x0  }
0xe3: {  	v38 =	vnsel vm0, $0x0, v37  }
0xe4: {  	v38 =	vmin.u32 v38, $0x27F  }
0xe5: {  	v39 =	vshll.u32 v38, $0x3  }
0xe6: {  	v38 =	vand.u32 $0x7F, v38;
	v39 =	vand.u32 $0x1C00, v39  }
0xe7: {  	v38 =	vor.u32 v38, v39  }
0xe8: {  	v14 =	vadd.f32 v34, v14;
	v58 =	vld [tilespmem:s16+$0x0];
	s16 =	sor.u32 s3, s9;
	s5 =	sadd.s32 $0x3F80, s4;
	v38 =	vadd.s32 v0, v38  }
0xe9: {  	v59 =	vadd.f32 v29, v13;
	s20 =	sor.u32 $0x4000, s4;
	v12 =	vadd.f32 v19, v12;
	v60 =	vld [tilespmem:s16+$0x0];
	s19 =	sor.u32 s3, s5  }
0xea: {  	v11 =	vadd.f32 v20, v11;
	v29 =	vadd.f32 v32, v36;
	s21 =	sor.u32 s3, s20;
	v61 =	vld [tilespmem:s19+$0x0]  }
0xeb: {  	v32 =	vadd.f32 v33, v35;
	s29 =	sor.u32 s30, s5;
	v13 =	vadd.f32 v22, v14;
	v19 =	vld [tilespmem:s21+$0x0]  }
0xec: {  	v14 =	vadd.f32 v24, v59;
	v20 =	vld [tilespmem:s29+$0x0];
	v10 =	vadd.f32 v21, v10  }
0xed: {  	s30 =	sor.u32 s30, s20;
	v12 =	vadd.f32 v26, v12;
	v9 =	vadd.f32 v23, v9;
	v62 =	vld.idx.msk [tilespmem:v38+s25+$0x0], $0xffff  }
0xee: {  	v11 =	vadd.f32 v25, v11;
	v63 =	vld [tilespmem:s30+$0x0];
	v10 =	vadd.f32 v28, v10  }
.Ltmp4:
0xef: {  	v5 =	vadd.f32 v58, v5;
	v9 =	vadd.f32 v31, v9;
	(pc) =	sbr.rel @p0 .LBB2_8-.Ltmp4, $4  }
0xf0: {  	v6 =	vadd.f32 v60, v6;
	v22 =	vadd.f32 v61, v7  }
0xf1: {  	v19 =	vadd.f32 v19, v8;
	v8 =	vadd.f32 v27, v5;
	vm15 =	vlt.u32 v37, $0x280  }
0xf2: {  	v7 =	vadd.f32 v30, v6;
	v6 =	vadd.f32 v20, v22;
	v20 =	vnsel vm15, $0x0, v62  }
0xf3: {  	v5 =	vadd.f32 v63, v19;
	v4 =	vadd.f32 v20, v4  }
0xf4: {  	s0 =	smul.u32 $0x2800, s2  }
.Ltmp5:
0xf5: {  	_ = 	snop;
	(pc) =	sbr.rel .LBB2_2-.Ltmp5, $4  }
0xf6: {  	s0 =	sadd.s32 s0, s8  }
0xf7: {  	s0 =	sshrl.u32 s0, $0x3  }
0xf8: {  	s2 =	sadd.s32 $0x1, s2;
	s0 =	sadd.s32 s1, s0  }
0xf9: {  	[tilespmem:s25], [sflag:$0x2] =	stream.strided.gather [hbm4b:s0+s22], $0x2800, s23, s22, $0x38;
	[tilespmem:$0x5900] =	vst v63  }
.LBB2_8:
0xfa: {  	(xrf2) =	vadd.scan.msk.f32 $0xffff, v18  }
0xfb: {  	(xrf2) =	vadd.scan.msk.f32 $0xffff, v16  }
0xfc: {  	(xrf2) =	vadd.scan.msk.f32 $0xffff, v17  }
0xfd: {  	(xrf2) =	vadd.scan.msk.f32 $0xffff, v15  }
0xfe: {  	(xrf2) =	vadd.scan.msk.f32 $0xffff, v29  }
0xff: {  	(xrf2) =	vadd.scan.msk.f32 $0xffff, v32  }
0x100: {  	(xrf2) =	vadd.scan.msk.f32 $0xffff, v13  }
0x101: {  	(xrf2) =	vadd.scan.msk.f32 $0xffff, v14  }
0x102: {  	(xrf2) =	vadd.scan.msk.f32 $0xffff, v12  }
0x103: {  	(xrf2) =	vadd.scan.msk.f32 $0xffff, v11  }
0x104: {  	v11, _, _ =	vpop (xrf2);
	(xrf2) =	vadd.scan.msk.f32 $0xffff, v10  }
0x105: {  	[tilespmem:$0x5080] =	vst v11;
	v10, _, _ =	vpop (xrf2);
	(xrf2) =	vadd.scan.msk.f32 $0xffff, v9  }
0x106: {  	[tilespmem:$0x5100] =	vst v10;
	v9, _, _ =	vpop (xrf2);
	(xrf2) =	vadd.scan.msk.f32 $0xffff, v8  }
0x107: {  	[tilespmem:$0x5180] =	vst v9;
	v8, _, _ =	vpop (xrf2);
	(xrf2) =	vadd.scan.msk.f32 $0xffff, v7  }
0x108: {  	[tilespmem:$0x5200] =	vst v8;
	v7, _, _ =	vpop (xrf2);
	(xrf2) =	vadd.scan.msk.f32 $0xffff, v6  }
0x109: {  	[tilespmem:$0x5280] =	vst v7;
	v6, _, _ =	vpop (xrf2);
	(xrf2) =	vadd.scan.msk.f32 $0xffff, v5  }
0x10a: {  	v5, _, _ =	vpop (xrf2);
	[tilespmem:$0x5300] =	vst v6  }
0x10b: {  	v6, _, _ =	vpop (xrf2);
	[tilespmem:$0x5380] =	vst v5  }
0x10c: {  	v5, _, _ =	vpop (xrf2);
	[tilespmem:$0x5400] =	vst v6  }
0x10d: {  	v6, _, _ =	vpop (xrf2);
	[tilespmem:$0x5480] =	vst v5  }
0x10e: {  	v5, _, _ =	vpop (xrf2);
	[tilespmem:$0x5500] =	vst v6  }
0x10f: {  	v6, _, _ =	vpop (xrf2);
	[tilespmem:$0x5580] =	vst v5  }
0x110: {  	v5, _, _ =	vpop (xrf2);
	[tilespmem:$0x5600] =	vst v6  }
0x111: {  	v6, _, _ =	vpop (xrf2);
	[tilespmem:$0x5680] =	vst v5  }
0x112: {  	v5, _, _ =	vpop (xrf2);
	[tilespmem:$0x5700] =	vst v6  }
0x113: {  	s0 =	simm.s32 $0x5080;
	[tilespmem:$0x5780] =	vst v5;
	v5, _, _ =	vpop (xrf2)  }
0x114: {  	s2 =	simm.s32 $0x0;
	s20 =	rddreg [dreg:$0x7];
	s21 =	simm.s32 $0x3;
	[tilespmem:$0x5800] =	vst v5  }
0x115: {  	v6 =	vld.idx.msk [tilespmem:v1+s0+$0x0], $0xffff;
	[tilespmem:s2], [sflag:$0x3] =	stream.linear.gather [hbm4b:s20+s2], $0x10, $0x38  }
0x116: {  	v18 =	vimm.f32 $0.0e+00;
	v36 =	vimm.f32 $0.0e+00;
	v33 =	vimm.f32 $0.0e+00;
	_ =	swait.ge [sflag:s21], $0x10  }
0x117: {  	v19 =	vimm.f32 $0.0e+00;
	v21 =	vimm.f32 $0.0e+00;
	v20 =	vimm.f32 $0.0e+00;
	[sflag:s21] =	ssyncset.done $0x0  }
0x118: {  	v22 =	vimm.f32 $0.0e+00;
	v16 =	vimm.f32 $0.0e+00;
	v17 =	vimm.f32 $0.0e+00;
	s29 =	rddreg [dreg:$0x8];
	[sflag:s21] =	ssyncadd.s32 $0xFFFFFFF0  }
0x119: {  	v15 =	vimm.f32 $0.0e+00;
	v13 =	vimm.f32 $0.0e+00;
	v14 =	vimm.f32 $0.0e+00;
	v5 =	vld [tilespmem:$0x0];
	[tilespmem:s24], [sflag:$0x1] =	stream.strided.gather [hbm4b:s29+s22], $0x2800, s23, s22, $0x38  }
0x11a: {  	v12 =	vimm.f32 $0.0e+00;
	v11 =	vimm.f32 $0.0e+00;
	v10 =	vimm.f32 $0.0e+00;
	s0 =	simm.s32 $0x0;
	s30 =	rddreg [dreg:$0x9]  }
0x11b: {  	v9 =	vimm.f32 $0.0e+00;
	v8 =	vimm.f32 $0.0e+00;
	v7 =	vimm.f32 $0.0e+00;
	[tilespmem:s25], [sflag:$0x2] =	stream.strided.gather [hbm4b:s30+s22], $0x2800, s23, s22, $0x38;
	[tilespmem:$0x5900] =	vst v63  }
.LBB2_9:
0x11c: {  	_ =	swait.ge [sflag:s26], $0x2800;
	s3 =	sand.u32 $0x60, s2;
	s6 =	sand.u32 $0x1C00, s2  }
0x11d: {  	s4 =	sor.u32 s2, s2;
	[sflag:s26] =	ssyncset.done $0x0;
	s5 =	sor.u32 $0x80, s6  }
0x11e: {  	s9 =	sor.u32 $0x380, s4;
	s4 =	sor.u32 $0x10, s3;
	[sflag:s26] =	ssyncadd.s32 $0xFFFFD800  }
0x11f: {  	s21 =	sor.u32 s4, s5;
	v29 =	vld [tilespmem:s9+$0x80]  }
0x120: {  	v30 =	vld [tilespmem:s21+$0x0]  }
0x121: {  	v37 =	vld [tilespmem:s21+$0x80]  }
0x122: {  	v40 =	vld [tilespmem:s21+$0x100]  }
0x123: {  	v43 =	vld [tilespmem:s21+$0x180]  }
0x124: {  	s10 =	sadd.s32 $0x1480, s6;
	v31 =	vld [tilespmem:s21+$0x200]  }
0x125: {  	s11 =	sadd.s32 $0x1500, s6;
	s29 =	sor.u32 s4, s10;
	v32 =	vld [tilespmem:s21+$0x280]  }
0x126: {  	s13 =	sadd.s32 $0x1580, s6;
	s30 =	sor.u32 s4, s11;
	v24 =	vld [tilespmem:s29+$0x0]  }
0x127: {  	s15 =	sadd.s32 $0x1600, s6;
	s16 =	sor.u32 s4, s13;
	v26 =	vld [tilespmem:s30+$0x0]  }
0x128: {  	s20 =	sor.u32 s4, s15;
	v27 =	vld [tilespmem:s16+$0x0]  }
0x129: {  	s5 =	sor.u32 s3, s5;
	v28 =	vld [tilespmem:s20+$0x0]  }
0x12a: {  	v35 =	vld [tilespmem:s5+$0x0]  }
0x12b: {  	v39 =	vld [tilespmem:s5+$0x80]  }
0x12c: {  	v41 =	vld [tilespmem:s5+$0x100]  }
0x12d: {  	v44 =	vld [tilespmem:s5+$0x180]  }
0x12e: {  	v45 =	vld [tilespmem:s5+$0x200]  }
0x12f: {  	s10 =	sor.u32 s3, s10;
	v46 =	vld [tilespmem:s5+$0x280]  }
0x130: {  	s19 =	sadd.s32 $0x1680, s6;
	s11 =	sor.u32 s3, s11;
	s30 =	sand.u32 $0x3, s2;
	v34 =	vld [tilespmem:s10+$0x0]  }
0x131: {  	s16 =	sadd.s32 $0x1700, s6;
	s21 =	sor.u32 s4, s19;
	v38 =	vld [tilespmem:s11+$0x0];
	s9 =	sshll.u32 s30, $0x5  }
0x132: {  	v23 =	vld [tilespmem:s21+$0x0];
	s29 =	sor.u32 s4, s16;
	s9 =	sadd.s32 $0x0, s9  }
0x133: {  	v25 =	vld [tilespmem:s29+$0x0];
	s20 =	sor.u32 $0x300, s9;
	s21 =	sadd.s32 $0x10, s9  }
0x134: {  	v42 =	vld [tilespmem:s20+$0x80];
	s9 =	sor.u32 $0x300, s21;
	v22 =	vadd.f32 v35, v22;
	v20 =	vadd.f32 v39, v20  }
0x135: {  	s5 =	sor.u32 $0x380, s21;
	v21 =	vadd.f32 v41, v21;
	v44 =	vadd.f32 v44, v19;
	v35 =	vld [tilespmem:s9+$0x80]  }
0x136: {  	s29 =	sor.u32 s3, s13;
	v41 =	vld [tilespmem:s5+$0x80];
	v19 =	vadd.f32 v30, v22;
	v20 =	vadd.f32 v37, v20  }
0x137: {  	s19 =	sor.u32 s3, s19;
	s30 =	sor.u32 s3, s15;
	v39 =	vld [tilespmem:s29+$0x0];
	v21 =	vadd.f32 v40, v21;
	v22 =	vadd.f32 v43, v44  }
0x138: {  	s11 =	simm.s32 $0x0;
	s15 =	simm.s32 $0x0;
	s9 =	simm.s32 $0x20;
	v43 =	vadd.f32 v45, v33;
	v44 =	vadd.f32 v46, v36;
	v40 =	vld [tilespmem:s30+$0x0]  }
.LBB2_10:
0x139: {  	p0 =	sne.s32 s9, $0x260;
	v17 =	vadd.f32 v42, v17;
	v18 =	vadd.f32 v29, v18;
	v30 =	vld [tilespmem:s19+$0x0];
	s5 =	sor.u32 s3, s16;
	s10 =	sadd.s32 $0x1780, s6  }
0x13a: {  	s13 =	sadd.s32 $0x1800, s6;
	v33 =	vld [tilespmem:s5+$0x0];
	s5 =	sor.u32 s3, s10;
	v36 =	vadd.f32 v31, v43;
	v37 =	vadd.f32 v32, v44  }
0x13b: {  	v31 =	vld [tilespmem:s5+$0x0];
	s5 =	sor.u32 s3, s13;
	v17 =	vadd.f32 v35, v17;
	v18 =	vadd.f32 v41, v18  }
0x13c: {  	v16 =	vadd.f32 v34, v16;
	v15 =	vadd.f32 v38, v15;
	s11 =	sadd.s32 $0x100, s11;
	s3 =	sand.u32 $0x60, s9;
	v32 =	vld [tilespmem:s5+$0x0];
	s5 =	sor.u32 s4, s10  }
0x13d: {  	s6 =	sand.u32 $0x1C00, s11;
	s10 =	sor.u32 s11, s9;
	v14 =	vadd.f32 v39, v14;
	v13 =	vadd.f32 v40, v13;
	v34 =	vld [tilespmem:s5+$0x0];
	s5 =	sor.u32 s4, s13  }
0x13e: {  	v16 =	vadd.f32 v24, v16;
	v15 =	vadd.f32 v26, v15;
	s13 =	sor.u32 $0x80, s6;
	s10 =	sor.u32 $0x380, s10;
	s4 =	sor.u32 $0x10, s3;
	v24 =	vld [tilespmem:s5+$0x0]  }
0x13f: {  	s5 =	sor.u32 s4, s13;
	v14 =	vadd.f32 v27, v14;
	v29 =	vld [tilespmem:s10+$0x80];
	v13 =	vadd.f32 v28, v13  }
0x140: {  	v12 =	vadd.f32 v30, v12;
	v11 =	vadd.f32 v33, v11;
	v39 =	vld [tilespmem:s5+$0x0]  }
0x141: {  	v10 =	vadd.f32 v31, v10;
	v30 =	vld [tilespmem:s5+$0x80];
	v9 =	vadd.f32 v32, v9  }
0x142: {  	v12 =	vadd.f32 v23, v12;
	v11 =	vadd.f32 v25, v11;
	v33 =	vld [tilespmem:s5+$0x100]  }
0x143: {  	v10 =	vadd.f32 v34, v10;
	v40 =	vld [tilespmem:s5+$0x180];
	v9 =	vadd.f32 v24, v9  }
0x144: {  	s10 =	sadd.s32 $0x1480, s6;
	v31 =	vld [tilespmem:s5+$0x200]  }
0x145: {  	s19 =	sadd.s32 $0x1500, s6;
	v32 =	vld [tilespmem:s5+$0x280];
	s5 =	sor.u32 s4, s10  }
0x146: {  	s20 =	sadd.s32 $0x1580, s6;
	v24 =	vld [tilespmem:s5+$0x0];
	s5 =	sor.u32 s4, s19  }
0x147: {  	s29 =	sadd.s32 $0x1600, s6;
	v26 =	vld [tilespmem:s5+$0x0];
	s5 =	sor.u32 s4, s20  }
0x148: {  	s30 =	sadd.s32 $0x1680, s6;
	v27 =	vld [tilespmem:s5+$0x0];
	s5 =	sor.u32 s4, s29  }
0x149: {  	s16 =	sadd.s32 $0x1700, s6;
	v28 =	vld [tilespmem:s5+$0x0];
	s5 =	sor.u32 s4, s30  }
0x14a: {  	v23 =	vld [tilespmem:s5+$0x0];
	s5 =	sor.u32 s4, s16  }
0x14b: {  	s13 =	sor.u32 s3, s13;
	v25 =	vld [tilespmem:s5+$0x0]  }
0x14c: {  	v35 =	vld [tilespmem:s13+$0x0]  }
0x14d: {  	v41 =	vld [tilespmem:s13+$0x80]  }
0x14e: {  	v43 =	vld [tilespmem:s13+$0x100]  }
0x14f: {  	s15 =	sadd.s32 $0x1, s15;
	v44 =	vld [tilespmem:s13+$0x180]  }
0x150: {  	s5 =	sand.u32 $0x3, s15;
	v45 =	vld [tilespmem:s13+$0x200]  }
0x151: {  	s10 =	sor.u32 s3, s10;
	s5 =	sshll.u32 s5, $0x5;
	v46 =	vld [tilespmem:s13+$0x280]  }
0x152: {  	s5 =	sadd.s32 s5, s11;
	v34 =	vld [tilespmem:s10+$0x0];
	s10 =	sor.u32 s3, s19  }
0x153: {  	s13 =	sor.u32 $0x300, s5;
	s5 =	sadd.s32 $0x10, s5;
	v38 =	vld [tilespmem:s10+$0x0]  }
.Ltmp6:
0x154: {  	v19 =	vadd.f32 v35, v19;
	v20 =	vadd.f32 v41, v20;
	s10 =	sor.u32 $0x300, s5;
	v42 =	vld [tilespmem:s13+$0x80];
	(pc) =	sbr.rel @p0 .LBB2_10-.Ltmp6, $4  }
0x155: {  	v21 =	vadd.f32 v43, v21;
	s5 =	sor.u32 $0x380, s5;
	v22 =	vadd.f32 v44, v22;
	v35 =	vld [tilespmem:s10+$0x80]  }
0x156: {  	v19 =	vadd.f32 v39, v19;
	v20 =	vadd.f32 v30, v20;
	s10 =	sor.u32 s3, s20;
	v41 =	vld [tilespmem:s5+$0x80]  }
0x157: {  	v21 =	vadd.f32 v33, v21;
	s5 =	sor.u32 s3, s29;
	v22 =	vadd.f32 v40, v22;
	v39 =	vld [tilespmem:s10+$0x0]  }
0x158: {  	s9 =	sadd.s32 $0x20, s9;
	s19 =	sor.u32 s3, s30;
	v43 =	vadd.f32 v45, v36;
	v44 =	vadd.f32 v46, v37;
	v40 =	vld [tilespmem:s5+$0x0]  }
0x159: {  	s30 =	sshll.u32 s0, $0x1  }
0x15a: {  	v45 =	vmov s30  }
0x15b: {  	v30 =	vmul.u32 $0xFFFFFD80, v45;
	_ =	sdelay $0x1  }
0x15c: {  	v46 =	vadd.s32 v5, v30  }
0x15d: {  	vm0 =	vgt.s32 v46, $0x0  }
0x15e: {  	v30 =	vnsel vm0, $0x0, v46  }
0x15f: {  	v30 =	vmin.u32 v30, $0x27F  }
0x160: {  	v33 =	vshll.u32 v30, $0x3  }
0x161: {  	v47 =	vld [tilespmem:s19+$0x0];
	v30 =	vand.u32 $0x7F, v30;
	v33 =	vand.u32 $0x1C00, v33  }
0x162: {  	s5 =	sor.u32 s3, s16;
	s9 =	sadd.s32 $0x1780, s6;
	p0 =	seq.s32 s0, $0x18;
	v54 =	vld.idx.msk [tilespmem:v0+s24+$0x0], $0xffff;
	v30 =	vor.u32 v30, v33  }
0x163: {  	s10 =	sadd.s32 $0x1800, s6;
	v48 =	vld [tilespmem:s5+$0x0];
	s29 =	sor.u32 s3, s9;
	s5 =	smul.u32 @!p0 $0x2800, s0;
	v30 =	vadd.s32 v0, v30  }
0x164: {  	s11 =	sor.u32 s3, s10;
	s13 =	sor.u32 s4, s9;
	v49 =	vld [tilespmem:s29+$0x0]  }
0x165: {  	s15 =	sor.u32 s4, s10;
	s9 =	simm.s32 $0x0;
	v50 =	vld [tilespmem:s11+$0x0];
	s4 =	sadd.s32 @!p0 s5, s12  }
0x166: {  	s6 =	simm.s32 @!p0 $0x80;
	v51 =	vld [tilespmem:s13+$0x0];
	s16 =	sor.u32 s9, s9;
	s3 =	sshrl.u32 @!p0 s4, $0x3  }
0x167: {  	v52 =	vld [tilespmem:s15+$0x0];
	s5 =	simm.s32 @!p0 $0x3E800;
	s4 =	simm.s32 @!p0 $0x1400;
	s3 =	sadd.s32 @!p0 s1, s3  }
0x168: {  	v53 =	vld.idx.msk [tilespmem:v30+s24+$0x0], $0xffff;
	[tilespmem:s6], [sflag:$0x1] =	stream.strided.gather @!p0 [hbm4b:s3+s4], $0x2800, s5, s4, $0x38  }
0x169: {  	s10 =	sor.u32 $0x380, s16;
	_ =	swait.ge [sflag:s28], $0x2800  }
0x16a: {  	s4 =	sand.u32 $0x60, s9;
	s6 =	sand.u32 $0x1C00, s9;
	[sflag:s28] =	ssyncset.done $0x0  }
0x16b: {  	s5 =	sadd.s32 $0x2880, s6;
	s3 =	sor.u32 $0x10, s4;
	[sflag:s28] =	ssyncadd.s32 $0xFFFFD800  }
0x16c: {  	s19 =	sor.u32 s3, s5;
	v33 =	vld [tilespmem:s10+$0x2880]  }
0x16d: {  	v55 =	vld [tilespmem:s19+$0x0]  }
0x16e: {  	v56 =	vld [tilespmem:s19+$0x80]  }
0x16f: {  	v57 =	vld [tilespmem:s19+$0x100]  }
0x170: {  	v58 =	vld [tilespmem:s19+$0x180]  }
0x171: {  	s13 =	sadd.s32 $0x3C80, s6;
	v36 =	vld [tilespmem:s19+$0x200]  }
0x172: {  	s20 =	sadd.s32 $0x3D00, s6;
	s21 =	sor.u32 s3, s13;
	v37 =	vld [tilespmem:s19+$0x280]  }
0x173: {  	s16 =	sadd.s32 $0x3D80, s6;
	s29 =	sor.u32 s3, s20;
	v30 =	vld [tilespmem:s21+$0x0]  }
0x174: {  	v59 =	vadd.f32 v29, v18;
	v15 =	vadd.f32 v38, v15;
	s11 =	sor.u32 s3, s16;
	v29 =	vld [tilespmem:s29+$0x0]  }
0x175: {  	v44 =	vadd.f32 v32, v44;
	v14 =	vadd.f32 v39, v14;
	s5 =	sor.u32 s4, s5;
	v32 =	vld [tilespmem:s11+$0x0]  }
0x176: {  	v15 =	vadd.f32 v26, v15;
	v13 =	vadd.f32 v40, v13;
	v26 =	vld [tilespmem:s5+$0x0]  }
0x177: {  	v14 =	vadd.f32 v27, v14;
	v27 =	vld [tilespmem:s5+$0x80]  }
0x178: {  	v17 =	vadd.f32 v42, v17;
	v13 =	vadd.f32 v28, v13;
	v28 =	vld [tilespmem:s5+$0x100]  }
0x179: {  	v16 =	vadd.f32 v34, v16;
	v43 =	vadd.f32 v31, v43;
	v61 =	vld [tilespmem:s5+$0x180]  }
0x17a: {  	v18 =	vadd.f32 v35, v17;
	v12 =	vadd.f32 v47, v12;
	v62 =	vld [tilespmem:s5+$0x200]  }
0x17b: {  	v17 =	vadd.f32 v41, v59;
	v11 =	vadd.f32 v48, v11;
	s15 =	sadd.s32 $0x3E80, s6;
	s13 =	sor.u32 s4, s13;
	v63 =	vld [tilespmem:s5+$0x280]  }
0x17c: {  	v60 =	vadd.f32 v50, v9;
	v9 =	vadd.f32 v23, v12;
	s19 =	sadd.s32 $0x3E00, s6;
	s29 =	sor.u32 s3, s15;
	v23 =	vld [tilespmem:s13+$0x0]  }
0x17d: {  	v16 =	vadd.f32 v24, v16;
	vm1 =	veq.s32 v45, $0x0;
	v24 =	vadd.f32 v49, v10;
	s11 =	sadd.s32 $0x3F00, s6;
	s21 =	sor.u32 s3, s19;
	v31 =	vld [tilespmem:s29+$0x0];
	s29 =	sand.u32 $0x3, s9  }
0x17e: {  	vm15 =	vlt.u32 v46, $0x280;
	v10 =	vadd.f32 v25, v11;
	v25 =	vnsel vm1, $0x0, v54;
	v35 =	vld [tilespmem:s21+$0x0];
	s21 =	sor.u32 s3, s11;
	s10 =	sshll.u32 s29, $0x5  }
0x17f: {  	v11 =	vadd.f32 v51, v24;
	v12 =	vadd.f32 v52, v60;
	v24 =	vnsel vm15, $0x0, v53;
	v34 =	vld [tilespmem:s21+$0x0];
	s10 =	sadd.s32 $0x0, s10;
	s21 =	sor.u32 s4, s20  }
0x180: {  	v7 =	vadd.f32 v25, v7;
	v8 =	vadd.f32 v24, v8;
	s29 =	sor.u32 $0x300, s10;
	v24 =	vld [tilespmem:s21+$0x0];
	s20 =	sadd.s32 $0x10, s10  }
0x181: {  	v19 =	vadd.f32 v26, v19;
	v20 =	vadd.f32 v27, v20;
	v38 =	vld [tilespmem:s29+$0x2880];
	s10 =	sor.u32 $0x300, s20  }
0x182: {  	v21 =	vadd.f32 v28, v21;
	v27 =	vadd.f32 v61, v22;
	s5 =	sor.u32 $0x380, s20;
	v26 =	vld [tilespmem:s10+$0x2880]  }
0x183: {  	s21 =	sor.u32 s4, s16;
	v40 =	vadd.f32 v62, v43;
	v39 =	vadd.f32 v63, v44;
	v28 =	vld [tilespmem:s5+$0x2880]  }
0x184: {  	v25 =	vld [tilespmem:s21+$0x0];
	s29 =	sor.u32 s4, s19;
	v22 =	vadd.f32 v55, v19;
	v20 =	vadd.f32 v56, v20  }
0x185: {  	s16 =	simm.s32 $0x0;
	s19 =	sor.u32 s4, s15;
	s15 =	simm.s32 $0x20;
	v21 =	vadd.f32 v57, v21;
	v19 =	vadd.f32 v58, v27;
	v27 =	vld [tilespmem:s29+$0x0]  }
.LBB2_12:
0x186: {  	p1 =	sne.s32 s15, $0x260;
	v18 =	vadd.f32 v38, v18;
	v17 =	vadd.f32 v33, v17;
	v38 =	vld [tilespmem:s19+$0x0];
	s5 =	sor.u32 s4, s11;
	s10 =	sadd.s32 $0x3F80, s6  }
0x187: {  	s11 =	sor.u32 $0x4000, s6;
	v41 =	vld [tilespmem:s5+$0x0];
	s5 =	sor.u32 s4, s10;
	v40 =	vadd.f32 v36, v40;
	v39 =	vadd.f32 v37, v39  }
0x188: {  	v36 =	vld [tilespmem:s5+$0x0];
	s5 =	sor.u32 s4, s11;
	v18 =	vadd.f32 v26, v18;
	v17 =	vadd.f32 v28, v17  }
0x189: {  	v16 =	vadd.f32 v23, v16;
	v15 =	vadd.f32 v24, v15;
	s9 =	sadd.s32 $0x100, s9;
	s4 =	sand.u32 $0x60, s15;
	v23 =	vld [tilespmem:s5+$0x0];
	s5 =	sor.u32 s3, s10  }
0x18a: {  	s6 =	sand.u32 $0x1C00, s9;
	s10 =	sor.u32 s9, s15;
	v14 =	vadd.f32 v25, v14;
	v13 =	vadd.f32 v27, v13;
	v24 =	vld [tilespmem:s5+$0x0];
	s5 =	sor.u32 s3, s11  }
0x18b: {  	s13 =	sadd.s32 $0x2880, s6;
	v16 =	vadd.f32 v30, v16;
	v15 =	vadd.f32 v29, v15;
	s10 =	sor.u32 $0x380, s10;
	s3 =	sor.u32 $0x10, s4;
	v25 =	vld [tilespmem:s5+$0x0]  }
0x18c: {  	s5 =	sor.u32 s3, s13;
	v14 =	vadd.f32 v32, v14;
	v33 =	vld [tilespmem:s10+$0x2880];
	v13 =	vadd.f32 v35, v13  }
0x18d: {  	v9 =	vadd.f32 v38, v9;
	v10 =	vadd.f32 v41, v10;
	v27 =	vld [tilespmem:s5+$0x0]  }
0x18e: {  	v11 =	vadd.f32 v36, v11;
	v28 =	vld [tilespmem:s5+$0x80];
	v12 =	vadd.f32 v23, v12  }
0x18f: {  	v9 =	vadd.f32 v31, v9;
	v10 =	vadd.f32 v34, v10;
	v41 =	vld [tilespmem:s5+$0x100]  }
0x190: {  	v11 =	vadd.f32 v24, v11;
	v42 =	vld [tilespmem:s5+$0x180];
	v12 =	vadd.f32 v25, v12  }
0x191: {  	s10 =	sadd.s32 $0x3C80, s6;
	v36 =	vld [tilespmem:s5+$0x200]  }
0x192: {  	s19 =	sadd.s32 $0x3D00, s6;
	v37 =	vld [tilespmem:s5+$0x280];
	s5 =	sor.u32 s3, s10  }
0x193: {  	s20 =	sadd.s32 $0x3D80, s6;
	v30 =	vld [tilespmem:s5+$0x0];
	s5 =	sor.u32 s3, s19  }
0x194: {  	s29 =	sadd.s32 $0x3E00, s6;
	v29 =	vld [tilespmem:s5+$0x0];
	s5 =	sor.u32 s3, s20  }
0x195: {  	s21 =	sadd.s32 $0x3E80, s6;
	v32 =	vld [tilespmem:s5+$0x0];
	s5 =	sor.u32 s3, s29  }
0x196: {  	s11 =	sadd.s32 $0x3F00, s6;
	v35 =	vld [tilespmem:s5+$0x0];
	s5 =	sor.u32 s3, s21  }
0x197: {  	v31 =	vld [tilespmem:s5+$0x0];
	s5 =	sor.u32 s3, s11  }
0x198: {  	s13 =	sor.u32 s4, s13;
	v34 =	vld [tilespmem:s5+$0x0]  }
0x199: {  	v25 =	vld [tilespmem:s13+$0x0]  }
0x19a: {  	v26 =	vld [tilespmem:s13+$0x80]  }
0x19b: {  	v43 =	vld [tilespmem:s13+$0x100]  }
0x19c: {  	s16 =	sadd.s32 $0x1, s16;
	v44 =	vld [tilespmem:s13+$0x180]  }
0x19d: {  	s5 =	sand.u32 $0x3, s16;
	v45 =	vld [tilespmem:s13+$0x200]  }
0x19e: {  	s10 =	sor.u32 s4, s10;
	s5 =	sshll.u32 s5, $0x5;
	v46 =	vld [tilespmem:s13+$0x280]  }
0x19f: {  	s5 =	sadd.s32 s5, s9;
	v23 =	vld [tilespmem:s10+$0x0];
	s10 =	sor.u32 s4, s19  }
0x1a0: {  	s13 =	sor.u32 $0x300, s5;
	s5 =	sadd.s32 $0x10, s5;
	v24 =	vld [tilespmem:s10+$0x0]  }
.Ltmp7:
0x1a1: {  	v22 =	vadd.f32 v25, v22;
	v20 =	vadd.f32 v26, v20;
	s10 =	sor.u32 $0x300, s5;
	v38 =	vld [tilespmem:s13+$0x2880];
	(pc) =	sbr.rel @p1 .LBB2_12-.Ltmp7, $4  }
0x1a2: {  	v21 =	vadd.f32 v43, v21;
	s5 =	sor.u32 $0x380, s5;
	v19 =	vadd.f32 v44, v19;
	v26 =	vld [tilespmem:s10+$0x2880]  }
0x1a3: {  	v22 =	vadd.f32 v27, v22;
	v20 =	vadd.f32 v28, v20;
	s10 =	sor.u32 s4, s20;
	v28 =	vld [tilespmem:s5+$0x2880]  }
0x1a4: {  	v21 =	vadd.f32 v41, v21;
	s5 =	sor.u32 s4, s29;
	v19 =	vadd.f32 v42, v19;
	v25 =	vld [tilespmem:s10+$0x0]  }
0x1a5: {  	s15 =	sadd.s32 $0x20, s15;
	s19 =	sor.u32 s4, s21;
	v40 =	vadd.f32 v45, v40;
	v39 =	vadd.f32 v46, v39;
	v27 =	vld [tilespmem:s5+$0x0]  }
0x1a6: {  	s5 =	sor.u32 $0x1, s30  }
0x1a7: {  	v41 =	vmov s5  }
0x1a8: {  	v41 =	vmul.u32 $0xFFFFFD80, v41;
	_ =	sdelay $0x1  }
0x1a9: {  	v41 =	vbroadcast v41, $0x0;
	_ =	sdelay $0x1  }
0x1aa: {  	v41 =	vadd.s32 v5, v41  }
0x1ab: {  	vm0 =	vgt.s32 v41, $0x0  }
0x1ac: {  	v42 =	vnsel vm0, $0x0, v41  }
0x1ad: {  	v42 =	vmin.u32 v42, $0x27F  }
0x1ae: {  	v43 =	vshll.u32 v42, $0x3  }
0x1af: {  	v42 =	vand.u32 $0x7F, v42;
	v43 =	vand.u32 $0x1C00, v43  }
0x1b0: {  	v42 =	vor.u32 v42, v43  }
0x1b1: {  	v18 =	vadd.f32 v38, v18;
	v56 =	vld [tilespmem:s19+$0x0];
	s16 =	sor.u32 s4, s11;
	s9 =	sadd.s32 $0x3F80, s6;
	v42 =	vadd.s32 v0, v42  }
0x1b2: {  	v57 =	vadd.f32 v33, v17;
	s20 =	sor.u32 $0x4000, s6;
	v16 =	vadd.f32 v23, v16;
	v58 =	vld [tilespmem:s16+$0x0];
	s19 =	sor.u32 s4, s9  }
0x1b3: {  	v15 =	vadd.f32 v24, v15;
	v33 =	vadd.f32 v36, v40;
	s21 =	sor.u32 s4, s20;
	v59 =	vld [tilespmem:s19+$0x0]  }
0x1b4: {  	v36 =	vadd.f32 v37, v39;
	s29 =	sor.u32 s3, s9;
	v17 =	vadd.f32 v26, v18;
	v23 =	vld [tilespmem:s21+$0x0]  }
0x1b5: {  	v18 =	vadd.f32 v28, v57;
	v60 =	vld [tilespmem:s29+$0x0];
	v14 =	vadd.f32 v25, v14  }
0x1b6: {  	s30 =	sor.u32 s3, s20;
	v16 =	vadd.f32 v30, v16;
	v13 =	vadd.f32 v27, v13;
	v61 =	vld.idx.msk [tilespmem:v42+s25+$0x0], $0xffff  }
0x1b7: {  	v15 =	vadd.f32 v29, v15;
	v62 =	vld [tilespmem:s30+$0x0];
	v14 =	vadd.f32 v32, v14  }
.Ltmp8:
0x1b8: {  	v9 =	vadd.f32 v56, v9;
	v13 =	vadd.f32 v35, v13;
	(pc) =	sbr.rel @p0 .LBB2_15-.Ltmp8, $4  }
0x1b9: {  	v10 =	vadd.f32 v58, v10;
	v26 =	vadd.f32 v59, v11  }
0x1ba: {  	v23 =	vadd.f32 v23, v12;
	v12 =	vadd.f32 v31, v9;
	vm15 =	vlt.u32 v41, $0x280  }
0x1bb: {  	v11 =	vadd.f32 v34, v10;
	v10 =	vadd.f32 v60, v26;
	v63 =	vnsel vm15, $0x0, v61  }
0x1bc: {  	v9 =	vadd.f32 v62, v23;
	v8 =	vadd.f32 v63, v8  }
0x1bd: {  	s3 =	smul.u32 $0x2800, s0  }
.Ltmp9:
0x1be: {  	_ = 	snop;
	(pc) =	sbr.rel .LBB2_9-.Ltmp9, $4  }
0x1bf: {  	s3 =	sadd.s32 s3, s14  }
0x1c0: {  	s3 =	sshrl.u32 s3, $0x3  }
0x1c1: {  	s0 =	sadd.s32 $0x1, s0;
	s3 =	sadd.s32 s1, s3  }
0x1c2: {  	[tilespmem:s25], [sflag:$0x2] =	stream.strided.gather [hbm4b:s3+s22], $0x2800, s23, s22, $0x38;
	[tilespmem:$0x5900] =	vst v63  }
.LBB2_15:
0x1c3: {  	(xrf2) =	vadd.scan.msk.f32 $0xffff, v22  }
0x1c4: {  	(xrf2) =	vadd.scan.msk.f32 $0xffff, v20  }
0x1c5: {  	(xrf2) =	vadd.scan.msk.f32 $0xffff, v21  }
0x1c6: {  	(xrf2) =	vadd.scan.msk.f32 $0xffff, v19  }
0x1c7: {  	(xrf2) =	vadd.scan.msk.f32 $0xffff, v33  }
0x1c8: {  	(xrf2) =	vadd.scan.msk.f32 $0xffff, v36  }
0x1c9: {  	(xrf2) =	vadd.scan.msk.f32 $0xffff, v17  }
0x1ca: {  	(xrf2) =	vadd.scan.msk.f32 $0xffff, v18  }
0x1cb: {  	(xrf2) =	vadd.scan.msk.f32 $0xffff, v16  }
0x1cc: {  	(xrf2) =	vadd.scan.msk.f32 $0xffff, v15  }
0x1cd: {  	v15, _, _ =	vpop (xrf2);
	(xrf2) =	vadd.scan.msk.f32 $0xffff, v14  }
0x1ce: {  	[tilespmem:$0x5080] =	vst v15;
	v14, _, _ =	vpop (xrf2);
	(xrf2) =	vadd.scan.msk.f32 $0xffff, v13  }
0x1cf: {  	[tilespmem:$0x5100] =	vst v14;
	v13, _, _ =	vpop (xrf2);
	(xrf2) =	vadd.scan.msk.f32 $0xffff, v12  }
0x1d0: {  	[tilespmem:$0x5180] =	vst v13;
	v12, _, _ =	vpop (xrf2);
	(xrf2) =	vadd.scan.msk.f32 $0xffff, v11  }
0x1d1: {  	[tilespmem:$0x5200] =	vst v12;
	v11, _, _ =	vpop (xrf2);
	(xrf2) =	vadd.scan.msk.f32 $0xffff, v10  }
0x1d2: {  	[tilespmem:$0x5280] =	vst v11;
	v10, _, _ =	vpop (xrf2);
	(xrf2) =	vadd.scan.msk.f32 $0xffff, v9  }
0x1d3: {  	v9, _, _ =	vpop (xrf2);
	[tilespmem:$0x5300] =	vst v10  }
0x1d4: {  	v10, _, _ =	vpop (xrf2);
	[tilespmem:$0x5380] =	vst v9  }
0x1d5: {  	v9, _, _ =	vpop (xrf2);
	[tilespmem:$0x5400] =	vst v10  }
0x1d6: {  	v10, _, _ =	vpop (xrf2);
	[tilespmem:$0x5480] =	vst v9  }
0x1d7: {  	v9, _, _ =	vpop (xrf2);
	[tilespmem:$0x5500] =	vst v10  }
0x1d8: {  	v10, _, _ =	vpop (xrf2);
	[tilespmem:$0x5580] =	vst v9  }
0x1d9: {  	v9, _, _ =	vpop (xrf2);
	[tilespmem:$0x5600] =	vst v10  }
0x1da: {  	v10, _, _ =	vpop (xrf2);
	[tilespmem:$0x5680] =	vst v9  }
0x1db: {  	v9, _, _ =	vpop (xrf2);
	[tilespmem:$0x5700] =	vst v10  }
0x1dc: {  	s0 =	simm.s32 $0x5080;
	[tilespmem:$0x5780] =	vst v9;
	v9, _, _ =	vpop (xrf2)  }
0x1dd: {  	s2 =	simm.s32 $0x0;
	s20 =	rddreg [dreg:$0xb];
	s21 =	simm.s32 $0x3;
	[tilespmem:$0x5800] =	vst v9  }
0x1de: {  	v10 =	vld.idx.msk [tilespmem:v1+s0+$0x0], $0xffff;
	[tilespmem:s2], [sflag:$0x3] =	stream.linear.gather [hbm4b:s20+s2], $0x10, $0x38  }
0x1df: {  	v22 =	vimm.f32 $0.0e+00;
	v40 =	vimm.f32 $0.0e+00;
	v37 =	vimm.f32 $0.0e+00;
	_ =	swait.ge [sflag:s21], $0x10  }
0x1e0: {  	v23 =	vimm.f32 $0.0e+00;
	v25 =	vimm.f32 $0.0e+00;
	v24 =	vimm.f32 $0.0e+00;
	[sflag:s21] =	ssyncset.done $0x0  }
0x1e1: {  	v26 =	vimm.f32 $0.0e+00;
	v20 =	vimm.f32 $0.0e+00;
	v21 =	vimm.f32 $0.0e+00;
	s29 =	rddreg [dreg:$0xa];
	[sflag:s21] =	ssyncadd.s32 $0xFFFFFFF0  }
0x1e2: {  	v19 =	vimm.f32 $0.0e+00;
	v17 =	vimm.f32 $0.0e+00;
	v18 =	vimm.f32 $0.0e+00;
	v9 =	vld [tilespmem:$0x0];
	[tilespmem:s24], [sflag:$0x1] =	stream.strided.gather [hbm4b:s29+s22], $0x2800, s23, s22, $0x38  }
0x1e3: {  	v16 =	vimm.f32 $0.0e+00;
	v15 =	vimm.f32 $0.0e+00;
	v14 =	vimm.f32 $0.0e+00;
	s0 =	simm.s32 $0x0;
	s30 =	rddreg [dreg:$0xc]  }
0x1e4: {  	v13 =	vimm.f32 $0.0e+00;
	v12 =	vimm.f32 $0.0e+00;
	v11 =	vimm.f32 $0.0e+00;
	[tilespmem:s25], [sflag:$0x2] =	stream.strided.gather [hbm4b:s30+s22], $0x2800, s23, s22, $0x38;
	[tilespmem:$0x5900] =	vst v63  }
.LBB2_16:
0x1e5: {  	_ =	swait.ge [sflag:s26], $0x2800;
	s3 =	sand.u32 $0x60, s2;
	s6 =	sand.u32 $0x1C00, s2  }
0x1e6: {  	s4 =	sor.u32 s2, s2;
	[sflag:s26] =	ssyncset.done $0x0;
	s5 =	sor.u32 $0x80, s6  }
0x1e7: {  	s9 =	sor.u32 $0x380, s4;
	s4 =	sor.u32 $0x10, s3;
	[sflag:s26] =	ssyncadd.s32 $0xFFFFD800  }
0x1e8: {  	s21 =	sor.u32 s4, s5;
	v33 =	vld [tilespmem:s9+$0x80]  }
0x1e9: {  	v34 =	vld [tilespmem:s21+$0x0]  }
0x1ea: {  	v41 =	vld [tilespmem:s21+$0x80]  }
0x1eb: {  	v44 =	vld [tilespmem:s21+$0x100]  }
0x1ec: {  	v47 =	vld [tilespmem:s21+$0x180]  }
0x1ed: {  	s10 =	sadd.s32 $0x1480, s6;
	v35 =	vld [tilespmem:s21+$0x200]  }
0x1ee: {  	s11 =	sadd.s32 $0x1500, s6;
	s29 =	sor.u32 s4, s10;
	v36 =	vld [tilespmem:s21+$0x280]  }
0x1ef: {  	s13 =	sadd.s32 $0x1580, s6;
	s30 =	sor.u32 s4, s11;
	v28 =	vld [tilespmem:s29+$0x0]  }
0x1f0: {  	s15 =	sadd.s32 $0x1600, s6;
	s16 =	sor.u32 s4, s13;
	v30 =	vld [tilespmem:s30+$0x0]  }
0x1f1: {  	s20 =	sor.u32 s4, s15;
	v31 =	vld [tilespmem:s16+$0x0]  }
0x1f2: {  	s5 =	sor.u32 s3, s5;
	v32 =	vld [tilespmem:s20+$0x0]  }
0x1f3: {  	v39 =	vld [tilespmem:s5+$0x0]  }
0x1f4: {  	v43 =	vld [tilespmem:s5+$0x80]  }
0x1f5: {  	v45 =	vld [tilespmem:s5+$0x100]  }
0x1f6: {  	v48 =	vld [tilespmem:s5+$0x180]  }
0x1f7: {  	v49 =	vld [tilespmem:s5+$0x200]  }
0x1f8: {  	s10 =	sor.u32 s3, s10;
	v50 =	vld [tilespmem:s5+$0x280]  }
0x1f9: {  	s19 =	sadd.s32 $0x1680, s6;
	s11 =	sor.u32 s3, s11;
	s30 =	sand.u32 $0x3, s2;
	v38 =	vld [tilespmem:s10+$0x0]  }
0x1fa: {  	s16 =	sadd.s32 $0x1700, s6;
	s21 =	sor.u32 s4, s19;
	v42 =	vld [tilespmem:s11+$0x0];
	s9 =	sshll.u32 s30, $0x5  }
0x1fb: {  	v27 =	vld [tilespmem:s21+$0x0];
	s29 =	sor.u32 s4, s16;
	s9 =	sadd.s32 $0x0, s9  }
0x1fc: {  	v29 =	vld [tilespmem:s29+$0x0];
	s20 =	sor.u32 $0x300, s9;
	s21 =	sadd.s32 $0x10, s9  }
0x1fd: {  	v46 =	vld [tilespmem:s20+$0x80];
	s9 =	sor.u32 $0x300, s21;
	v26 =	vadd.f32 v39, v26;
	v24 =	vadd.f32 v43, v24  }
0x1fe: {  	s5 =	sor.u32 $0x380, s21;
	v25 =	vadd.f32 v45, v25;
	v48 =	vadd.f32 v48, v23;
	v39 =	vld [tilespmem:s9+$0x80]  }
0x1ff: {  	s29 =	sor.u32 s3, s13;
	v45 =	vld [tilespmem:s5+$0x80];
	v23 =	vadd.f32 v34, v26;
	v24 =	vadd.f32 v41, v24  }
0x200: {  	s19 =	sor.u32 s3, s19;
	s30 =	sor.u32 s3, s15;
	v43 =	vld [tilespmem:s29+$0x0];
	v25 =	vadd.f32 v44, v25;
	v26 =	vadd.f32 v47, v48  }
0x201: {  	s11 =	simm.s32 $0x0;
	s15 =	simm.s32 $0x0;
	s9 =	simm.s32 $0x20;
	v47 =	vadd.f32 v49, v37;
	v48 =	vadd.f32 v50, v40;
	v44 =	vld [tilespmem:s30+$0x0]  }
.LBB2_17:
0x202: {  	p0 =	sne.s32 s9, $0x260;
	v21 =	vadd.f32 v46, v21;
	v22 =	vadd.f32 v33, v22;
	v34 =	vld [tilespmem:s19+$0x0];
	s5 =	sor.u32 s3, s16;
	s10 =	sadd.s32 $0x1780, s6  }
0x203: {  	s13 =	sadd.s32 $0x1800, s6;
	v37 =	vld [tilespmem:s5+$0x0];
	s5 =	sor.u32 s3, s10;
	v40 =	vadd.f32 v35, v47;
	v41 =	vadd.f32 v36, v48  }
0x204: {  	v35 =	vld [tilespmem:s5+$0x0];
	s5 =	sor.u32 s3, s13;
	v21 =	vadd.f32 v39, v21;
	v22 =	vadd.f32 v45, v22  }
0x205: {  	v20 =	vadd.f32 v38, v20;
	v19 =	vadd.f32 v42, v19;
	s11 =	sadd.s32 $0x100, s11;
	s3 =	sand.u32 $0x60, s9;
	v36 =	vld [tilespmem:s5+$0x0];
	s5 =	sor.u32 s4, s10  }
0x206: {  	s6 =	sand.u32 $0x1C00, s11;
	s10 =	sor.u32 s11, s9;
	v18 =	vadd.f32 v43, v18;
	v17 =	vadd.f32 v44, v17;
	v38 =	vld [tilespmem:s5+$0x0];
	s5 =	sor.u32 s4, s13  }
0x207: {  	v20 =	vadd.f32 v28, v20;
	v19 =	vadd.f32 v30, v19;
	s13 =	sor.u32 $0x80, s6;
	s10 =	sor.u32 $0x380, s10;
	s4 =	sor.u32 $0x10, s3;
	v28 =	vld [tilespmem:s5+$0x0]  }
0x208: {  	s5 =	sor.u32 s4, s13;
	v18 =	vadd.f32 v31, v18;
	v33 =	vld [tilespmem:s10+$0x80];
	v17 =	vadd.f32 v32, v17  }
0x209: {  	v16 =	vadd.f32 v34, v16;
	v15 =	vadd.f32 v37, v15;
	v43 =	vld [tilespmem:s5+$0x0]  }
0x20a: {  	v14 =	vadd.f32 v35, v14;
	v34 =	vld [tilespmem:s5+$0x80];
	v13 =	vadd.f32 v36, v13  }
0x20b: {  	v16 =	vadd.f32 v27, v16;
	v15 =	vadd.f32 v29, v15;
	v37 =	vld [tilespmem:s5+$0x100]  }
0x20c: {  	v14 =	vadd.f32 v38, v14;
	v44 =	vld [tilespmem:s5+$0x180];
	v13 =	vadd.f32 v28, v13  }
0x20d: {  	s10 =	sadd.s32 $0x1480, s6;
	v35 =	vld [tilespmem:s5+$0x200]  }
0x20e: {  	s19 =	sadd.s32 $0x1500, s6;
	v36 =	vld [tilespmem:s5+$0x280];
	s5 =	sor.u32 s4, s10  }
0x20f: {  	s20 =	sadd.s32 $0x1580, s6;
	v28 =	vld [tilespmem:s5+$0x0];
	s5 =	sor.u32 s4, s19  }
0x210: {  	s21 =	sadd.s32 $0x1600, s6;
	v30 =	vld [tilespmem:s5+$0x0];
	s5 =	sor.u32 s4, s20  }
0x211: {  	s29 =	sadd.s32 $0x1680, s6;
	v31 =	vld [tilespmem:s5+$0x0];
	s5 =	sor.u32 s4, s21  }
0x212: {  	s16 =	sadd.s32 $0x1700, s6;
	v32 =	vld [tilespmem:s5+$0x0];
	s5 =	sor.u32 s4, s29  }
0x213: {  	v27 =	vld [tilespmem:s5+$0x0];
	s5 =	sor.u32 s4, s16  }
0x214: {  	s13 =	sor.u32 s3, s13;
	v29 =	vld [tilespmem:s5+$0x0]  }
0x215: {  	v39 =	vld [tilespmem:s13+$0x0]  }
0x216: {  	v45 =	vld [tilespmem:s13+$0x80]  }
0x217: {  	v47 =	vld [tilespmem:s13+$0x100]  }
0x218: {  	s15 =	sadd.s32 $0x1, s15;
	v48 =	vld [tilespmem:s13+$0x180]  }
0x219: {  	s5 =	sand.u32 $0x3, s15;
	v49 =	vld [tilespmem:s13+$0x200]  }
0x21a: {  	s10 =	sor.u32 s3, s10;
	s5 =	sshll.u32 s5, $0x5;
	v50 =	vld [tilespmem:s13+$0x280]  }
0x21b: {  	s5 =	sadd.s32 s5, s11;
	v38 =	vld [tilespmem:s10+$0x0];
	s10 =	sor.u32 s3, s19  }
0x21c: {  	s13 =	sor.u32 $0x300, s5;
	s5 =	sadd.s32 $0x10, s5;
	v42 =	vld [tilespmem:s10+$0x0]  }
.Ltmp10:
0x21d: {  	v23 =	vadd.f32 v39, v23;
	v24 =	vadd.f32 v45, v24;
	s10 =	sor.u32 $0x300, s5;
	v46 =	vld [tilespmem:s13+$0x80];
	(pc) =	sbr.rel @p0 .LBB2_17-.Ltmp10, $4  }
0x21e: {  	v25 =	vadd.f32 v47, v25;
	s5 =	sor.u32 $0x380, s5;
	v26 =	vadd.f32 v48, v26;
	v39 =	vld [tilespmem:s10+$0x80]  }
0x21f: {  	v23 =	vadd.f32 v43, v23;
	v24 =	vadd.f32 v34, v24;
	s10 =	sor.u32 s3, s20;
	v45 =	vld [tilespmem:s5+$0x80]  }
0x220: {  	v25 =	vadd.f32 v37, v25;
	s5 =	sor.u32 s3, s21;
	v26 =	vadd.f32 v44, v26;
	v43 =	vld [tilespmem:s10+$0x0]  }
0x221: {  	s9 =	sadd.s32 $0x20, s9;
	s19 =	sor.u32 s3, s29;
	v47 =	vadd.f32 v49, v40;
	v48 =	vadd.f32 v50, v41;
	v44 =	vld [tilespmem:s5+$0x0]  }
0x222: {  	s30 =	sshll.u32 s0, $0x1  }
0x223: {  	v49 =	vmov s30  }
0x224: {  	v34 =	vmul.u32 $0xFFFFFD80, v49;
	_ =	sdelay $0x1  }
0x225: {  	v50 =	vadd.s32 v9, v34  }
0x226: {  	vm0 =	vgt.s32 v50, $0x0  }
0x227: {  	v34 =	vnsel vm0, $0x0, v50  }
0x228: {  	v34 =	vmin.u32 v34, $0x27F  }
0x229: {  	v37 =	vshll.u32 v34, $0x3  }
0x22a: {  	v51 =	vld [tilespmem:s19+$0x0];
	v34 =	vand.u32 $0x7F, v34;
	v37 =	vand.u32 $0x1C00, v37  }
0x22b: {  	s5 =	sor.u32 s3, s16;
	s9 =	sadd.s32 $0x1780, s6;
	p0 =	seq.s32 s0, $0x18;
	v58 =	vld.idx.msk [tilespmem:v0+s24+$0x0], $0xffff;
	v34 =	vor.u32 v34, v37  }
0x22c: {  	s10 =	sadd.s32 $0x1800, s6;
	v52 =	vld [tilespmem:s5+$0x0];
	s29 =	sor.u32 s3, s9;
	s5 =	smul.u32 @!p0 $0x2800, s0;
	v34 =	vadd.s32 v0, v34  }
0x22d: {  	s11 =	sor.u32 s3, s10;
	s13 =	sor.u32 s4, s9;
	v53 =	vld [tilespmem:s29+$0x0]  }
0x22e: {  	s15 =	sor.u32 s4, s10;
	s9 =	simm.s32 $0x0;
	v54 =	vld [tilespmem:s11+$0x0];
	s4 =	sadd.s32 @!p0 s5, s17  }
0x22f: {  	s6 =	simm.s32 @!p0 $0x80;
	v55 =	vld [tilespmem:s13+$0x0];
	s16 =	sor.u32 s9, s9;
	s3 =	sshrl.u32 @!p0 s4, $0x3  }
0x230: {  	v56 =	vld [tilespmem:s15+$0x0];
	s5 =	simm.s32 @!p0 $0x3E800;
	s4 =	simm.s32 @!p0 $0x1400;
	s3 =	sadd.s32 @!p0 s1, s3  }
0x231: {  	v57 =	vld.idx.msk [tilespmem:v34+s24+$0x0], $0xffff;
	[tilespmem:s6], [sflag:$0x1] =	stream.strided.gather @!p0 [hbm4b:s3+s4], $0x2800, s5, s4, $0x38  }
0x232: {  	s10 =	sor.u32 $0x380, s16;
	_ =	swait.ge [sflag:s28], $0x2800  }
0x233: {  	s4 =	sand.u32 $0x60, s9;
	s6 =	sand.u32 $0x1C00, s9;
	[sflag:s28] =	ssyncset.done $0x0  }
0x234: {  	s5 =	sadd.s32 $0x2880, s6;
	s3 =	sor.u32 $0x10, s4;
	[sflag:s28] =	ssyncadd.s32 $0xFFFFD800  }
0x235: {  	s19 =	sor.u32 s3, s5;
	v37 =	vld [tilespmem:s10+$0x2880]  }
0x236: {  	v59 =	vld [tilespmem:s19+$0x0]  }
0x237: {  	v60 =	vld [tilespmem:s19+$0x80]  }
0x238: {  	v61 =	vld [tilespmem:s19+$0x100]  }
0x239: {  	v62 =	vld [tilespmem:s19+$0x180]  }
0x23a: {  	s13 =	sadd.s32 $0x3C80, s6;
	v40 =	vld [tilespmem:s19+$0x200]  }
0x23b: {  	s20 =	sadd.s32 $0x3D00, s6;
	s21 =	sor.u32 s3, s13;
	v41 =	vld [tilespmem:s19+$0x280]  }
0x23c: {  	s16 =	sadd.s32 $0x3D80, s6;
	s29 =	sor.u32 s3, s20;
	v34 =	vld [tilespmem:s21+$0x0]  }
0x23d: {  	v63 =	vadd.f32 v33, v22;
	v19 =	vadd.f32 v42, v19;
	s11 =	sor.u32 s3, s16;
	v33 =	vld [tilespmem:s29+$0x0]  }
0x23e: {  	v48 =	vadd.f32 v36, v48;
	v18 =	vadd.f32 v43, v18;
	s5 =	sor.u32 s4, s5;
	v36 =	vld [tilespmem:s11+$0x0]  }
0x23f: {  	v19 =	vadd.f32 v30, v19;
	v30 =	vld [tilespmem:s5+$0x0]  }
0x240: {  	v20 =	vadd.f32 v38, v20;
	v18 =	vadd.f32 v31, v18;
	v31 =	vld [tilespmem:s5+$0x80]  }
0x241: {  	v21 =	vadd.f32 v46, v21;
	v16 =	vadd.f32 v51, v16;
	v51 =	vld [tilespmem:s5+$0x100]  }
0x242: {  	v20 =	vadd.f32 v28, v20;
	v28 =	vadd.f32 v53, v14;
	v53 =	vld [tilespmem:s5+$0x180]  }
0x243: {  	v15 =	vadd.f32 v52, v15;
	v52 =	vadd.f32 v54, v13;
	v54 =	vld [tilespmem:s5+$0x200]  }
0x244: {  	v22 =	vadd.f32 v39, v21;
	v21 =	vadd.f32 v45, v63;
	s15 =	sadd.s32 $0x3E80, s6;
	s13 =	sor.u32 s4, s13;
	v63 =	vld [tilespmem:s5+$0x280]  }
0x245: {  	v17 =	vadd.f32 v44, v17;
	v13 =	vadd.f32 v27, v16;
	s19 =	sadd.s32 $0x3E00, s6;
	s29 =	sor.u32 s3, s15;
	v27 =	vld [tilespmem:s13+$0x0]  }
0x246: {  	v47 =	vadd.f32 v35, v47;
	vm1 =	veq.s32 v49, $0x0;
	vm15 =	vlt.u32 v50, $0x280;
	s11 =	sadd.s32 $0x3F00, s6;
	s21 =	sor.u32 s3, s19;
	v35 =	vld [tilespmem:s29+$0x0];
	s29 =	sand.u32 $0x3, s9  }
0x247: {  	v17 =	vadd.f32 v32, v17;
	v14 =	vadd.f32 v29, v15;
	v29 =	vnsel vm1, $0x0, v58;
	v39 =	vld [tilespmem:s21+$0x0];
	s21 =	sor.u32 s3, s11;
	s10 =	sshll.u32 s29, $0x5  }
0x248: {  	v15 =	vadd.f32 v55, v28;
	v16 =	vadd.f32 v56, v52;
	v28 =	vnsel vm15, $0x0, v57;
	v38 =	vld [tilespmem:s21+$0x0];
	s10 =	sadd.s32 $0x0, s10;
	s21 =	sor.u32 s4, s20  }
0x249: {  	v11 =	vadd.f32 v29, v11;
	v12 =	vadd.f32 v28, v12;
	s29 =	sor.u32 $0x300, s10;
	v28 =	vld [tilespmem:s21+$0x0];
	s20 =	sadd.s32 $0x10, s10  }
0x24a: {  	v23 =	vadd.f32 v30, v23;
	v24 =	vadd.f32 v31, v24;
	v42 =	vld [tilespmem:s29+$0x2880];
	s10 =	sor.u32 $0x300, s20  }
0x24b: {  	v25 =	vadd.f32 v51, v25;
	v31 =	vadd.f32 v53, v26;
	s5 =	sor.u32 $0x380, s20;
	v30 =	vld [tilespmem:s10+$0x2880]  }
0x24c: {  	s21 =	sor.u32 s4, s16;
	v44 =	vadd.f32 v54, v47;
	v43 =	vadd.f32 v63, v48;
	v32 =	vld [tilespmem:s5+$0x2880]  }
0x24d: {  	v29 =	vld [tilespmem:s21+$0x0];
	s29 =	sor.u32 s4, s19;
	v26 =	vadd.f32 v59, v23;
	v24 =	vadd.f32 v60, v24  }
0x24e: {  	s16 =	simm.s32 $0x0;
	s19 =	sor.u32 s4, s15;
	s15 =	simm.s32 $0x20;
	v25 =	vadd.f32 v61, v25;
	v23 =	vadd.f32 v62, v31;
	v31 =	vld [tilespmem:s29+$0x0]  }
.LBB2_19:
0x24f: {  	p1 =	sne.s32 s15, $0x260;
	v22 =	vadd.f32 v42, v22;
	v21 =	vadd.f32 v37, v21;
	v42 =	vld [tilespmem:s19+$0x0];
	s5 =	sor.u32 s4, s11;
	s10 =	sadd.s32 $0x3F80, s6  }
0x250: {  	s11 =	sor.u32 $0x4000, s6;
	v45 =	vld [tilespmem:s5+$0x0];
	s5 =	sor.u32 s4, s10;
	v44 =	vadd.f32 v40, v44;
	v43 =	vadd.f32 v41, v43  }
0x251: {  	v40 =	vld [tilespmem:s5+$0x0];
	s5 =	sor.u32 s4, s11;
	v22 =	vadd.f32 v30, v22;
	v21 =	vadd.f32 v32, v21  }
0x252: {  	v20 =	vadd.f32 v27, v20;
	v19 =	vadd.f32 v28, v19;
	s9 =	sadd.s32 $0x100, s9;
	s4 =	sand.u32 $0x60, s15;
	v27 =	vld [tilespmem:s5+$0x0];
	s5 =	sor.u32 s3, s10  }
0x253: {  	s6 =	sand.u32 $0x1C00, s9;
	s10 =	sor.u32 s9, s15;
	v18 =	vadd.f32 v29, v18;
	v17 =	vadd.f32 v31, v17;
	v28 =	vld [tilespmem:s5+$0x0];
	s5 =	sor.u32 s3, s11  }
0x254: {  	s13 =	sadd.s32 $0x2880, s6;
	v20 =	vadd.f32 v34, v20;
	v19 =	vadd.f32 v33, v19;
	s10 =	sor.u32 $0x380, s10;
	s3 =	sor.u32 $0x10, s4;
	v29 =	vld [tilespmem:s5+$0x0]  }
0x255: {  	s5 =	sor.u32 s3, s13;
	v18 =	vadd.f32 v36, v18;
	v37 =	vld [tilespmem:s10+$0x2880];
	v17 =	vadd.f32 v39, v17  }
0x256: {  	v13 =	vadd.f32 v42, v13;
	v14 =	vadd.f32 v45, v14;
	v31 =	vld [tilespmem:s5+$0x0]  }
0x257: {  	v15 =	vadd.f32 v40, v15;
	v32 =	vld [tilespmem:s5+$0x80];
	v16 =	vadd.f32 v27, v16  }
0x258: {  	v13 =	vadd.f32 v35, v13;
	v14 =	vadd.f32 v38, v14;
	v45 =	vld [tilespmem:s5+$0x100]  }
0x259: {  	v15 =	vadd.f32 v28, v15;
	v46 =	vld [tilespmem:s5+$0x180];
	v16 =	vadd.f32 v29, v16  }
0x25a: {  	s10 =	sadd.s32 $0x3C80, s6;
	v40 =	vld [tilespmem:s5+$0x200]  }
0x25b: {  	s19 =	sadd.s32 $0x3D00, s6;
	v41 =	vld [tilespmem:s5+$0x280];
	s5 =	sor.u32 s3, s10  }
0x25c: {  	s20 =	sadd.s32 $0x3D80, s6;
	v34 =	vld [tilespmem:s5+$0x0];
	s5 =	sor.u32 s3, s19  }
0x25d: {  	s21 =	sadd.s32 $0x3E00, s6;
	v33 =	vld [tilespmem:s5+$0x0];
	s5 =	sor.u32 s3, s20  }
0x25e: {  	s29 =	sadd.s32 $0x3E80, s6;
	v36 =	vld [tilespmem:s5+$0x0];
	s5 =	sor.u32 s3, s21  }
0x25f: {  	s11 =	sadd.s32 $0x3F00, s6;
	v39 =	vld [tilespmem:s5+$0x0];
	s5 =	sor.u32 s3, s29  }
0x260: {  	v35 =	vld [tilespmem:s5+$0x0];
	s5 =	sor.u32 s3, s11  }
0x261: {  	s13 =	sor.u32 s4, s13;
	v38 =	vld [tilespmem:s5+$0x0]  }
0x262: {  	v29 =	vld [tilespmem:s13+$0x0]  }
0x263: {  	v30 =	vld [tilespmem:s13+$0x80]  }
0x264: {  	v47 =	vld [tilespmem:s13+$0x100]  }
0x265: {  	s16 =	sadd.s32 $0x1, s16;
	v48 =	vld [tilespmem:s13+$0x180]  }
0x266: {  	s5 =	sand.u32 $0x3, s16;
	v49 =	vld [tilespmem:s13+$0x200]  }
0x267: {  	s10 =	sor.u32 s4, s10;
	s5 =	sshll.u32 s5, $0x5;
	v50 =	vld [tilespmem:s13+$0x280]  }
0x268: {  	s5 =	sadd.s32 s5, s9;
	v27 =	vld [tilespmem:s10+$0x0];
	s10 =	sor.u32 s4, s19  }
0x269: {  	s13 =	sor.u32 $0x300, s5;
	s5 =	sadd.s32 $0x10, s5;
	v28 =	vld [tilespmem:s10+$0x0]  }
.Ltmp11:
0x26a: {  	v26 =	vadd.f32 v29, v26;
	v24 =	vadd.f32 v30, v24;
	s10 =	sor.u32 $0x300, s5;
	v42 =	vld [tilespmem:s13+$0x2880];
	(pc) =	sbr.rel @p1 .LBB2_19-.Ltmp11, $4  }
0x26b: {  	v25 =	vadd.f32 v47, v25;
	s5 =	sor.u32 $0x380, s5;
	v23 =	vadd.f32 v48, v23;
	v30 =	vld [tilespmem:s10+$0x2880]  }
0x26c: {  	v26 =	vadd.f32 v31, v26;
	v24 =	vadd.f32 v32, v24;
	s10 =	sor.u32 s4, s20;
	v32 =	vld [tilespmem:s5+$0x2880]  }
0x26d: {  	v25 =	vadd.f32 v45, v25;
	s5 =	sor.u32 s4, s21;
	v23 =	vadd.f32 v46, v23;
	v29 =	vld [tilespmem:s10+$0x0]  }
0x26e: {  	s15 =	sadd.s32 $0x20, s15;
	s19 =	sor.u32 s4, s29;
	v44 =	vadd.f32 v49, v44;
	v43 =	vadd.f32 v50, v43;
	v31 =	vld [tilespmem:s5+$0x0]  }
0x26f: {  	s5 =	sor.u32 $0x1, s30  }
0x270: {  	v45 =	vmov s5  }
0x271: {  	v45 =	vmul.u32 $0xFFFFFD80, v45;
	_ =	sdelay $0x1  }
0x272: {  	v45 =	vbroadcast v45, $0x0;
	_ =	sdelay $0x1  }
0x273: {  	v45 =	vadd.s32 v9, v45  }
0x274: {  	vm0 =	vgt.s32 v45, $0x0  }
0x275: {  	v46 =	vnsel vm0, $0x0, v45  }
0x276: {  	v46 =	vmin.u32 v46, $0x27F  }
0x277: {  	v47 =	vshll.u32 v46, $0x3  }
0x278: {  	v46 =	vand.u32 $0x7F, v46;
	v47 =	vand.u32 $0x1C00, v47  }
0x279: {  	v46 =	vor.u32 v46, v47  }
0x27a: {  	v22 =	vadd.f32 v42, v22;
	v56 =	vld [tilespmem:s19+$0x0];
	s16 =	sor.u32 s4, s11;
	s9 =	sadd.s32 $0x3F80, s6;
	v46 =	vadd.s32 v0, v46  }
0x27b: {  	v57 =	vadd.f32 v37, v21;
	s20 =	sor.u32 $0x4000, s6;
	v20 =	vadd.f32 v27, v20;
	v58 =	vld [tilespmem:s16+$0x0];
	s19 =	sor.u32 s4, s9  }
0x27c: {  	v19 =	vadd.f32 v28, v19;
	v37 =	vadd.f32 v40, v44;
	s21 =	sor.u32 s4, s20;
	v59 =	vld [tilespmem:s19+$0x0]  }
0x27d: {  	v40 =	vadd.f32 v41, v43;
	s29 =	sor.u32 s3, s9;
	v21 =	vadd.f32 v30, v22;
	v27 =	vld [tilespmem:s21+$0x0]  }
0x27e: {  	v22 =	vadd.f32 v32, v57;
	v60 =	vld [tilespmem:s29+$0x0];
	v18 =	vadd.f32 v29, v18  }
0x27f: {  	s30 =	sor.u32 s3, s20;
	v20 =	vadd.f32 v34, v20;
	v17 =	vadd.f32 v31, v17;
	v61 =	vld.idx.msk [tilespmem:v46+s25+$0x0], $0xffff  }
0x280: {  	v19 =	vadd.f32 v33, v19;
	v62 =	vld [tilespmem:s30+$0x0];
	v18 =	vadd.f32 v36, v18  }
.Ltmp12:
0x281: {  	v13 =	vadd.f32 v56, v13;
	v17 =	vadd.f32 v39, v17;
	(pc) =	sbr.rel @p0 .LBB2_22-.Ltmp12, $4  }
0x282: {  	v14 =	vadd.f32 v58, v14;
	v30 =	vadd.f32 v59, v15  }
0x283: {  	v27 =	vadd.f32 v27, v16;
	v16 =	vadd.f32 v35, v13;
	vm15 =	vlt.u32 v45, $0x280  }
0x284: {  	v15 =	vadd.f32 v38, v14;
	v14 =	vadd.f32 v60, v30;
	v63 =	vnsel vm15, $0x0, v61  }
0x285: {  	v13 =	vadd.f32 v62, v27;
	v12 =	vadd.f32 v63, v12  }
0x286: {  	s3 =	smul.u32 $0x2800, s0  }
.Ltmp13:
0x287: {  	_ = 	snop;
	(pc) =	sbr.rel .LBB2_16-.Ltmp13, $4  }
0x288: {  	s3 =	sadd.s32 s3, s18  }
0x289: {  	s3 =	sshrl.u32 s3, $0x3  }
0x28a: {  	s0 =	sadd.s32 $0x1, s0;
	s3 =	sadd.s32 s1, s3  }
0x28b: {  	[tilespmem:s25], [sflag:$0x2] =	stream.strided.gather [hbm4b:s3+s22], $0x2800, s23, s22, $0x38;
	[tilespmem:$0x5900] =	vst v63  }
.LBB2_23:
0x28c: {  	_ =	sfence.sel $0x180000  }
0x28d: {  	[bflag:$0x0] =	sbarrier.arrive $0xFFFF  }
0x28e: {  	_ =	strace $0x90000047  }
0x28f: {  	s0 =	stileid.u32;
	[bflag:$0x2] =	sbarrier.arrive $0xFFFF  }
0x290: {  	p0 =	sne.s32 s0, $0x0;
	s0 =	rddreg [dreg:$0x3]  }
0x291: {  	s0 =	sadd.s32 @!p0 $0x100000, s0  }
0x292: {  	[sflag:s0] =	ssyncadd.tile.s32 @!p0 $0x1;
	_ =	shalt  }
.Lfunc_end2:
_tile_overlayer_lowered:
.L_overlay_start_2:
0x293: {  	(tag) =	ssettag $0x2  }
0x294: {  	s0 =	rddreg [dreg:$0x0];
	s2 =	stileid.u32  }
0x295: {  	s1 =	rddreg [dreg:$0x1];
	p0 =	sne.s32 s2, $0x0  }
0x296: {  	s3 =	rddreg [dreg:$0x2];
	[bflag:$0x3] =	sbarrier.arrive $0xFFFF;
	s2 =	simm.s32 @!p0 $0x1C03  }
0x297: {  	[timem:s3], [sflag:s2] =	dma.local @!p0 [hbm:s0], s1  }
0x298: {  	s0 =	simm.s32 @!p0 $0x3  }
0x299: {  	_ =	swait.ge @!p0 [sflag:s0], s1  }
0x29a: {  	s1 =	ssub.s32 @!p0 $0x0, s1;
	[sflag:s0] =	ssyncset.done @!p0 $0x0  }
0x29b: {  	[sflag:s0] =	ssyncadd.s32 @!p0 s1  }
0x29c: {  	[bflag:$0x3] =	sbarrier.arrive $0xFFFF  }
0x29d: {  	_ =	shalt  }

</sc_bundles>
